<compile_context>
chip_gen: v7x
topology: tpu7x:2x2x1
jax: 0.10.2.dev20260603
libtpu: 0.0.44.dev20260713+nightly
codegen_flags: <defaults>
</compile_context>

<pallas_src>
import functools

import jax
import jax.numpy as jnp
from jax import lax
from jax.experimental import pallas as pl
from jax.experimental.pallas import tpu as pltpu
from jax.experimental.pallas import tpu_sc as plsc

BATCH = 16384
FEAT = 64
LANES = 16
NUM_CORES = 2
NUM_SUBCORES = 16
NUM_WORKERS = NUM_CORES * NUM_SUBCORES
BPW = BATCH // NUM_WORKERS
CHB = 128
NCH = BPW // CHB
VECS_PER_ROW = FEAT // LANES


def _body(feat_hbm, lab_hbm, cent_hbm, out_hbm, idx_v, blk_v, feat_v,
          acc_v, gsems, fsem):
    wid = lax.axis_index("s") * NUM_CORES + lax.axis_index("c")
    base = wid * BPW
    pltpu.sync_copy(lab_hbm.at[pl.ds(base, BPW)], idx_v)
    fcopy = pltpu.async_copy(feat_hbm.at[pl.ds(base, BPW), :], feat_v, fsem)

    def fire(c, buf):
        def issue(v, _):
            labv = idx_v[pl.ds(c * CHB + v * LANES, LANES)]
            for k in range(LANES):
                pltpu.async_copy(cent_hbm.at[labv[k]],
                                 blk_v.at[buf, v * LANES + k],
                                 gsems.at[buf])
            return 0
        lax.fori_loop(0, CHB // LANES, issue, 0)

    def drain(buf):
        pltpu.make_async_copy(cent_hbm.at[pl.ds(0, CHB), :],
                              blk_v.at[buf], gsems.at[buf]).wait()

    def compute(c, buf, accs):
        def row(i, a):
            g = c * CHB + i
            out = []
            for l in range(VECS_PER_ROW):
                d = (feat_v[g, pl.ds(l * LANES, LANES)]
                     - blk_v[buf, i, pl.ds(l * LANES, LANES)])
                out.append(a[l] + d * d)
            return tuple(out)
        return lax.fori_loop(0, CHB, row, accs)

    zero = jnp.zeros((LANES,), jnp.float32)
    accs = (zero,) * VECS_PER_ROW
    fire(0, 0)
    fire(1, 1)
    fcopy.wait()
    for c in range(NCH):
        drain(c % 2)
        accs = compute(c, c % 2, accs)
        if c + 2 < NCH:
            fire(c + 2, c % 2)

    total = accs[0] + accs[1] + accs[2] + accs[3]
    acc_v[...] = total
    pltpu.sync_copy(acc_v, out_hbm.at[wid])


@functools.partial(jax.jit, static_argnames=())
def _center_loss(features, labels, centers):
    labels = labels.astype(jnp.int32)
    kern = pl.kernel(
        _body,
        out_type=jax.ShapeDtypeStruct((NUM_WORKERS, LANES), jnp.float32),
        mesh=plsc.VectorSubcoreMesh(core_axis_name="c", subcore_axis_name="s"),
        scratch_types=[
            pltpu.VMEM((BPW,), jnp.int32),
            pltpu.VMEM((2, CHB, FEAT), jnp.float32),
            pltpu.VMEM((BPW, FEAT), jnp.float32),
            pltpu.VMEM((LANES,), jnp.float32),
            pltpu.SemaphoreType.DMA((2,)),
            pltpu.SemaphoreType.DMA,
        ],
    )
    partials = kern(features, labels, centers)
    return jnp.sum(partials) / BATCH


def kernel(features, labels, centers):
    return _center_loss(features, labels, centers)

# --- scband reference (transcript-rebuilt; emitter-appended) ---
"""Pipeline reference for scband-center-loss-35682588295690 (READ-ONLY COPY).

The authoritative reference and input builder live on the scoring server;
editing this copy changes nothing except your own understanding.
"""

import jax, jax.numpy as jnp
import numpy as np

NUM_CLASSES = 1000000
FEAT_DIM = 64
BATCH = 16384

def setup_inputs(seed: int = 0) -> dict:
    key = jax.random.key(seed)
    k1, k2, k3 = jax.random.split(key, 3)
    features = jax.random.normal(k1, (BATCH, FEAT_DIM), dtype=jnp.float32)
    labels = jax.random.randint(k2, (BATCH,), 0, NUM_CLASSES, dtype=jnp.int64)
    centers = jax.random.normal(k3, (NUM_CLASSES, FEAT_DIM), dtype=jnp.float32)
    return {"features": features, "labels": labels, "centers": centers}

def reference(features, labels, centers):
    centers_batch = jnp.take(centers, labels, axis=0)
    diff = features - centers_batch
    loss = jnp.sum(diff ** 2) / features.shape[0]
    return loss

if __name__ == "__main__":
    import jax
    _d = setup_inputs()
    print(jax.jit(kernel)(*tuple(_d.values())))

</pallas_src>

<mosaic_0001>
#map = affine_map<(d0, d1) -> (0, 0)>
#map1 = affine_map<(d0, d1) -> (0)>
module attributes {stable_mosaic.version = 14 : i64} {
  func.func @_body(%arg0: i32, %arg1: i32, %arg2: memref<16384x64xf32, #tpu.memory_space<hbm>>, %arg3: memref<16384xi32, #tpu.memory_space<hbm>>, %arg4: memref<1000000x64xf32, #tpu.memory_space<hbm>>, %arg5: memref<32x16xf32, #tpu.memory_space<hbm>>, %arg6: memref<512xi32, #tpu.memory_space<vmem>>, %arg7: memref<2x128x64xf32, #tpu.memory_space<vmem>>, %arg8: memref<512x64xf32, #tpu.memory_space<vmem>>, %arg9: memref<16xf32, #tpu.memory_space<vmem>>, %arg10: memref<2x!tpu.dma_semaphore, #tpu.memory_space<semaphore_mem>>, %arg11: memref<!tpu.dma_semaphore, #tpu.memory_space<semaphore_mem>>) attributes {dimension_semantics = [#tpu.dimension_semantics<core_parallel>, #tpu.dimension_semantics<subcore_parallel>], iteration_bounds = array<i64: 2, 16>, scalar_prefetch = 0 : i64, scratch_operands = 6 : i64, tpu.core_type = #tpu.core_type<sc_vector_subcore>, window_params = [{transform_indices = #map}, {transform_indices = #map1}, {transform_indices = #map}, {transform_indices = #map}]} {
    %mul3A = arith.constant 2 : i32
    %mul3A_0 = arith.muli %arg1, %mul3A : i32
    %add3A = arith.addi %mul3A_0, %arg0 : i32
    %mul3A_1 = arith.constant 512 : i32
    %mul3A_2 = arith.muli %add3A, %mul3A_1 : i32
    "tpu.region"() ({
      %run_scoped3A = tpu.sem_alloc : memref<!tpu.dma_semaphore, #tpu.memory_space<semaphore_mem>>
      %dma_start3A_139 = tpu.memref_slice %arg3[%mul3A_2] : memref<16384xi32, #tpu.memory_space<hbm>> -> memref<512xi32, #tpu.memory_space<hbm>>
      %dma_start3A_140 = tpu.memref_slice %arg3[%mul3A_2] : memref<16384xi32, #tpu.memory_space<hbm>> -> memref<512xi32, #tpu.memory_space<hbm>>
      tpu.enqueue_dma source(%dma_start3A_140 : memref<512xi32, #tpu.memory_space<hbm>>) target(%arg6 : memref<512xi32, #tpu.memory_space<vmem>>) target_semaphore(%run_scoped3A : memref<!tpu.dma_semaphore, #tpu.memory_space<semaphore_mem>>)
      %dma_wait3A_141 = tpu.memref_slice %arg3[%mul3A_2] : memref<16384xi32, #tpu.memory_space<hbm>> -> memref<512xi32, #tpu.memory_space<hbm>>
      %dma_wait3A_142 = tpu.memref_slice %arg3[%mul3A_2] : memref<16384xi32, #tpu.memory_space<hbm>> -> memref<512xi32, #tpu.memory_space<hbm>>
      tpu.wait_dma2 semaphore(%run_scoped3A : memref<!tpu.dma_semaphore, #tpu.memory_space<semaphore_mem>>) src(%dma_wait3A_142 : memref<512xi32, #tpu.memory_space<hbm>>) dst(%arg6 : memref<512xi32, #tpu.memory_space<vmem>>)
      tpu.yield
    }) : () -> ()
    %dma_start3A = arith.constant 0 : i32
    %dma_start3A_3 = tpu.memref_slice %arg2[%mul3A_2, %dma_start3A] : memref<16384x64xf32, #tpu.memory_space<hbm>> -> memref<512x64xf32, #tpu.memory_space<hbm>>
    %dma_start3A_4 = arith.constant 0 : i32
    %dma_start3A_5 = tpu.memref_slice %arg2[%mul3A_2, %dma_start3A_4] : memref<16384x64xf32, #tpu.memory_space<hbm>> -> memref<512x64xf32, #tpu.memory_space<hbm>>
    tpu.enqueue_dma source(%dma_start3A_5 : memref<512x64xf32, #tpu.memory_space<hbm>>) target(%arg8 : memref<512x64xf32, #tpu.memory_space<vmem>>) target_semaphore(%arg11 : memref<!tpu.dma_semaphore, #tpu.memory_space<semaphore_mem>>)
    %broadcast_in_dim3A = arith.constant 0.000000e+00 : f32
    %broadcast_in_dim3A_6 = vector.broadcast %broadcast_in_dim3A : f32 to vector<16xf32>
    %scan3A = arith.constant 0 : i32
    %scan3A_7 = arith.constant 0 : i32
    %scan3A_8 = arith.constant 8 : i32
    %scan3A_9 = arith.addi %scan3A_7, %scan3A_8 : i32
    %scan3A_10 = arith.constant 1 : i32
    %scan3A_11 = scf.for %scan3A_139 = %scan3A_7 to %scan3A_9 step %scan3A_10 iter_args(%scan3A_140 = %scan3A) -> (i32)  : i32 {
      %mul3A_141 = arith.constant 16 : i32
      %mul3A_142 = arith.muli %scan3A_139, %mul3A_141 : i32
      %add3A_143 = arith.constant 0 : i32
      %add3A_144 = arith.addi %add3A_143, %mul3A_142 : i32
      %get3A = arith.index_cast %add3A_144 : i32 to index
      %get3A_145 = tpu.vector_load %arg6[%get3A] {strides = array<i32>} : memref<512xi32, #tpu.memory_space<vmem>>, vector<16xi32>,
      %get3A_146 = vector.shape_cast %get3A_145 : vector<16xi32> to vector<16xi32>
      %slice3A = vector.extract_strided_slice %get3A_146 {offsets = [0], sizes = [1], strides = [1]} : vector<16xi32> to vector<1xi32>
      %squeeze3A = vector.extract %slice3A[0] : i32 from vector<1xi32>
      %mul3A_147 = arith.constant 16 : i32
      %mul3A_148 = arith.muli %scan3A_139, %mul3A_147 : i32
      %add3A_149 = arith.constant 0 : i32
      %add3A_150 = arith.addi %mul3A_148, %add3A_149 : i32
      %dma_start3A_151 = arith.constant 0 : i32
      %dma_start3A_152 = arith.constant 0 : i32
      %dma_start3A_153 = arith.constant 0 : i32
      %dma_start3A_154 = tpu.memref_slice %arg7[%dma_start3A_151, %add3A_150, %dma_start3A_153] : memref<2x128x64xf32, #tpu.memory_space<vmem>> -> memref<1x1x64xf32, #tpu.memory_space<vmem>>
      %dma_start3A_155 = tpu.memref_squeeze %dma_start3A_154 : memref<1x1x64xf32, #tpu.memory_space<vmem>> -> memref<64xf32, #tpu.memory_space<vmem>>
      %dma_start3A_156 = arith.constant 0 : i32
      %dma_start3A_157 = tpu.memref_slice %arg4[%squeeze3A, %dma_start3A_156] : memref<1000000x64xf32, #tpu.memory_space<hbm>> -> memref<1x64xf32, #tpu.memory_space<hbm>>
      %dma_start3A_158 = tpu.memref_squeeze %dma_start3A_157 : memref<1x64xf32, #tpu.memory_space<hbm>> -> memref<64xf32, #tpu.memory_space<hbm>>
      %dma_start3A_159 = tpu.memref_slice %arg10[%dma_start3A_152] : memref<2x!tpu.dma_semaphore, #tpu.memory_space<semaphore_mem>> -> memref<1x!tpu.dma_semaphore, #tpu.memory_space<semaphore_mem>>
      %dma_start3A_160 = tpu.memref_squeeze %dma_start3A_159 : memref<1x!tpu.dma_semaphore, #tpu.memory_space<semaphore_mem>> -> memref<!tpu.dma_semaphore, #tpu.memory_space<semaphore_mem>>
      %dma_start3A_161 = arith.constant 0 : i32
      %dma_start3A_162 = tpu.memref_slice %arg7[%dma_start3A_151, %add3A_150, %dma_start3A_161] : memref<2x128x64xf32, #tpu.memory_space<vmem>> -> memref<1x1x64xf32, #tpu.memory_space<vmem>>
      %dma_start3A_163 = tpu.memref_squeeze %dma_start3A_162 : memref<1x1x64xf32, #tpu.memory_space<vmem>> -> memref<64xf32, #tpu.memory_space<vmem>>
      %dma_start3A_164 = arith.constant 0 : i32
      %dma_start3A_165 = tpu.memref_slice %arg4[%squeeze3A, %dma_start3A_164] : memref<1000000x64xf32, #tpu.memory_space<hbm>> -> memref<1x64xf32, #tpu.memory_space<hbm>>
      %dma_start3A_166 = tpu.memref_squeeze %dma_start3A_165 : memref<1x64xf32, #tpu.memory_space<hbm>> -> memref<64xf32, #tpu.memory_space<hbm>>
      tpu.enqueue_dma source(%dma_start3A_166 : memref<64xf32, #tpu.memory_space<hbm>>) target(%dma_start3A_163 : memref<64xf32, #tpu.memory_space<vmem>>) target_semaphore(%dma_start3A_160 : memref<!tpu.dma_semaphore, #tpu.memory_space<semaphore_mem>>)
      %slice3A_167 = vector.extract_strided_slice %get3A_146 {offsets = [1], sizes = [1], strides = [1]} : vector<16xi32> to vector<1xi32>
      %squeeze3A_168 = vector.extract %slice3A_167[0] : i32 from vector<1xi32>
      %mul3A_169 = arith.constant 16 : i32
      %mul3A_170 = arith.muli %scan3A_139, %mul3A_169 : i32
      %add3A_171 = arith.constant 1 : i32
      %add3A_172 = arith.addi %mul3A_170, %add3A_171 : i32
      %dma_start3A_173 = arith.constant 0 : i32
      %dma_start3A_174 = arith.constant 0 : i32
      %dma_start3A_175 = arith.constant 0 : i32
      %dma_start3A_176 = tpu.memref_slice %arg7[%dma_start3A_173, %add3A_172, %dma_start3A_175] : memref<2x128x64xf32, #tpu.memory_space<vmem>> -> memref<1x1x64xf32, #tpu.memory_space<vmem>>
      %dma_start3A_177 = tpu.memref_squeeze %dma_start3A_176 : memref<1x1x64xf32, #tpu.memory_space<vmem>> -> memref<64xf32, #tpu.memory_space<vmem>>
      %dma_start3A_178 = arith.constant 0 : i32
      %dma_start3A_179 = tpu.memref_slice %arg4[%squeeze3A_168, %dma_start3A_178] : memref<1000000x64xf32, #tpu.memory_space<hbm>> -> memref<1x64xf32, #tpu.memory_space<hbm>>
      %dma_start3A_180 = tpu.memref_squeeze %dma_start3A_179 : memref<1x64xf32, #tpu.memory_space<hbm>> -> memref<64xf32, #tpu.memory_space<hbm>>
      %dma_start3A_181 = tpu.memref_slice %arg10[%dma_start3A_174] : memref<2x!tpu.dma_semaphore, #tpu.memory_space<semaphore_mem>> -> memref<1x!tpu.dma_semaphore, #tpu.memory_space<semaphore_mem>>
      %dma_start3A_182 = tpu.memref_squeeze %dma_start3A_181 : memref<1x!tpu.dma_semaphore, #tpu.memory_space<semaphore_mem>> -> memref<!tpu.dma_semaphore, #tpu.memory_space<semaphore_mem>>
      %dma_start3A_183 = arith.constant 0 : i32
      %dma_start3A_184 = tpu.memref_slice %arg7[%dma_start3A_173, %add3A_172, %dma_start3A_183] : memref<2x128x64xf32, #tpu.memory_space<vmem>> -> memref<1x1x64xf32, #tpu.memory_space<vmem>>
      %dma_start3A_185 = tpu.memref_squeeze %dma_start3A_184 : memref<1x1x64xf32, #tpu.memory_space<vmem>> -> memref<64xf32, #tpu.memory_space<vmem>>
      %dma_start3A_186 = arith.constant 0 : i32
      %dma_start3A_187 = tpu.memref_slice %arg4[%squeeze3A_168, %dma_start3A_186] : memref<1000000x64xf32, #tpu.memory_space<hbm>> -> memref<1x64xf32, #tpu.memory_space<hbm>>
      %dma_start3A_188 = tpu.memref_squeeze %dma_start3A_187 : memref<1x64xf32, #tpu.memory_space<hbm>> -> memref<64xf32, #tpu.memory_space<hbm>>
      tpu.enqueue_dma source(%dma_start3A_188 : memref<64xf32, #tpu.memory_space<hbm>>) target(%dma_start3A_185 : memref<64xf32, #tpu.memory_space<vmem>>) target_semaphore(%dma_start3A_182 : memref<!tpu.dma_semaphore, #tpu.memory_space<semaphore_mem>>)
      %slice3A_189 = vector.extract_strided_slice %get3A_146 {offsets = [2], sizes = [1], strides = [1]} : vector<16xi32> to vector<1xi32>
      %squeeze3A_190 = vector.extract %slice3A_189[0] : i32 from vector<1xi32>
      %mul3A_191 = arith.constant 16 : i32
      %mul3A_192 = arith.muli %scan3A_139, %mul3A_191 : i32
      %add3A_193 = arith.constant 2 : i32
      %add3A_194 = arith.addi %mul3A_192, %add3A_193 : i32
      %dma_start3A_195 = arith.constant 0 : i32
      %dma_start3A_196 = arith.constant 0 : i32
      %dma_start3A_197 = arith.constant 0 : i32
      %dma_start3A_198 = tpu.memref_slice %arg7[%dma_start3A_195, %add3A_194, %dma_start3A_197] : memref<2x128x64xf32, #tpu.memory_space<vmem>> -> memref<1x1x64xf32, #tpu.memory_space<vmem>>
      %dma_start3A_199 = tpu.memref_squeeze %dma_start3A_198 : memref<1x1x64xf32, #tpu.memory_space<vmem>> -> memref<64xf32, #tpu.memory_space<vmem>>
      %dma_start3A_200 = arith.constant 0 : i32
      %dma_start3A_201 = tpu.memref_slice %arg4[%squeeze3A_190, %dma_start3A_200] : memref<1000000x64xf32, #tpu.memory_space<hbm>> -> memref<1x64xf32, #tpu.memory_space<hbm>>
      %dma_start3A_202 = tpu.memref_squeeze %dma_start3A_201 : memref<1x64xf32, #tpu.memory_space<hbm>> -> memref<64xf32, #tpu.memory_space<hbm>>
      %dma_start3A_203 = tpu.memref_slice %arg10[%dma_start3A_196] : memref<2x!tpu.dma_semaphore, #tpu.memory_space<semaphore_mem>> -> memref<1x!tpu.dma_semaphore, #tpu.memory_space<semaphore_mem>>
      %dma_start3A_204 = tpu.memref_squeeze %dma_start3A_203 : memref<1x!tpu.dma_semaphore, #tpu.memory_space<semaphore_mem>> -> memref<!tpu.dma_semaphore, #tpu.memory_space<semaphore_mem>>
      %dma_start3A_205 = arith.constant 0 : i32
      %dma_start3A_206 = tpu.memref_slice %arg7[%dma_start3A_195, %add3A_194, %dma_start3A_205] : memref<2x128x64xf32, #tpu.memory_space<vmem>> -> memref<1x1x64xf32, #tpu.memory_space<vmem>>
      %dma_start3A_207 = tpu.memref_squeeze %dma_start3A_206 : memref<1x1x64xf32, #tpu.memory_space<vmem>> -> memref<64xf32, #tpu.memory_space<vmem>>
      %dma_start3A_208 = arith.constant 0 : i32
      %dma_start3A_209 = tpu.memref_slice %arg4[%squeeze3A_190, %dma_start3A_208] : memref<1000000x64xf32, #tpu.memory_space<hbm>> -> memref<1x64xf32, #tpu.memory_space<hbm>>
      %dma_start3A_210 = tpu.memref_squeeze %dma_start3A_209 : memref<1x64xf32, #tpu.memory_space<hbm>> -> memref<64xf32, #tpu.memory_space<hbm>>
      tpu.enqueue_dma source(%dma_start3A_210 : memref<64xf32, #tpu.memory_space<hbm>>) target(%dma_start3A_207 : memref<64xf32, #tpu.memory_space<vmem>>) target_semaphore(%dma_start3A_204 : memref<!tpu.dma_semaphore, #tpu.memory_space<semaphore_mem>>)
      %slice3A_211 = vector.extract_strided_slice %get3A_146 {offsets = [3], sizes = [1], strides = [1]} : vector<16xi32> to vector<1xi32>
      %squeeze3A_212 = vector.extract %slice3A_211[0] : i32 from vector<1xi32>
      %mul3A_213 = arith.constant 16 : i32
      %mul3A_214 = arith.muli %scan3A_139, %mul3A_213 : i32
      %add3A_215 = arith.constant 3 : i32
      %add3A_216 = arith.addi %mul3A_214, %add3A_215 : i32
      %dma_start3A_217 = arith.constant 0 : i32
      %dma_start3A_218 = arith.constant 0 : i32
      %dma_start3A_219 = arith.constant 0 : i32
      %dma_start3A_220 = tpu.memref_slice %arg7[%dma_start3A_217, %add3A_216, %dma_start3A_219] : memref<2x128x64xf32, #tpu.memory_space<vmem>> -> memref<1x1x64xf32, #tpu.memory_space<vmem>>
      %dma_start3A_221 = tpu.memref_squeeze %dma_start3A_220 : memref<1x1x64xf32, #tpu.memory_space<vmem>> -> memref<64xf32, #tpu.memory_space<vmem>>
      %dma_start3A_222 = arith.constant 0 : i32
      %dma_start3A_223 = tpu.memref_slice %arg4[%squeeze3A_212, %dma_start3A_222] : memref<1000000x64xf32, #tpu.memory_space<hbm>> -> memref<1x64xf32, #tpu.memory_space<hbm>>
      %dma_start3A_224 = tpu.memref_squeeze %dma_start3A_223 : memref<1x64xf32, #tpu.memory_space<hbm>> -> memref<64xf32, #tpu.memory_space<hbm>>
      %dma_start3A_225 = tpu.memref_slice %arg10[%dma_start3A_218] : memref<2x!tpu.dma_semaphore, #tpu.memory_space<semaphore_mem>> -> memref<1x!tpu.dma_semaphore, #tpu.memory_space<semaphore_mem>>
      %dma_start3A_226 = tpu.memref_squeeze %dma_start3A_225 : memref<1x!tpu.dma_semaphore, #tpu.memory_space<semaphore_mem>> -> memref<!tpu.dma_semaphore, #tpu.memory_space<semaphore_mem>>
      %dma_start3A_227 = arith.constant 0 : i32
      %dma_start3A_228 = tpu.memref_slice %arg7[%dma_start3A_217, %add3A_216, %dma_start3A_227] : memref<2x128x64xf32, #tpu.memory_space<vmem>> -> memref<1x1x64xf32, #tpu.memory_space<vmem>>
      %dma_start3A_229 = tpu.memref_squeeze %dma_start3A_228 : memref<1x1x64xf32, #tpu.memory_space<vmem>> -> memref<64xf32, #tpu.memory_space<vmem>>
      %dma_start3A_230 = arith.constant 0 : i32
      %dma_start3A_231 = tpu.memref_slice %arg4[%squeeze3A_212, %dma_start3A_230] : memref<1000000x64xf32, #tpu.memory_space<hbm>> -> memref<1x64xf32, #tpu.memory_space<hbm>>
      %dma_start3A_232 = tpu.memref_squeeze %dma_start3A_231 : memref<1x64xf32, #tpu.memory_space<hbm>> -> memref<64xf32, #tpu.memory_space<hbm>>
      tpu.enqueue_dma source(%dma_start3A_232 : memref<64xf32, #tpu.memory_space<hbm>>) target(%dma_start3A_229 : memref<64xf32, #tpu.memory_space<vmem>>) target_semaphore(%dma_start3A_226 : memref<!tpu.dma_semaphore, #tpu.memory_space<semaphore_mem>>)
      %slice3A_233 = vector.extract_strided_slice %get3A_146 {offsets = [4], sizes = [1], strides = [1]} : vector<16xi32> to vector<1xi32>
      %squeeze3A_234 = vector.extract %slice3A_233[0] : i32 from vector<1xi32>
      %mul3A_235 = arith.constant 16 : i32
      %mul3A_236 = arith.muli %scan3A_139, %mul3A_235 : i32
      %add3A_237 = arith.constant 4 : i32
      %add3A_238 = arith.addi %mul3A_236, %add3A_237 : i32
      %dma_start3A_239 = arith.constant 0 : i32
      %dma_start3A_240 = arith.constant 0 : i32
      %dma_start3A_241 = arith.constant 0 : i32
      %dma_start3A_242 = tpu.memref_slice %arg7[%dma_start3A_239, %add3A_238, %dma_start3A_241] : memref<2x128x64xf32, #tpu.memory_space<vmem>> -> memref<1x1x64xf32, #tpu.memory_space<vmem>>
      %dma_start3A_243 = tpu.memref_squeeze %dma_start3A_242 : memref<1x1x64xf32, #tpu.memory_space<vmem>> -> memref<64xf32, #tpu.memory_space<vmem>>
      %dma_start3A_244 = arith.constant 0 : i32
      %dma_start3A_245 = tpu.memref_slice %arg4[%squeeze3A_234, %dma_start3A_244] : memref<1000000x64xf32, #tpu.memory_space<hbm>> -> memref<1x64xf32, #tpu.memory_space<hbm>>
      %dma_start3A_246 = tpu.memref_squeeze %dma_start3A_245 : memref<1x64xf32, #tpu.memory_space<hbm>> -> memref<64xf32, #tpu.memory_space<hbm>>
      %dma_start3A_247 = tpu.memref_slice %arg10[%dma_start3A_240] : memref<2x!tpu.dma_semaphore, #tpu.memory_space<semaphore_mem>> -> memref<1x!tpu.dma_semaphore, #tpu.memory_space<semaphore_mem>>
      %dma_start3A_248 = tpu.memref_squeeze %dma_start3A_247 : memref<1x!tpu.dma_semaphore, #tpu.memory_space<semaphore_mem>> -> memref<!tpu.dma_semaphore, #tpu.memory_space<semaphore_mem>>
      %dma_start3A_249 = arith.constant 0 : i32
      %dma_start3A_250 = tpu.memref_slice %arg7[%dma_start3A_239, %add3A_238, %dma_start3A_249] : memref<2x128x64xf32, #tpu.memory_space<vmem>> -> memref<1x1x64xf32, #tpu.memory_space<vmem>>
      %dma_start3A_251 = tpu.memref_squeeze %dma_start3A_250 : memref<1x1x64xf32, #tpu.memory_space<vmem>> -> memref<64xf32, #tpu.memory_space<vmem>>
      %dma_start3A_252 = arith.constant 0 : i32
      %dma_start3A_253 = tpu.memref_slice %arg4[%squeeze3A_234, %dma_start3A_252] : memref<1000000x64xf32, #tpu.memory_space<hbm>> -> memref<1x64xf32, #tpu.memory_space<hbm>>
      %dma_start3A_254 = tpu.memref_squeeze %dma_start3A_253 : memref<1x64xf32, #tpu.memory_space<hbm>> -> memref<64xf32, #tpu.memory_space<hbm>>
      tpu.enqueue_dma source(%dma_start3A_254 : memref<64xf32, #tpu.memory_space<hbm>>) target(%dma_start3A_251 : memref<64xf32, #tpu.memory_space<vmem>>) target_semaphore(%dma_start3A_248 : memref<!tpu.dma_semaphore, #tpu.memory_space<semaphore_mem>>)
      %slice3A_255 = vector.extract_strided_slice %get3A_146 {offsets = [5], sizes = [1], strides = [1]} : vector<16xi32> to vector<1xi32>
      %squeeze3A_256 = vector.extract %slice3A_255[0] : i32 from vector<1xi32>
      %mul3A_257 = arith.constant 16 : i32
      %mul3A_258 = arith.muli %scan3A_139, %mul3A_257 : i32
      %add3A_259 = arith.constant 5 : i32
      %add3A_260 = arith.addi %mul3A_258, %add3A_259 : i32
      %dma_start3A_261 = arith.constant 0 : i32
      %dma_start3A_262 = arith.constant 0 : i32
      %dma_start3A_263 = arith.constant 0 : i32
      %dma_start3A_264 = tpu.memref_slice %arg7[%dma_start3A_261, %add3A_260, %dma_start3A_263] : memref<2x128x64xf32, #tpu.memory_space<vmem>> -> memref<1x1x64xf32, #tpu.memory_space<vmem>>
      %dma_start3A_265 = tpu.memref_squeeze %dma_start3A_264 : memref<1x1x64xf32, #tpu.memory_space<vmem>> -> memref<64xf32, #tpu.memory_space<vmem>>
      %dma_start3A_266 = arith.constant 0 : i32
      %dma_start3A_267 = tpu.memref_slice %arg4[%squeeze3A_256, %dma_start3A_266] : memref<1000000x64xf32, #tpu.memory_space<hbm>> -> memref<1x64xf32, #tpu.memory_space<hbm>>
      %dma_start3A_268 = tpu.memref_squeeze %dma_start3A_267 : memref<1x64xf32, #tpu.memory_space<hbm>> -> memref<64xf32, #tpu.memory_space<hbm>>
      %dma_start3A_269 = tpu.memref_slice %arg10[%dma_start3A_262] : memref<2x!tpu.dma_semaphore, #tpu.memory_space<semaphore_mem>> -> memref<1x!tpu.dma_semaphore, #tpu.memory_space<semaphore_mem>>
      %dma_start3A_270 = tpu.memref_squeeze %dma_start3A_269 : memref<1x!tpu.dma_semaphore, #tpu.memory_space<semaphore_mem>> -> memref<!tpu.dma_semaphore, #tpu.memory_space<semaphore_mem>>
      %dma_start3A_271 = arith.constant 0 : i32
      %dma_start3A_272 = tpu.memref_slice %arg7[%dma_start3A_261, %add3A_260, %dma_start3A_271] : memref<2x128x64xf32, #tpu.memory_space<vmem>> -> memref<1x1x64xf32, #tpu.memory_space<vmem>>
      %dma_start3A_273 = tpu.memref_squeeze %dma_start3A_272 : memref<1x1x64xf32, #tpu.memory_space<vmem>> -> memref<64xf32, #tpu.memory_space<vmem>>
      %dma_start3A_274 = arith.constant 0 : i32
      %dma_start3A_275 = tpu.memref_slice %arg4[%squeeze3A_256, %dma_start3A_274] : memref<1000000x64xf32, #tpu.memory_space<hbm>> -> memref<1x64xf32, #tpu.memory_space<hbm>>
      %dma_start3A_276 = tpu.memref_squeeze %dma_start3A_275 : memref<1x64xf32, #tpu.memory_space<hbm>> -> memref<64xf32, #tpu.memory_space<hbm>>
      tpu.enqueue_dma source(%dma_start3A_276 : memref<64xf32, #tpu.memory_space<hbm>>) target(%dma_start3A_273 : memref<64xf32, #tpu.memory_space<vmem>>) target_semaphore(%dma_start3A_270 : memref<!tpu.dma_semaphore, #tpu.memory_space<semaphore_mem>>)
      %slice3A_277 = vector.extract_strided_slice %get3A_146 {offsets = [6], sizes = [1], strides = [1]} : vector<16xi32> to vector<1xi32>
      %squeeze3A_278 = vector.extract %slice3A_277[0] : i32 from vector<1xi32>
      %mul3A_279 = arith.constant 16 : i32
      %mul3A_280 = arith.muli %scan3A_139, %mul3A_279 : i32
      %add3A_281 = arith.constant 6 : i32
      %add3A_282 = arith.addi %mul3A_280, %add3A_281 : i32
      %dma_start3A_283 = arith.constant 0 : i32
      %dma_start3A_284 = arith.constant 0 : i32
      %dma_start3A_285 = arith.constant 0 : i32
      %dma_start3A_286 = tpu.memref_slice %arg7[%dma_start3A_283, %add3A_282, %dma_start3A_285] : memref<2x128x64xf32, #tpu.memory_space<vmem>> -> memref<1x1x64xf32, #tpu.memory_space<vmem>>
      %dma_start3A_287 = tpu.memref_squeeze %dma_start3A_286 : memref<1x1x64xf32, #tpu.memory_space<vmem>> -> memref<64xf32, #tpu.memory_space<vmem>>
      %dma_start3A_288 = arith.constant 0 : i32
      %dma_start3A_289 = tpu.memref_slice %arg4[%squeeze3A_278, %dma_start3A_288] : memref<1000000x64xf32, #tpu.memory_space<hbm>> -> memref<1x64xf32, #tpu.memory_space<hbm>>
      %dma_start3A_290 = tpu.memref_squeeze %dma_start3A_289 : memref<1x64xf32, #tpu.memory_space<hbm>> -> memref<64xf32, #tpu.memory_space<hbm>>
      %dma_start3A_291 = tpu.memref_slice %arg10[%dma_start3A_284] : memref<2x!tpu.dma_semaphore, #tpu.memory_space<semaphore_mem>> -> memref<1x!tpu.dma_semaphore, #tpu.memory_space<semaphore_mem>>
      %dma_start3A_292 = tpu.memref_squeeze %dma_start3A_291 : memref<1x!tpu.dma_semaphore, #tpu.memory_space<semaphore_mem>> -> memref<!tpu.dma_semaphore, #tpu.memory_space<semaphore_mem>>
      %dma_start3A_293 = arith.constant 0 : i32
      %dma_start3A_294 = tpu.memref_slice %arg7[%dma_start3A_283, %add3A_282, %dma_start3A_293] : memref<2x128x64xf32, #tpu.memory_space<vmem>> -> memref<1x1x64xf32, #tpu.memory_space<vmem>>
      %dma_start3A_295 = tpu.memref_squeeze %dma_start3A_294 : memref<1x1x64xf32, #tpu.memory_space<vmem>> -> memref<64xf32, #tpu.memory_space<vmem>>
      %dma_start3A_296 = arith.constant 0 : i32
      %dma_start3A_297 = tpu.memref_slice %arg4[%squeeze3A_278, %dma_start3A_296] : memref<1000000x64xf32, #tpu.memory_space<hbm>> -> memref<1x64xf32, #tpu.memory_space<hbm>>
      %dma_start3A_298 = tpu.memref_squeeze %dma_start3A_297 : memref<1x64xf32, #tpu.memory_space<hbm>> -> memref<64xf32, #tpu.memory_space<hbm>>
      tpu.enqueue_dma source(%dma_start3A_298 : memref<64xf32, #tpu.memory_space<hbm>>) target(%dma_start3A_295 : memref<64xf32, #tpu.memory_space<vmem>>) target_semaphore(%dma_start3A_292 : memref<!tpu.dma_semaphore, #tpu.memory_space<semaphore_mem>>)
      %slice3A_299 = vector.extract_strided_slice %get3A_146 {offsets = [7], sizes = [1], strides = [1]} : vector<16xi32> to vector<1xi32>
      %squeeze3A_300 = vector.extract %slice3A_299[0] : i32 from vector<1xi32>
      %mul3A_301 = arith.constant 16 : i32
      %mul3A_302 = arith.muli %scan3A_139, %mul3A_301 : i32
      %add3A_303 = arith.constant 7 : i32
      %add3A_304 = arith.addi %mul3A_302, %add3A_303 : i32
      %dma_start3A_305 = arith.constant 0 : i32
      %dma_start3A_306 = arith.constant 0 : i32
      %dma_start3A_307 = arith.constant 0 : i32
      %dma_start3A_308 = tpu.memref_slice %arg7[%dma_start3A_305, %add3A_304, %dma_start3A_307] : memref<2x128x64xf32, #tpu.memory_space<vmem>> -> memref<1x1x64xf32, #tpu.memory_space<vmem>>
      %dma_start3A_309 = tpu.memref_squeeze %dma_start3A_308 : memref<1x1x64xf32, #tpu.memory_space<vmem>> -> memref<64xf32, #tpu.memory_space<vmem>>
      %dma_start3A_310 = arith.constant 0 : i32
      %dma_start3A_311 = tpu.memref_slice %arg4[%squeeze3A_300, %dma_start3A_310] : memref<1000000x64xf32, #tpu.memory_space<hbm>> -> memref<1x64xf32, #tpu.memory_space<hbm>>
      %dma_start3A_312 = tpu.memref_squeeze %dma_start3A_311 : memref<1x64xf32, #tpu.memory_space<hbm>> -> memref<64xf32, #tpu.memory_space<hbm>>
      %dma_start3A_313 = tpu.memref_slice %arg10[%dma_start3A_306] : memref<2x!tpu.dma_semaphore, #tpu.memory_space<semaphore_mem>> -> memref<1x!tpu.dma_semaphore, #tpu.memory_space<semaphore_mem>>
      %dma_start3A_314 = tpu.memref_squeeze %dma_start3A_313 : memref<1x!tpu.dma_semaphore, #tpu.memory_space<semaphore_mem>> -> memref<!tpu.dma_semaphore, #tpu.memory_space<semaphore_mem>>
      %dma_start3A_315 = arith.constant 0 : i32
      %dma_start3A_316 = tpu.memref_slice %arg7[%dma_start3A_305, %add3A_304, %dma_start3A_315] : memref<2x128x64xf32, #tpu.memory_space<vmem>> -> memref<1x1x64xf32, #tpu.memory_space<vmem>>
      %dma_start3A_317 = tpu.memref_squeeze %dma_start3A_316 : memref<1x1x64xf32, #tpu.memory_space<vmem>> -> memref<64xf32, #tpu.memory_space<vmem>>
      %dma_start3A_318 = arith.constant 0 : i32
      %dma_start3A_319 = tpu.memref_slice %arg4[%squeeze3A_300, %dma_start3A_318] : memref<1000000x64xf32, #tpu.memory_space<hbm>> -> memref<1x64xf32, #tpu.memory_space<hbm>>
      %dma_start3A_320 = tpu.memref_squeeze %dma_start3A_319 : memref<1x64xf32, #tpu.memory_space<hbm>> -> memref<64xf32, #tpu.memory_space<hbm>>
      tpu.enqueue_dma source(%dma_start3A_320 : memref<64xf32, #tpu.memory_space<hbm>>) target(%dma_start3A_317 : memref<64xf32, #tpu.memory_space<vmem>>) target_semaphore(%dma_start3A_314 : memref<!tpu.dma_semaphore, #tpu.memory_space<semaphore_mem>>)
      %slice3A_321 = vector.extract_strided_slice %get3A_146 {offsets = [8], sizes = [1], strides = [1]} : vector<16xi32> to vector<1xi32>
      %squeeze3A_322 = vector.extract %slice3A_321[0] : i32 from vector<1xi32>
      %mul3A_323 = arith.constant 16 : i32
      %mul3A_324 = arith.muli %scan3A_139, %mul3A_323 : i32
      %add3A_325 = arith.constant 8 : i32
      %add3A_326 = arith.addi %mul3A_324, %add3A_325 : i32
      %dma_start3A_327 = arith.constant 0 : i32
      %dma_start3A_328 = arith.constant 0 : i32
      %dma_start3A_329 = arith.constant 0 : i32
      %dma_start3A_330 = tpu.memref_slice %arg7[%dma_start3A_327, %add3A_326, %dma_start3A_329] : memref<2x128x64xf32, #tpu.memory_space<vmem>> -> memref<1x1x64xf32, #tpu.memory_space<vmem>>
      %dma_start3A_331 = tpu.memref_squeeze %dma_start3A_330 : memref<1x1x64xf32, #tpu.memory_space<vmem>> -> memref<64xf32, #tpu.memory_space<vmem>>
      %dma_start3A_332 = arith.constant 0 : i32
      %dma_start3A_333 = tpu.memref_slice %arg4[%squeeze3A_322, %dma_start3A_332] : memref<1000000x64xf32, #tpu.memory_space<hbm>> -> memref<1x64xf32, #tpu.memory_space<hbm>>
      %dma_start3A_334 = tpu.memref_squeeze %dma_start3A_333 : memref<1x64xf32, #tpu.memory_space<hbm>> -> memref<64xf32, #tpu.memory_space<hbm>>
      %dma_start3A_335 = tpu.memref_slice %arg10[%dma_start3A_328] : memref<2x!tpu.dma_semaphore, #tpu.memory_space<semaphore_mem>> -> memref<1x!tpu.dma_semaphore, #tpu.memory_space<semaphore_mem>>
      %dma_start3A_336 = tpu.memref_squeeze %dma_start3A_335 : memref<1x!tpu.dma_semaphore, #tpu.memory_space<semaphore_mem>> -> memref<!tpu.dma_semaphore, #tpu.memory_space<semaphore_mem>>
      %dma_start3A_337 = arith.constant 0 : i32
      %dma_start3A_338 = tpu.memref_slice %arg7[%dma_start3A_327, %add3A_326, %dma_start3A_337] : memref<2x128x64xf32, #tpu.memory_space<vmem>> -> memref<1x1x64xf32, #tpu.memory_space<vmem>>
      %dma_start3A_339 = tpu.memref_squeeze %dma_start3A_338 : memref<1x1x64xf32, #tpu.memory_space<vmem>> -> memref<64xf32, #tpu.memory_space<vmem>>
      %dma_start3A_340 = arith.constant 0 : i32
      %dma_start3A_341 = tpu.memref_slice %arg4[%squeeze3A_322, %dma_start3A_340] : memref<1000000x64xf32, #tpu.memory_space<hbm>> -> memref<1x64xf32, #tpu.memory_space<hbm>>
      %dma_start3A_342 = tpu.memref_squeeze %dma_start3A_341 : memref<1x64xf32, #tpu.memory_space<hbm>> -> memref<64xf32, #tpu.memory_space<hbm>>
      tpu.enqueue_dma source(%dma_start3A_342 : memref<64xf32, #tpu.memory_space<hbm>>) target(%dma_start3A_339 : memref<64xf32, #tpu.memory_space<vmem>>) target_semaphore(%dma_start3A_336 : memref<!tpu.dma_semaphore, #tpu.memory_space<semaphore_mem>>)
      %slice3A_343 = vector.extract_strided_slice %get3A_146 {offsets = [9], sizes = [1], strides = [1]} : vector<16xi32> to vector<1xi32>
      %squeeze3A_344 = vector.extract %slice3A_343[0] : i32 from vector<1xi32>
      %mul3A_345 = arith.constant 16 : i32
      %mul3A_346 = arith.muli %scan3A_139, %mul3A_345 : i32
      %add3A_347 = arith.constant 9 : i32
      %add3A_348 = arith.addi %mul3A_346, %add3A_347 : i32
      %dma_start3A_349 = arith.constant 0 : i32
      %dma_start3A_350 = arith.constant 0 : i32
      %dma_start3A_351 = arith.constant 0 : i32
      %dma_start3A_352 = tpu.memref_slice %arg7[%dma_start3A_349, %add3A_348, %dma_start3A_351] : memref<2x128x64xf32, #tpu.memory_space<vmem>> -> memref<1x1x64xf32, #tpu.memory_space<vmem>>
      %dma_start3A_353 = tpu.memref_squeeze %dma_start3A_352 : memref<1x1x64xf32, #tpu.memory_space<vmem>> -> memref<64xf32, #tpu.memory_space<vmem>>
      %dma_start3A_354 = arith.constant 0 : i32
      %dma_start3A_355 = tpu.memref_slice %arg4[%squeeze3A_344, %dma_start3A_354] : memref<1000000x64xf32, #tpu.memory_space<hbm>> -> memref<1x64xf32, #tpu.memory_space<hbm>>
      %dma_start3A_356 = tpu.memref_squeeze %dma_start3A_355 : memref<1x64xf32, #tpu.memory_space<hbm>> -> memref<64xf32, #tpu.memory_space<hbm>>
      %dma_start3A_357 = tpu.memref_slice %arg10[%dma_start3A_350] : memref<2x!tpu.dma_semaphore, #tpu.memory_space<semaphore_mem>> -> memref<1x!tpu.dma_semaphore, #tpu.memory_space<semaphore_mem>>
      %dma_start3A_358 = tpu.memref_squeeze %dma_start3A_357 : memref<1x!tpu.dma_semaphore, #tpu.memory_space<semaphore_mem>> -> memref<!tpu.dma_semaphore, #tpu.memory_space<semaphore_mem>>
      %dma_start3A_359 = arith.constant 0 : i32
      %dma_start3A_360 = tpu.memref_slice %arg7[%dma_start3A_349, %add3A_348, %dma_start3A_359] : memref<2x128x64xf32, #tpu.memory_space<vmem>> -> memref<1x1x64xf32, #tpu.memory_space<vmem>>
      %dma_start3A_361 = tpu.memref_squeeze %dma_start3A_360 : memref<1x1x64xf32, #tpu.memory_space<vmem>> -> memref<64xf32, #tpu.memory_space<vmem>>
      %dma_start3A_362 = arith.constant 0 : i32
      %dma_start3A_363 = tpu.memref_slice %arg4[%squeeze3A_344, %dma_start3A_362] : memref<1000000x64xf32, #tpu.memory_space<hbm>> -> memref<1x64xf32, #tpu.memory_space<hbm>>
      %dma_start3A_364 = tpu.memref_squeeze %dma_start3A_363 : memref<1x64xf32, #tpu.memory_space<hbm>> -> memref<64xf32, #tpu.memory_space<hbm>>
      tpu.enqueue_dma source(%dma_start3A_364 : memref<64xf32, #tpu.memory_space<hbm>>) target(%dma_start3A_361 : memref<64xf32, #tpu.memory_space<vmem>>) target_semaphore(%dma_start3A_358 : memref<!tpu.dma_semaphore, #tpu.memory_space<semaphore_mem>>)
      %slice3A_365 = vector.extract_strided_slice %get3A_146 {offsets = [10], sizes = [1], strides = [1]} : vector<16xi32> to vector<1xi32>
      %squeeze3A_366 = vector.extract %slice3A_365[0] : i32 from vector<1xi32>
      %mul3A_367 = arith.constant 16 : i32
      %mul3A_368 = arith.muli %scan3A_139, %mul3A_367 : i32
      %add3A_369 = arith.constant 10 : i32
      %add3A_370 = arith.addi %mul3A_368, %add3A_369 : i32
      %dma_start3A_371 = arith.constant 0 : i32
      %dma_start3A_372 = arith.constant 0 : i32
      %dma_start3A_373 = arith.constant 0 : i32
      %dma_start3A_374 = tpu.memref_slice %arg7[%dma_start3A_371, %add3A_370, %dma_start3A_373] : memref<2x128x64xf32, #tpu.memory_space<vmem>> -> memref<1x1x64xf32, #tpu.memory_space<vmem>>
      %dma_start3A_375 = tpu.memref_squeeze %dma_start3A_374 : memref<1x1x64xf32, #tpu.memory_space<vmem>> -> memref<64xf32, #tpu.memory_space<vmem>>
      %dma_start3A_376 = arith.constant 0 : i32
      %dma_start3A_377 = tpu.memref_slice %arg4[%squeeze3A_366, %dma_start3A_376] : memref<1000000x64xf32, #tpu.memory_space<hbm>> -> memref<1x64xf32, #tpu.memory_space<hbm>>
      %dma_start3A_378 = tpu.memref_squeeze %dma_start3A_377 : memref<1x64xf32, #tpu.memory_space<hbm>> -> memref<64xf32, #tpu.memory_space<hbm>>
      %dma_start3A_379 = tpu.memref_slice %arg10[%dma_start3A_372] : memref<2x!tpu.dma_semaphore, #tpu.memory_space<semaphore_mem>> -> memref<1x!tpu.dma_semaphore, #tpu.memory_space<semaphore_mem>>
      %dma_start3A_380 = tpu.memref_squeeze %dma_start3A_379 : memref<1x!tpu.dma_semaphore, #tpu.memory_space<semaphore_mem>> -> memref<!tpu.dma_semaphore, #tpu.memory_space<semaphore_mem>>
      %dma_start3A_381 = arith.constant 0 : i32
      %dma_start3A_382 = tpu.memref_slice %arg7[%dma_start3A_371, %add3A_370, %dma_start3A_381] : memref<2x128x64xf32, #tpu.memory_space<vmem>> -> memref<1x1x64xf32, #tpu.memory_space<vmem>>
      %dma_start3A_383 = tpu.memref_squeeze %dma_start3A_382 : memref<1x1x64xf32, #tpu.memory_space<vmem>> -> memref<64xf32, #tpu.memory_space<vmem>>
      %dma_start3A_384 = arith.constant 0 : i32
      %dma_start3A_385 = tpu.memref_slice %arg4[%squeeze3A_366, %dma_start3A_384] : memref<1000000x64xf32, #tpu.memory_space<hbm>> -> memref<1x64xf32, #tpu.memory_space<hbm>>
      %dma_start3A_386 = tpu.memref_squeeze %dma_start3A_385 : memref<1x64xf32, #tpu.memory_space<hbm>> -> memref<64xf32, #tpu.memory_space<hbm>>
      tpu.enqueue_dma source(%dma_start3A_386 : memref<64xf32, #tpu.memory_space<hbm>>) target(%dma_start3A_383 : memref<64xf32, #tpu.memory_space<vmem>>) target_semaphore(%dma_start3A_380 : memref<!tpu.dma_semaphore, #tpu.memory_space<semaphore_mem>>)
      %slice3A_387 = vector.extract_strided_slice %get3A_146 {offsets = [11], sizes = [1], strides = [1]} : vector<16xi32> to vector<1xi32>
      %squeeze3A_388 = vector.extract %slice3A_387[0] : i32 from vector<1xi32>
      %mul3A_389 = arith.constant 16 : i32
      %mul3A_390 = arith.muli %scan3A_139, %mul3A_389 : i32
      %add3A_391 = arith.constant 11 : i32
      %add3A_392 = arith.addi %mul3A_390, %add3A_391 : i32
      %dma_start3A_393 = arith.constant 0 : i32
      %dma_start3A_394 = arith.constant 0 : i32
      %dma_start3A_395 = arith.constant 0 : i32
      %dma_start3A_396 = tpu.memref_slice %arg7[%dma_start3A_393, %add3A_392, %dma_start3A_395] : memref<2x128x64xf32, #tpu.memory_space<vmem>> -> memref<1x1x64xf32, #tpu.memory_space<vmem>>
      %dma_start3A_397 = tpu.memref_squeeze %dma_start3A_396 : memref<1x1x64xf32, #tpu.memory_space<vmem>> -> memref<64xf32, #tpu.memory_space<vmem>>
      %dma_start3A_398 = arith.constant 0 : i32
      %dma_start3A_399 = tpu.memref_slice %arg4[%squeeze3A_388, %dma_start3A_398] : memref<1000000x64xf32, #tpu.memory_space<hbm>> -> memref<1x64xf32, #tpu.memory_space<hbm>>
      %dma_start3A_400 = tpu.memref_squeeze %dma_start3A_399 : memref<1x64xf32, #tpu.memory_space<hbm>> -> memref<64xf32, #tpu.memory_space<hbm>>
      %dma_start3A_401 = tpu.memref_slice %arg10[%dma_start3A_394] : memref<2x!tpu.dma_semaphore, #tpu.memory_space<semaphore_mem>> -> memref<1x!tpu.dma_semaphore, #tpu.memory_space<semaphore_mem>>
      %dma_start3A_402 = tpu.memref_squeeze %dma_start3A_401 : memref<1x!tpu.dma_semaphore, #tpu.memory_space<semaphore_mem>> -> memref<!tpu.dma_semaphore, #tpu.memory_space<semaphore_mem>>
      %dma_start3A_403 = arith.constant 0 : i32
      %dma_start3A_404 = tpu.memref_slice %arg7[%dma_start3A_393, %add3A_392, %dma_start3A_403] : memref<2x128x64xf32, #tpu.memory_space<vmem>> -> memref<1x1x64xf32, #tpu.memory_space<vmem>>
      %dma_start3A_405 = tpu.memref_squeeze %dma_start3A_404 : memref<1x1x64xf32, #tpu.memory_space<vmem>> -> memref<64xf32, #tpu.memory_space<vmem>>
      %dma_start3A_406 = arith.constant 0 : i32
      %dma_start3A_407 = tpu.memref_slice %arg4[%squeeze3A_388, %dma_start3A_406] : memref<1000000x64xf32, #tpu.memory_space<hbm>> -> memref<1x64xf32, #tpu.memory_space<hbm>>
      %dma_start3A_408 = tpu.memref_squeeze %dma_start3A_407 : memref<1x64xf32, #tpu.memory_space<hbm>> -> memref<64xf32, #tpu.memory_space<hbm>>
      tpu.enqueue_dma source(%dma_start3A_408 : memref<64xf32, #tpu.memory_space<hbm>>) target(%dma_start3A_405 : memref<64xf32, #tpu.memory_space<vmem>>) target_semaphore(%dma_start3A_402 : memref<!tpu.dma_semaphore, #tpu.memory_space<semaphore_mem>>)
      %slice3A_409 = vector.extract_strided_slice %get3A_146 {offsets = [12], sizes = [1], strides = [1]} : vector<16xi32> to vector<1xi32>
      %squeeze3A_410 = vector.extract %slice3A_409[0] : i32 from vector<1xi32>
      %mul3A_411 = arith.constant 16 : i32
      %mul3A_412 = arith.muli %scan3A_139, %mul3A_411 : i32
      %add3A_413 = arith.constant 12 : i32
      %add3A_414 = arith.addi %mul3A_412, %add3A_413 : i32
      %dma_start3A_415 = arith.constant 0 : i32
      %dma_start3A_416 = arith.constant 0 : i32
      %dma_start3A_417 = arith.constant 0 : i32
      %dma_start3A_418 = tpu.memref_slice %arg7[%dma_start3A_415, %add3A_414, %dma_start3A_417] : memref<2x128x64xf32, #tpu.memory_space<vmem>> -> memref<1x1x64xf32, #tpu.memory_space<vmem>>
      %dma_start3A_419 = tpu.memref_squeeze %dma_start3A_418 : memref<1x1x64xf32, #tpu.memory_space<vmem>> -> memref<64xf32, #tpu.memory_space<vmem>>
      %dma_start3A_420 = arith.constant 0 : i32
      %dma_start3A_421 = tpu.memref_slice %arg4[%squeeze3A_410, %dma_start3A_420] : memref<1000000x64xf32, #tpu.memory_space<hbm>> -> memref<1x64xf32, #tpu.memory_space<hbm>>
      %dma_start3A_422 = tpu.memref_squeeze %dma_start3A_421 : memref<1x64xf32, #tpu.memory_space<hbm>> -> memref<64xf32, #tpu.memory_space<hbm>>
      %dma_start3A_423 = tpu.memref_slice %arg10[%dma_start3A_416] : memref<2x!tpu.dma_semaphore, #tpu.memory_space<semaphore_mem>> -> memref<1x!tpu.dma_semaphore, #tpu.memory_space<semaphore_mem>>
      %dma_start3A_424 = tpu.memref_squeeze %dma_start3A_423 : memref<1x!tpu.dma_semaphore, #tpu.memory_space<semaphore_mem>> -> memref<!tpu.dma_semaphore, #tpu.memory_space<semaphore_mem>>
      %dma_start3A_425 = arith.constant 0 : i32
      %dma_start3A_426 = tpu.memref_slice %arg7[%dma_start3A_415, %add3A_414, %dma_start3A_425] : memref<2x128x64xf32, #tpu.memory_space<vmem>> -> memref<1x1x64xf32, #tpu.memory_space<vmem>>
      %dma_start3A_427 = tpu.memref_squeeze %dma_start3A_426 : memref<1x1x64xf32, #tpu.memory_space<vmem>> -> memref<64xf32, #tpu.memory_space<vmem>>
      %dma_start3A_428 = arith.constant 0 : i32
      %dma_start3A_429 = tpu.memref_slice %arg4[%squeeze3A_410, %dma_start3A_428] : memref<1000000x64xf32, #tpu.memory_space<hbm>> -> memref<1x64xf32, #tpu.memory_space<hbm>>
      %dma_start3A_430 = tpu.memref_squeeze %dma_start3A_429 : memref<1x64xf32, #tpu.memory_space<hbm>> -> memref<64xf32, #tpu.memory_space<hbm>>
      tpu.enqueue_dma source(%dma_start3A_430 : memref<64xf32, #tpu.memory_space<hbm>>) target(%dma_start3A_427 : memref<64xf32, #tpu.memory_space<vmem>>) target_semaphore(%dma_start3A_424 : memref<!tpu.dma_semaphore, #tpu.memory_space<semaphore_mem>>)
      %slice3A_431 = vector.extract_strided_slice %get3A_146 {offsets = [13], sizes = [1], strides = [1]} : vector<16xi32> to vector<1xi32>
      %squeeze3A_432 = vector.extract %slice3A_431[0] : i32 from vector<1xi32>
      %mul3A_433 = arith.constant 16 : i32
      %mul3A_434 = arith.muli %scan3A_139, %mul3A_433 : i32
      %add3A_435 = arith.constant 13 : i32
      %add3A_436 = arith.addi %mul3A_434, %add3A_435 : i32
      %dma_start3A_437 = arith.constant 0 : i32
      %dma_start3A_438 = arith.constant 0 : i32
      %dma_start3A_439 = arith.constant 0 : i32
      %dma_start3A_440 = tpu.memref_slice %arg7[%dma_start3A_437, %add3A_436, %dma_start3A_439] : memref<2x128x64xf32, #tpu.memory_space<vmem>> -> memref<1x1x64xf32, #tpu.memory_space<vmem>>
      %dma_start3A_441 = tpu.memref_squeeze %dma_start3A_440 : memref<1x1x64xf32, #tpu.memory_space<vmem>> -> memref<64xf32, #tpu.memory_space<vmem>>
      %dma_start3A_442 = arith.constant 0 : i32
      %dma_start3A_443 = tpu.memref_slice %arg4[%squeeze3A_432, %dma_start3A_442] : memref<1000000x64xf32, #tpu.memory_space<hbm>> -> memref<1x64xf32, #tpu.memory_space<hbm>>
      %dma_start3A_444 = tpu.memref_squeeze %dma_start3A_443 : memref<1x64xf32, #tpu.memory_space<hbm>> -> memref<64xf32, #tpu.memory_space<hbm>>
      %dma_start3A_445 = tpu.memref_slice %arg10[%dma_start3A_438] : memref<2x!tpu.dma_semaphore, #tpu.memory_space<semaphore_mem>> -> memref<1x!tpu.dma_semaphore, #tpu.memory_space<semaphore_mem>>
      %dma_start3A_446 = tpu.memref_squeeze %dma_start3A_445 : memref<1x!tpu.dma_semaphore, #tpu.memory_space<semaphore_mem>> -> memref<!tpu.dma_semaphore, #tpu.memory_space<semaphore_mem>>
      %dma_start3A_447 = arith.constant 0 : i32
      %dma_start3A_448 = tpu.memref_slice %arg7[%dma_start3A_437, %add3A_436, %dma_start3A_447] : memref<2x128x64xf32, #tpu.memory_space<vmem>> -> memref<1x1x64xf32, #tpu.memory_space<vmem>>
      %dma_start3A_449 = tpu.memref_squeeze %dma_start3A_448 : memref<1x1x64xf32, #tpu.memory_space<vmem>> -> memref<64xf32, #tpu.memory_space<vmem>>
      %dma_start3A_450 = arith.constant 0 : i32
      %dma_start3A_451 = tpu.memref_slice %arg4[%squeeze3A_432, %dma_start3A_450] : memref<1000000x64xf32, #tpu.memory_space<hbm>> -> memref<1x64xf32, #tpu.memory_space<hbm>>
      %dma_start3A_452 = tpu.memref_squeeze %dma_start3A_451 : memref<1x64xf32, #tpu.memory_space<hbm>> -> memref<64xf32, #tpu.memory_space<hbm>>
      tpu.enqueue_dma source(%dma_start3A_452 : memref<64xf32, #tpu.memory_space<hbm>>) target(%dma_start3A_449 : memref<64xf32, #tpu.memory_space<vmem>>) target_semaphore(%dma_start3A_446 : memref<!tpu.dma_semaphore, #tpu.memory_space<semaphore_mem>>)
      %slice3A_453 = vector.extract_strided_slice %get3A_146 {offsets = [14], sizes = [1], strides = [1]} : vector<16xi32> to vector<1xi32>
      %squeeze3A_454 = vector.extract %slice3A_453[0] : i32 from vector<1xi32>
      %mul3A_455 = arith.constant 16 : i32
      %mul3A_456 = arith.muli %scan3A_139, %mul3A_455 : i32
      %add3A_457 = arith.constant 14 : i32
      %add3A_458 = arith.addi %mul3A_456, %add3A_457 : i32
      %dma_start3A_459 = arith.constant 0 : i32
      %dma_start3A_460 = arith.constant 0 : i32
      %dma_start3A_461 = arith.constant 0 : i32
      %dma_start3A_462 = tpu.memref_slice %arg7[%dma_start3A_459, %add3A_458, %dma_start3A_461] : memref<2x128x64xf32, #tpu.memory_space<vmem>> -> memref<1x1x64xf32, #tpu.memory_space<vmem>>
      %dma_start3A_463 = tpu.memref_squeeze %dma_start3A_462 : memref<1x1x64xf32, #tpu.memory_space<vmem>> -> memref<64xf32, #tpu.memory_space<vmem>>
      %dma_start3A_464 = arith.constant 0 : i32
      %dma_start3A_465 = tpu.memref_slice %arg4[%squeeze3A_454, %dma_start3A_464] : memref<1000000x64xf32, #tpu.memory_space<hbm>> -> memref<1x64xf32, #tpu.memory_space<hbm>>
      %dma_start3A_466 = tpu.memref_squeeze %dma_start3A_465 : memref<1x64xf32, #tpu.memory_space<hbm>> -> memref<64xf32, #tpu.memory_space<hbm>>
      %dma_start3A_467 = tpu.memref_slice %arg10[%dma_start3A_460] : memref<2x!tpu.dma_semaphore, #tpu.memory_space<semaphore_mem>> -> memref<1x!tpu.dma_semaphore, #tpu.memory_space<semaphore_mem>>
      %dma_start3A_468 = tpu.memref_squeeze %dma_start3A_467 : memref<1x!tpu.dma_semaphore, #tpu.memory_space<semaphore_mem>> -> memref<!tpu.dma_semaphore, #tpu.memory_space<semaphore_mem>>
      %dma_start3A_469 = arith.constant 0 : i32
      %dma_start3A_470 = tpu.memref_slice %arg7[%dma_start3A_459, %add3A_458, %dma_start3A_469] : memref<2x128x64xf32, #tpu.memory_space<vmem>> -> memref<1x1x64xf32, #tpu.memory_space<vmem>>
      %dma_start3A_471 = tpu.memref_squeeze %dma_start3A_470 : memref<1x1x64xf32, #tpu.memory_space<vmem>> -> memref<64xf32, #tpu.memory_space<vmem>>
      %dma_start3A_472 = arith.constant 0 : i32
      %dma_start3A_473 = tpu.memref_slice %arg4[%squeeze3A_454, %dma_start3A_472] : memref<1000000x64xf32, #tpu.memory_space<hbm>> -> memref<1x64xf32, #tpu.memory_space<hbm>>
      %dma_start3A_474 = tpu.memref_squeeze %dma_start3A_473 : memref<1x64xf32, #tpu.memory_space<hbm>> -> memref<64xf32, #tpu.memory_space<hbm>>
      tpu.enqueue_dma source(%dma_start3A_474 : memref<64xf32, #tpu.memory_space<hbm>>) target(%dma_start3A_471 : memref<64xf32, #tpu.memory_space<vmem>>) target_semaphore(%dma_start3A_468 : memref<!tpu.dma_semaphore, #tpu.memory_space<semaphore_mem>>)
      %slice3A_475 = vector.extract_strided_slice %get3A_146 {offsets = [15], sizes = [1], strides = [1]} : vector<16xi32> to vector<1xi32>
      %squeeze3A_476 = vector.extract %slice3A_475[0] : i32 from vector<1xi32>
      %mul3A_477 = arith.constant 16 : i32
      %mul3A_478 = arith.muli %scan3A_139, %mul3A_477 : i32
      %add3A_479 = arith.constant 15 : i32
      %add3A_480 = arith.addi %mul3A_478, %add3A_479 : i32
      %dma_start3A_481 = arith.constant 0 : i32
      %dma_start3A_482 = arith.constant 0 : i32
      %dma_start3A_483 = arith.constant 0 : i32
      %dma_start3A_484 = tpu.memref_slice %arg7[%dma_start3A_481, %add3A_480, %dma_start3A_483] : memref<2x128x64xf32, #tpu.memory_space<vmem>> -> memref<1x1x64xf32, #tpu.memory_space<vmem>>
      %dma_start3A_485 = tpu.memref_squeeze %dma_start3A_484 : memref<1x1x64xf32, #tpu.memory_space<vmem>> -> memref<64xf32, #tpu.memory_space<vmem>>
      %dma_start3A_486 = arith.constant 0 : i32
      %dma_start3A_487 = tpu.memref_slice %arg4[%squeeze3A_476, %dma_start3A_486] : memref<1000000x64xf32, #tpu.memory_space<hbm>> -> memref<1x64xf32, #tpu.memory_space<hbm>>
      %dma_start3A_488 = tpu.memref_squeeze %dma_start3A_487 : memref<1x64xf32, #tpu.memory_space<hbm>> -> memref<64xf32, #tpu.memory_space<hbm>>
      %dma_start3A_489 = tpu.memref_slice %arg10[%dma_start3A_482] : memref<2x!tpu.dma_semaphore, #tpu.memory_space<semaphore_mem>> -> memref<1x!tpu.dma_semaphore, #tpu.memory_space<semaphore_mem>>
      %dma_start3A_490 = tpu.memref_squeeze %dma_start3A_489 : memref<1x!tpu.dma_semaphore, #tpu.memory_space<semaphore_mem>> -> memref<!tpu.dma_semaphore, #tpu.memory_space<semaphore_mem>>
      %dma_start3A_491 = arith.constant 0 : i32
      %dma_start3A_492 = tpu.memref_slice %arg7[%dma_start3A_481, %add3A_480, %dma_start3A_491] : memref<2x128x64xf32, #tpu.memory_space<vmem>> -> memref<1x1x64xf32, #tpu.memory_space<vmem>>
      %dma_start3A_493 = tpu.memref_squeeze %dma_start3A_492 : memref<1x1x64xf32, #tpu.memory_space<vmem>> -> memref<64xf32, #tpu.memory_space<vmem>>
      %dma_start3A_494 = arith.constant 0 : i32
      %dma_start3A_495 = tpu.memref_slice %arg4[%squeeze3A_476, %dma_start3A_494] : memref<1000000x64xf32, #tpu.memory_space<hbm>> -> memref<1x64xf32, #tpu.memory_space<hbm>>
      %dma_start3A_496 = tpu.memref_squeeze %dma_start3A_495 : memref<1x64xf32, #tpu.memory_space<hbm>> -> memref<64xf32, #tpu.memory_space<hbm>>
      tpu.enqueue_dma source(%dma_start3A_496 : memref<64xf32, #tpu.memory_space<hbm>>) target(%dma_start3A_493 : memref<64xf32, #tpu.memory_space<vmem>>) target_semaphore(%dma_start3A_490 : memref<!tpu.dma_semaphore, #tpu.memory_space<semaphore_mem>>)
      %scan3A_497 = arith.constant 0 : i32
      scf.yield %scan3A_497 : i32
    }
    %scan3A_12 = arith.constant 8 : i32
    %scan3A_13 = arith.constant 0 : i32
    %scan3A_14 = arith.constant 0 : i32
    %scan3A_15 = arith.constant 8 : i32
    %scan3A_16 = arith.addi %scan3A_14, %scan3A_15 : i32
    %scan3A_17 = arith.constant 1 : i32
    %scan3A_18 = scf.for %scan3A_139 = %scan3A_14 to %scan3A_16 step %scan3A_17 iter_args(%scan3A_140 = %scan3A_13) -> (i32)  : i32 {
      %mul3A_141 = arith.constant 16 : i32
      %mul3A_142 = arith.muli %scan3A_139, %mul3A_141 : i32
      %add3A_143 = arith.constant 128 : i32
      %add3A_144 = arith.addi %add3A_143, %mul3A_142 : i32
      %get3A = arith.index_cast %add3A_144 : i32 to index
      %get3A_145 = tpu.vector_load %arg6[%get3A] {strides = array<i32>} : memref<512xi32, #tpu.memory_space<vmem>>, vector<16xi32>,
      %get3A_146 = vector.shape_cast %get3A_145 : vector<16xi32> to vector<16xi32>
      %slice3A = vector.extract_strided_slice %get3A_146 {offsets = [0], sizes = [1], strides = [1]} : vector<16xi32> to vector<1xi32>
      %squeeze3A = vector.extract %slice3A[0] : i32 from vector<1xi32>
      %mul3A_147 = arith.constant 16 : i32
      %mul3A_148 = arith.muli %scan3A_139, %mul3A_147 : i32
      %add3A_149 = arith.constant 0 : i32
      %add3A_150 = arith.addi %mul3A_148, %add3A_149 : i32
      %dma_start3A_151 = arith.constant 1 : i32
      %dma_start3A_152 = arith.constant 1 : i32
      %dma_start3A_153 = arith.constant 0 : i32
      %dma_start3A_154 = tpu.memref_slice %arg7[%dma_start3A_151, %add3A_150, %dma_start3A_153] : memref<2x128x64xf32, #tpu.memory_space<vmem>> -> memref<1x1x64xf32, #tpu.memory_space<vmem>>
      %dma_start3A_155 = tpu.memref_squeeze %dma_start3A_154 : memref<1x1x64xf32, #tpu.memory_space<vmem>> -> memref<64xf32, #tpu.memory_space<vmem>>
      %dma_start3A_156 = arith.constant 0 : i32
      %dma_start3A_157 = tpu.memref_slice %arg4[%squeeze3A, %dma_start3A_156] : memref<1000000x64xf32, #tpu.memory_space<hbm>> -> memref<1x64xf32, #tpu.memory_space<hbm>>
      %dma_start3A_158 = tpu.memref_squeeze %dma_start3A_157 : memref<1x64xf32, #tpu.memory_space<hbm>> -> memref<64xf32, #tpu.memory_space<hbm>>
      %dma_start3A_159 = tpu.memref_slice %arg10[%dma_start3A_152] : memref<2x!tpu.dma_semaphore, #tpu.memory_space<semaphore_mem>> -> memref<1x!tpu.dma_semaphore, #tpu.memory_space<semaphore_mem>>
      %dma_start3A_160 = tpu.memref_squeeze %dma_start3A_159 : memref<1x!tpu.dma_semaphore, #tpu.memory_space<semaphore_mem>> -> memref<!tpu.dma_semaphore, #tpu.memory_space<semaphore_mem>>
      %dma_start3A_161 = arith.constant 0 : i32
      %dma_start3A_162 = tpu.memref_slice %arg7[%dma_start3A_151, %add3A_150, %dma_start3A_161] : memref<2x128x64xf32, #tpu.memory_space<vmem>> -> memref<1x1x64xf32, #tpu.memory_space<vmem>>
      %dma_start3A_163 = tpu.memref_squeeze %dma_start3A_162 : memref<1x1x64xf32, #tpu.memory_space<vmem>> -> memref<64xf32, #tpu.memory_space<vmem>>
      %dma_start3A_164 = arith.constant 0 : i32
      %dma_start3A_165 = tpu.memref_slice %arg4[%squeeze3A, %dma_start3A_164] : memref<1000000x64xf32, #tpu.memory_space<hbm>> -> memref<1x64xf32, #tpu.memory_space<hbm>>
      %dma_start3A_166 = tpu.memref_squeeze %dma_start3A_165 : memref<1x64xf32, #tpu.memory_space<hbm>> -> memref<64xf32, #tpu.memory_space<hbm>>
      tpu.enqueue_dma source(%dma_start3A_166 : memref<64xf32, #tpu.memory_space<hbm>>) target(%dma_start3A_163 : memref<64xf32, #tpu.memory_space<vmem>>) target_semaphore(%dma_start3A_160 : memref<!tpu.dma_semaphore, #tpu.memory_space<semaphore_mem>>)
      %slice3A_167 = vector.extract_strided_slice %get3A_146 {offsets = [1], sizes = [1], strides = [1]} : vector<16xi32> to vector<1xi32>
      %squeeze3A_168 = vector.extract %slice3A_167[0] : i32 from vector<1xi32>
      %mul3A_169 = arith.constant 16 : i32
      %mul3A_170 = arith.muli %scan3A_139, %mul3A_169 : i32
      %add3A_171 = arith.constant 1 : i32
      %add3A_172 = arith.addi %mul3A_170, %add3A_171 : i32
      %dma_start3A_173 = arith.constant 1 : i32
      %dma_start3A_174 = arith.constant 1 : i32
      %dma_start3A_175 = arith.constant 0 : i32
      %dma_start3A_176 = tpu.memref_slice %arg7[%dma_start3A_173, %add3A_172, %dma_start3A_175] : memref<2x128x64xf32, #tpu.memory_space<vmem>> -> memref<1x1x64xf32, #tpu.memory_space<vmem>>
      %dma_start3A_177 = tpu.memref_squeeze %dma_start3A_176 : memref<1x1x64xf32, #tpu.memory_space<vmem>> -> memref<64xf32, #tpu.memory_space<vmem>>
      %dma_start3A_178 = arith.constant 0 : i32
      %dma_start3A_179 = tpu.memref_slice %arg4[%squeeze3A_168, %dma_start3A_178] : memref<1000000x64xf32, #tpu.memory_space<hbm>> -> memref<1x64xf32, #tpu.memory_space<hbm>>
      %dma_start3A_180 = tpu.memref_squeeze %dma_start3A_179 : memref<1x64xf32, #tpu.memory_space<hbm>> -> memref<64xf32, #tpu.memory_space<hbm>>
      %dma_start3A_181 = tpu.memref_slice %arg10[%dma_start3A_174] : memref<2x!tpu.dma_semaphore, #tpu.memory_space<semaphore_mem>> -> memref<1x!tpu.dma_semaphore, #tpu.memory_space<semaphore_mem>>
      %dma_start3A_182 = tpu.memref_squeeze %dma_start3A_181 : memref<1x!tpu.dma_semaphore, #tpu.memory_space<semaphore_mem>> -> memref<!tpu.dma_semaphore, #tpu.memory_space<semaphore_mem>>
      %dma_start3A_183 = arith.constant 0 : i32
      %dma_start3A_184 = tpu.memref_slice %arg7[%dma_start3A_173, %add3A_172, %dma_start3A_183] : memref<2x128x64xf32, #tpu.memory_space<vmem>> -> memref<1x1x64xf32, #tpu.memory_space<vmem>>
      %dma_start3A_185 = tpu.memref_squeeze %dma_start3A_184 : memref<1x1x64xf32, #tpu.memory_space<vmem>> -> memref<64xf32, #tpu.memory_space<vmem>>
      %dma_start3A_186 = arith.constant 0 : i32
      %dma_start3A_187 = tpu.memref_slice %arg4[%squeeze3A_168, %dma_start3A_186] : memref<1000000x64xf32, #tpu.memory_space<hbm>> -> memref<1x64xf32, #tpu.memory_space<hbm>>
      %dma_start3A_188 = tpu.memref_squeeze %dma_start3A_187 : memref<1x64xf32, #tpu.memory_space<hbm>> -> memref<64xf32, #tpu.memory_space<hbm>>
      tpu.enqueue_dma source(%dma_start3A_188 : memref<64xf32, #tpu.memory_space<hbm>>) target(%dma_start3A_185 : memref<64xf32, #tpu.memory_space<vmem>>) target_semaphore(%dma_start3A_182 : memref<!tpu.dma_semaphore, #tpu.memory_space<semaphore_mem>>)
      %slice3A_189 = vector.extract_strided_slice %get3A_146 {offsets = [2], sizes = [1], strides = [1]} : vector<16xi32> to vector<1xi32>
      %squeeze3A_190 = vector.extract %slice3A_189[0] : i32 from vector<1xi32>
      %mul3A_191 = arith.constant 16 : i32
      %mul3A_192 = arith.muli %scan3A_139, %mul3A_191 : i32
      %add3A_193 = arith.constant 2 : i32
      %add3A_194 = arith.addi %mul3A_192, %add3A_193 : i32
      %dma_start3A_195 = arith.constant 1 : i32
      %dma_start3A_196 = arith.constant 1 : i32
      %dma_start3A_197 = arith.constant 0 : i32
      %dma_start3A_198 = tpu.memref_slice %arg7[%dma_start3A_195, %add3A_194, %dma_start3A_197] : memref<2x128x64xf32, #tpu.memory_space<vmem>> -> memref<1x1x64xf32, #tpu.memory_space<vmem>>
      %dma_start3A_199 = tpu.memref_squeeze %dma_start3A_198 : memref<1x1x64xf32, #tpu.memory_space<vmem>> -> memref<64xf32, #tpu.memory_space<vmem>>
      %dma_start3A_200 = arith.constant 0 : i32
      %dma_start3A_201 = tpu.memref_slice %arg4[%squeeze3A_190, %dma_start3A_200] : memref<1000000x64xf32, #tpu.memory_space<hbm>> -> memref<1x64xf32, #tpu.memory_space<hbm>>
      %dma_start3A_202 = tpu.memref_squeeze %dma_start3A_201 : memref<1x64xf32, #tpu.memory_space<hbm>> -> memref<64xf32, #tpu.memory_space<hbm>>
      %dma_start3A_203 = tpu.memref_slice %arg10[%dma_start3A_196] : memref<2x!tpu.dma_semaphore, #tpu.memory_space<semaphore_mem>> -> memref<1x!tpu.dma_semaphore, #tpu.memory_space<semaphore_mem>>
      %dma_start3A_204 = tpu.memref_squeeze %dma_start3A_203 : memref<1x!tpu.dma_semaphore, #tpu.memory_space<semaphore_mem>> -> memref<!tpu.dma_semaphore, #tpu.memory_space<semaphore_mem>>
      %dma_start3A_205 = arith.constant 0 : i32
      %dma_start3A_206 = tpu.memref_slice %arg7[%dma_start3A_195, %add3A_194, %dma_start3A_205] : memref<2x128x64xf32, #tpu.memory_space<vmem>> -> memref<1x1x64xf32, #tpu.memory_space<vmem>>
      %dma_start3A_207 = tpu.memref_squeeze %dma_start3A_206 : memref<1x1x64xf32, #tpu.memory_space<vmem>> -> memref<64xf32, #tpu.memory_space<vmem>>
      %dma_start3A_208 = arith.constant 0 : i32
      %dma_start3A_209 = tpu.memref_slice %arg4[%squeeze3A_190, %dma_start3A_208] : memref<1000000x64xf32, #tpu.memory_space<hbm>> -> memref<1x64xf32, #tpu.memory_space<hbm>>
      %dma_start3A_210 = tpu.memref_squeeze %dma_start3A_209 : memref<1x64xf32, #tpu.memory_space<hbm>> -> memref<64xf32, #tpu.memory_space<hbm>>
      tpu.enqueue_dma source(%dma_start3A_210 : memref<64xf32, #tpu.memory_space<hbm>>) target(%dma_start3A_207 : memref<64xf32, #tpu.memory_space<vmem>>) target_semaphore(%dma_start3A_204 : memref<!tpu.dma_semaphore, #tpu.memory_space<semaphore_mem>>)
      %slice3A_211 = vector.extract_strided_slice %get3A_146 {offsets = [3], sizes = [1], strides = [1]} : vector<16xi32> to vector<1xi32>
      %squeeze3A_212 = vector.extract %slice3A_211[0] : i32 from vector<1xi32>
      %mul3A_213 = arith.constant 16 : i32
      %mul3A_214 = arith.muli %scan3A_139, %mul3A_213 : i32
      %add3A_215 = arith.constant 3 : i32
      %add3A_216 = arith.addi %mul3A_214, %add3A_215 : i32
      %dma_start3A_217 = arith.constant 1 : i32
      %dma_start3A_218 = arith.constant 1 : i32
      %dma_start3A_219 = arith.constant 0 : i32
      %dma_start3A_220 = tpu.memref_slice %arg7[%dma_start3A_217, %add3A_216, %dma_start3A_219] : memref<2x128x64xf32, #tpu.memory_space<vmem>> -> memref<1x1x64xf32, #tpu.memory_space<vmem>>
      %dma_start3A_221 = tpu.memref_squeeze %dma_start3A_220 : memref<1x1x64xf32, #tpu.memory_space<vmem>> -> memref<64xf32, #tpu.memory_space<vmem>>
      %dma_start3A_222 = arith.constant 0 : i32
      %dma_start3A_223 = tpu.memref_slice %arg4[%squeeze3A_212, %dma_start3A_222] : memref<1000000x64xf32, #tpu.memory_space<hbm>> -> memref<1x64xf32, #tpu.memory_space<hbm>>
      %dma_start3A_224 = tpu.memref_squeeze %dma_start3A_223 : memref<1x64xf32, #tpu.memory_space<hbm>> -> memref<64xf32, #tpu.memory_space<hbm>>
      %dma_start3A_225 = tpu.memref_slice %arg10[%dma_start3A_218] : memref<2x!tpu.dma_semaphore, #tpu.memory_space<semaphore_mem>> -> memref<1x!tpu.dma_semaphore, #tpu.memory_space<semaphore_mem>>
      %dma_start3A_226 = tpu.memref_squeeze %dma_start3A_225 : memref<1x!tpu.dma_semaphore, #tpu.memory_space<semaphore_mem>> -> memref<!tpu.dma_semaphore, #tpu.memory_space<semaphore_mem>>
      %dma_start3A_227 = arith.constant 0 : i32
      %dma_start3A_228 = tpu.memref_slice %arg7[%dma_start3A_217, %add3A_216, %dma_start3A_227] : memref<2x128x64xf32, #tpu.memory_space<vmem>> -> memref<1x1x64xf32, #tpu.memory_space<vmem>>
      %dma_start3A_229 = tpu.memref_squeeze %dma_start3A_228 : memref<1x1x64xf32, #tpu.memory_space<vmem>> -> memref<64xf32, #tpu.memory_space<vmem>>
      %dma_start3A_230 = arith.constant 0 : i32
      %dma_start3A_231 = tpu.memref_slice %arg4[%squeeze3A_212, %dma_start3A_230] : memref<1000000x64xf32, #tpu.memory_space<hbm>> -> memref<1x64xf32, #tpu.memory_space<hbm>>
      %dma_start3A_232 = tpu.memref_squeeze %dma_start3A_231 : memref<1x64xf32, #tpu.memory_space<hbm>> -> memref<64xf32, #tpu.memory_space<hbm>>
      tpu.enqueue_dma source(%dma_start3A_232 : memref<64xf32, #tpu.memory_space<hbm>>) target(%dma_start3A_229 : memref<64xf32, #tpu.memory_space<vmem>>) target_semaphore(%dma_start3A_226 : memref<!tpu.dma_semaphore, #tpu.memory_space<semaphore_mem>>)
      %slice3A_233 = vector.extract_strided_slice %get3A_146 {offsets = [4], sizes = [1], strides = [1]} : vector<16xi32> to vector<1xi32>
      %squeeze3A_234 = vector.extract %slice3A_233[0] : i32 from vector<1xi32>
      %mul3A_235 = arith.constant 16 : i32
      %mul3A_236 = arith.muli %scan3A_139, %mul3A_235 : i32
      %add3A_237 = arith.constant 4 : i32
      %add3A_238 = arith.addi %mul3A_236, %add3A_237 : i32
      %dma_start3A_239 = arith.constant 1 : i32
      %dma_start3A_240 = arith.constant 1 : i32
      %dma_start3A_241 = arith.constant 0 : i32
      %dma_start3A_242 = tpu.memref_slice %arg7[%dma_start3A_239, %add3A_238, %dma_start3A_241] : memref<2x128x64xf32, #tpu.memory_space<vmem>> -> memref<1x1x64xf32, #tpu.memory_space<vmem>>
      %dma_start3A_243 = tpu.memref_squeeze %dma_start3A_242 : memref<1x1x64xf32, #tpu.memory_space<vmem>> -> memref<64xf32, #tpu.memory_space<vmem>>
      %dma_start3A_244 = arith.constant 0 : i32
      %dma_start3A_245 = tpu.memref_slice %arg4[%squeeze3A_234, %dma_start3A_244] : memref<1000000x64xf32, #tpu.memory_space<hbm>> -> memref<1x64xf32, #tpu.memory_space<hbm>>
      %dma_start3A_246 = tpu.memref_squeeze %dma_start3A_245 : memref<1x64xf32, #tpu.memory_space<hbm>> -> memref<64xf32, #tpu.memory_space<hbm>>
      %dma_start3A_247 = tpu.memref_slice %arg10[%dma_start3A_240] : memref<2x!tpu.dma_semaphore, #tpu.memory_space<semaphore_mem>> -> memref<1x!tpu.dma_semaphore, #tpu.memory_space<semaphore_mem>>
      %dma_start3A_248 = tpu.memref_squeeze %dma_start3A_247 : memref<1x!tpu.dma_semaphore, #tpu.memory_space<semaphore_mem>> -> memref<!tpu.dma_semaphore, #tpu.memory_space<semaphore_mem>>
      %dma_start3A_249 = arith.constant 0 : i32
      %dma_start3A_250 = tpu.memref_slice %arg7[%dma_start3A_239, %add3A_238, %dma_start3A_249] : memref<2x128x64xf32, #tpu.memory_space<vmem>> -> memref<1x1x64xf32, #tpu.memory_space<vmem>>
      %dma_start3A_251 = tpu.memref_squeeze %dma_start3A_250 : memref<1x1x64xf32, #tpu.memory_space<vmem>> -> memref<64xf32, #tpu.memory_space<vmem>>
      %dma_start3A_252 = arith.constant 0 : i32
      %dma_start3A_253 = tpu.memref_slice %arg4[%squeeze3A_234, %dma_start3A_252] : memref<1000000x64xf32, #tpu.memory_space<hbm>> -> memref<1x64xf32, #tpu.memory_space<hbm>>
      %dma_start3A_254 = tpu.memref_squeeze %dma_start3A_253 : memref<1x64xf32, #tpu.memory_space<hbm>> -> memref<64xf32, #tpu.memory_space<hbm>>
      tpu.enqueue_dma source(%dma_start3A_254 : memref<64xf32, #tpu.memory_space<hbm>>) target(%dma_start3A_251 : memref<64xf32, #tpu.memory_space<vmem>>) target_semaphore(%dma_start3A_248 : memref<!tpu.dma_semaphore, #tpu.memory_space<semaphore_mem>>)
      %slice3A_255 = vector.extract_strided_slice %get3A_146 {offsets = [5], sizes = [1], strides = [1]} : vector<16xi32> to vector<1xi32>
      %squeeze3A_256 = vector.extract %slice3A_255[0] : i32 from vector<1xi32>
      %mul3A_257 = arith.constant 16 : i32
      %mul3A_258 = arith.muli %scan3A_139, %mul3A_257 : i32
      %add3A_259 = arith.constant 5 : i32
      %add3A_260 = arith.addi %mul3A_258, %add3A_259 : i32
      %dma_start3A_261 = arith.constant 1 : i32
      %dma_start3A_262 = arith.constant 1 : i32
      %dma_start3A_263 = arith.constant 0 : i32
      %dma_start3A_264 = tpu.memref_slice %arg7[%dma_start3A_261, %add3A_260, %dma_start3A_263] : memref<2x128x64xf32, #tpu.memory_space<vmem>> -> memref<1x1x64xf32, #tpu.memory_space<vmem>>
      %dma_start3A_265 = tpu.memref_squeeze %dma_start3A_264 : memref<1x1x64xf32, #tpu.memory_space<vmem>> -> memref<64xf32, #tpu.memory_space<vmem>>
      %dma_start3A_266 = arith.constant 0 : i32
      %dma_start3A_267 = tpu.memref_slice %arg4[%squeeze3A_256, %dma_start3A_266] : memref<1000000x64xf32, #tpu.memory_space<hbm>> -> memref<1x64xf32, #tpu.memory_space<hbm>>
      %dma_start3A_268 = tpu.memref_squeeze %dma_start3A_267 : memref<1x64xf32, #tpu.memory_space<hbm>> -> memref<64xf32, #tpu.memory_space<hbm>>
      %dma_start3A_269 = tpu.memref_slice %arg10[%dma_start3A_262] : memref<2x!tpu.dma_semaphore, #tpu.memory_space<semaphore_mem>> -> memref<1x!tpu.dma_semaphore, #tpu.memory_space<semaphore_mem>>
      %dma_start3A_270 = tpu.memref_squeeze %dma_start3A_269 : memref<1x!tpu.dma_semaphore, #tpu.memory_space<semaphore_mem>> -> memref<!tpu.dma_semaphore, #tpu.memory_space<semaphore_mem>>
      %dma_start3A_271 = arith.constant 0 : i32
      %dma_start3A_272 = tpu.memref_slice %arg7[%dma_start3A_261, %add3A_260, %dma_start3A_271] : memref<2x128x64xf32, #tpu.memory_space<vmem>> -> memref<1x1x64xf32, #tpu.memory_space<vmem>>
      %dma_start3A_273 = tpu.memref_squeeze %dma_start3A_272 : memref<1x1x64xf32, #tpu.memory_space<vmem>> -> memref<64xf32, #tpu.memory_space<vmem>>
      %dma_start3A_274 = arith.constant 0 : i32
      %dma_start3A_275 = tpu.memref_slice %arg4[%squeeze3A_256, %dma_start3A_274] : memref<1000000x64xf32, #tpu.memory_space<hbm>> -> memref<1x64xf32, #tpu.memory_space<hbm>>
      %dma_start3A_276 = tpu.memref_squeeze %dma_start3A_275 : memref<1x64xf32, #tpu.memory_space<hbm>> -> memref<64xf32, #tpu.memory_space<hbm>>
      tpu.enqueue_dma source(%dma_start3A_276 : memref<64xf32, #tpu.memory_space<hbm>>) target(%dma_start3A_273 : memref<64xf32, #tpu.memory_space<vmem>>) target_semaphore(%dma_start3A_270 : memref<!tpu.dma_semaphore, #tpu.memory_space<semaphore_mem>>)
      %slice3A_277 = vector.extract_strided_slice %get3A_146 {offsets = [6], sizes = [1], strides = [1]} : vector<16xi32> to vector<1xi32>
      %squeeze3A_278 = vector.extract %slice3A_277[0] : i32 from vector<1xi32>
      %mul3A_279 = arith.constant 16 : i32
      %mul3A_280 = arith.muli %scan3A_139, %mul3A_279 : i32
      %add3A_281 = arith.constant 6 : i32
      %add3A_282 = arith.addi %mul3A_280, %add3A_281 : i32
      %dma_start3A_283 = arith.constant 1 : i32
      %dma_start3A_284 = arith.constant 1 : i32
      %dma_start3A_285 = arith.constant 0 : i32
      %dma_start3A_286 = tpu.memref_slice %arg7[%dma_start3A_283, %add3A_282, %dma_start3A_285] : memref<2x128x64xf32, #tpu.memory_space<vmem>> -> memref<1x1x64xf32, #tpu.memory_space<vmem>>
      %dma_start3A_287 = tpu.memref_squeeze %dma_start3A_286 : memref<1x1x64xf32, #tpu.memory_space<vmem>> -> memref<64xf32, #tpu.memory_space<vmem>>
      %dma_start3A_288 = arith.constant 0 : i32
      %dma_start3A_289 = tpu.memref_slice %arg4[%squeeze3A_278, %dma_start3A_288] : memref<1000000x64xf32, #tpu.memory_space<hbm>> -> memref<1x64xf32, #tpu.memory_space<hbm>>
      %dma_start3A_290 = tpu.memref_squeeze %dma_start3A_289 : memref<1x64xf32, #tpu.memory_space<hbm>> -> memref<64xf32, #tpu.memory_space<hbm>>
      %dma_start3A_291 = tpu.memref_slice %arg10[%dma_start3A_284] : memref<2x!tpu.dma_semaphore, #tpu.memory_space<semaphore_mem>> -> memref<1x!tpu.dma_semaphore, #tpu.memory_space<semaphore_mem>>
      %dma_start3A_292 = tpu.memref_squeeze %dma_start3A_291 : memref<1x!tpu.dma_semaphore, #tpu.memory_space<semaphore_mem>> -> memref<!tpu.dma_semaphore, #tpu.memory_space<semaphore_mem>>
      %dma_start3A_293 = arith.constant 0 : i32
      %dma_start3A_294 = tpu.memref_slice %arg7[%dma_start3A_283, %add3A_282, %dma_start3A_293] : memref<2x128x64xf32, #tpu.memory_space<vmem>> -> memref<1x1x64xf32, #tpu.memory_space<vmem>>
      %dma_start3A_295 = tpu.memref_squeeze %dma_start3A_294 : memref<1x1x64xf32, #tpu.memory_space<vmem>> -> memref<64xf32, #tpu.memory_space<vmem>>
      %dma_start3A_296 = arith.constant 0 : i32
      %dma_start3A_297 = tpu.memref_slice %arg4[%squeeze3A_278, %dma_start3A_296] : memref<1000000x64xf32, #tpu.memory_space<hbm>> -> memref<1x64xf32, #tpu.memory_space<hbm>>
      %dma_start3A_298 = tpu.memref_squeeze %dma_start3A_297 : memref<1x64xf32, #tpu.memory_space<hbm>> -> memref<64xf32, #tpu.memory_space<hbm>>
      tpu.enqueue_dma source(%dma_start3A_298 : memref<64xf32, #tpu.memory_space<hbm>>) target(%dma_start3A_295 : memref<64xf32, #tpu.memory_space<vmem>>) target_semaphore(%dma_start3A_292 : memref<!tpu.dma_semaphore, #tpu.memory_space<semaphore_mem>>)
      %slice3A_299 = vector.extract_strided_slice %get3A_146 {offsets = [7], sizes = [1], strides = [1]} : vector<16xi32> to vector<1xi32>
      %squeeze3A_300 = vector.extract %slice3A_299[0] : i32 from vector<1xi32>
      %mul3A_301 = arith.constant 16 : i32
      %mul3A_302 = arith.muli %scan3A_139, %mul3A_301 : i32
      %add3A_303 = arith.constant 7 : i32
      %add3A_304 = arith.addi %mul3A_302, %add3A_303 : i32
      %dma_start3A_305 = arith.constant 1 : i32
      %dma_start3A_306 = arith.constant 1 : i32
      %dma_start3A_307 = arith.constant 0 : i32
      %dma_start3A_308 = tpu.memref_slice %arg7[%dma_start3A_305, %add3A_304, %dma_start3A_307] : memref<2x128x64xf32, #tpu.memory_space<vmem>> -> memref<1x1x64xf32, #tpu.memory_space<vmem>>
      %dma_start3A_309 = tpu.memref_squeeze %dma_start3A_308 : memref<1x1x64xf32, #tpu.memory_space<vmem>> -> memref<64xf32, #tpu.memory_space<vmem>>
      %dma_start3A_310 = arith.constant 0 : i32
      %dma_start3A_311 = tpu.memref_slice %arg4[%squeeze3A_300, %dma_start3A_310] : memref<1000000x64xf32, #tpu.memory_space<hbm>> -> memref<1x64xf32, #tpu.memory_space<hbm>>
      %dma_start3A_312 = tpu.memref_squeeze %dma_start3A_311 : memref<1x64xf32, #tpu.memory_space<hbm>> -> memref<64xf32, #tpu.memory_space<hbm>>
      %dma_start3A_313 = tpu.memref_slice %arg10[%dma_start3A_306] : memref<2x!tpu.dma_semaphore, #tpu.memory_space<semaphore_mem>> -> memref<1x!tpu.dma_semaphore, #tpu.memory_space<semaphore_mem>>
      %dma_start3A_314 = tpu.memref_squeeze %dma_start3A_313 : memref<1x!tpu.dma_semaphore, #tpu.memory_space<semaphore_mem>> -> memref<!tpu.dma_semaphore, #tpu.memory_space<semaphore_mem>>
      %dma_start3A_315 = arith.constant 0 : i32
      %dma_start3A_316 = tpu.memref_slice %arg7[%dma_start3A_305, %add3A_304, %dma_start3A_315] : memref<2x128x64xf32, #tpu.memory_space<vmem>> -> memref<1x1x64xf32, #tpu.memory_space<vmem>>
      %dma_start3A_317 = tpu.memref_squeeze %dma_start3A_316 : memref<1x1x64xf32, #tpu.memory_space<vmem>> -> memref<64xf32, #tpu.memory_space<vmem>>
      %dma_start3A_318 = arith.constant 0 : i32
      %dma_start3A_319 = tpu.memref_slice %arg4[%squeeze3A_300, %dma_start3A_318] : memref<1000000x64xf32, #tpu.memory_space<hbm>> -> memref<1x64xf32, #tpu.memory_space<hbm>>
      %dma_start3A_320 = tpu.memref_squeeze %dma_start3A_319 : memref<1x64xf32, #tpu.memory_space<hbm>> -> memref<64xf32, #tpu.memory_space<hbm>>
      tpu.enqueue_dma source(%dma_start3A_320 : memref<64xf32, #tpu.memory_space<hbm>>) target(%dma_start3A_317 : memref<64xf32, #tpu.memory_space<vmem>>) target_semaphore(%dma_start3A_314 : memref<!tpu.dma_semaphore, #tpu.memory_space<semaphore_mem>>)
      %slice3A_321 = vector.extract_strided_slice %get3A_146 {offsets = [8], sizes = [1], strides = [1]} : vector<16xi32> to vector<1xi32>
      %squeeze3A_322 = vector.extract %slice3A_321[0] : i32 from vector<1xi32>
      %mul3A_323 = arith.constant 16 : i32
      %mul3A_324 = arith.muli %scan3A_139, %mul3A_323 : i32
      %add3A_325 = arith.constant 8 : i32
      %add3A_326 = arith.addi %mul3A_324, %add3A_325 : i32
      %dma_start3A_327 = arith.constant 1 : i32
      %dma_start3A_328 = arith.constant 1 : i32
      %dma_start3A_329 = arith.constant 0 : i32
      %dma_start3A_330 = tpu.memref_slice %arg7[%dma_start3A_327, %add3A_326, %dma_start3A_329] : memref<2x128x64xf32, #tpu.memory_space<vmem>> -> memref<1x1x64xf32, #tpu.memory_space<vmem>>
      %dma_start3A_331 = tpu.memref_squeeze %dma_start3A_330 : memref<1x1x64xf32, #tpu.memory_space<vmem>> -> memref<64xf32, #tpu.memory_space<vmem>>
      %dma_start3A_332 = arith.constant 0 : i32
      %dma_start3A_333 = tpu.memref_slice %arg4[%squeeze3A_322, %dma_start3A_332] : memref<1000000x64xf32, #tpu.memory_space<hbm>> -> memref<1x64xf32, #tpu.memory_space<hbm>>
      %dma_start3A_334 = tpu.memref_squeeze %dma_start3A_333 : memref<1x64xf32, #tpu.memory_space<hbm>> -> memref<64xf32, #tpu.memory_space<hbm>>
      %dma_start3A_335 = tpu.memref_slice %arg10[%dma_start3A_328] : memref<2x!tpu.dma_semaphore, #tpu.memory_space<semaphore_mem>> -> memref<1x!tpu.dma_semaphore, #tpu.memory_space<semaphore_mem>>
      %dma_start3A_336 = tpu.memref_squeeze %dma_start3A_335 : memref<1x!tpu.dma_semaphore, #tpu.memory_space<semaphore_mem>> -> memref<!tpu.dma_semaphore, #tpu.memory_space<semaphore_mem>>
      %dma_start3A_337 = arith.constant 0 : i32
      %dma_start3A_338 = tpu.memref_slice %arg7[%dma_start3A_327, %add3A_326, %dma_start3A_337] : memref<2x128x64xf32, #tpu.memory_space<vmem>> -> memref<1x1x64xf32, #tpu.memory_space<vmem>>
      %dma_start3A_339 = tpu.memref_squeeze %dma_start3A_338 : memref<1x1x64xf32, #tpu.memory_space<vmem>> -> memref<64xf32, #tpu.memory_space<vmem>>
      %dma_start3A_340 = arith.constant 0 : i32
      %dma_start3A_341 = tpu.memref_slice %arg4[%squeeze3A_322, %dma_start3A_340] : memref<1000000x64xf32, #tpu.memory_space<hbm>> -> memref<1x64xf32, #tpu.memory_space<hbm>>
      %dma_start3A_342 = tpu.memref_squeeze %dma_start3A_341 : memref<1x64xf32, #tpu.memory_space<hbm>> -> memref<64xf32, #tpu.memory_space<hbm>>
      tpu.enqueue_dma source(%dma_start3A_342 : memref<64xf32, #tpu.memory_space<hbm>>) target(%dma_start3A_339 : memref<64xf32, #tpu.memory_space<vmem>>) target_semaphore(%dma_start3A_336 : memref<!tpu.dma_semaphore, #tpu.memory_space<semaphore_mem>>)
      %slice3A_343 = vector.extract_strided_slice %get3A_146 {offsets = [9], sizes = [1], strides = [1]} : vector<16xi32> to vector<1xi32>
      %squeeze3A_344 = vector.extract %slice3A_343[0] : i32 from vector<1xi32>
      %mul3A_345 = arith.constant 16 : i32
      %mul3A_346 = arith.muli %scan3A_139, %mul3A_345 : i32
      %add3A_347 = arith.constant 9 : i32
      %add3A_348 = arith.addi %mul3A_346, %add3A_347 : i32
      %dma_start3A_349 = arith.constant 1 : i32
      %dma_start3A_350 = arith.constant 1 : i32
      %dma_start3A_351 = arith.constant 0 : i32
      %dma_start3A_352 = tpu.memref_slice %arg7[%dma_start3A_349, %add3A_348, %dma_start3A_351] : memref<2x128x64xf32, #tpu.memory_space<vmem>> -> memref<1x1x64xf32, #tpu.memory_space<vmem>>
      %dma_start3A_353 = tpu.memref_squeeze %dma_start3A_352 : memref<1x1x64xf32, #tpu.memory_space<vmem>> -> memref<64xf32, #tpu.memory_space<vmem>>
      %dma_start3A_354 = arith.constant 0 : i32
      %dma_start3A_355 = tpu.memref_slice %arg4[%squeeze3A_344, %dma_start3A_354] : memref<1000000x64xf32, #tpu.memory_space<hbm>> -> memref<1x64xf32, #tpu.memory_space<hbm>>
      %dma_start3A_356 = tpu.memref_squeeze %dma_start3A_355 : memref<1x64xf32, #tpu.memory_space<hbm>> -> memref<64xf32, #tpu.memory_space<hbm>>
      %dma_start3A_357 = tpu.memref_slice %arg10[%dma_start3A_350] : memref<2x!tpu.dma_semaphore, #tpu.memory_space<semaphore_mem>> -> memref<1x!tpu.dma_semaphore, #tpu.memory_space<semaphore_mem>>
      %dma_start3A_358 = tpu.memref_squeeze %dma_start3A_357 : memref<1x!tpu.dma_semaphore, #tpu.memory_space<semaphore_mem>> -> memref<!tpu.dma_semaphore, #tpu.memory_space<semaphore_mem>>
      %dma_start3A_359 = arith.constant 0 : i32
      %dma_start3A_360 = tpu.memref_slice %arg7[%dma_start3A_349, %add3A_348, %dma_start3A_359] : memref<2x128x64xf32, #tpu.memory_space<vmem>> -> memref<1x1x64xf32, #tpu.memory_space<vmem>>
      %dma_start3A_361 = tpu.memref_squeeze %dma_start3A_360 : memref<1x1x64xf32, #tpu.memory_space<vmem>> -> memref<64xf32, #tpu.memory_space<vmem>>
      %dma_start3A_362 = arith.constant 0 : i32
      %dma_start3A_363 = tpu.memref_slice %arg4[%squeeze3A_344, %dma_start3A_362] : memref<1000000x64xf32, #tpu.memory_space<hbm>> -> memref<1x64xf32, #tpu.memory_space<hbm>>
      %dma_start3A_364 = tpu.memref_squeeze %dma_start3A_363 : memref<1x64xf32, #tpu.memory_space<hbm>> -> memref<64xf32, #tpu.memory_space<hbm>>
      tpu.enqueue_dma source(%dma_start3A_364 : memref<64xf32, #tpu.memory_space<hbm>>) target(%dma_start3A_361 : memref<64xf32, #tpu.memory_space<vmem>>) target_semaphore(%dma_start3A_358 : memref<!tpu.dma_semaphore, #tpu.memory_space<semaphore_mem>>)
      %slice3A_365 = vector.extract_strided_slice %get3A_146 {offsets = [10], sizes = [1], strides = [1]} : vector<16xi32> to vector<1xi32>
      %squeeze3A_366 = vector.extract %slice3A_365[0] : i32 from vector<1xi32>
      %mul3A_367 = arith.constant 16 : i32
      %mul3A_368 = arith.muli %scan3A_139, %mul3A_367 : i32
      %add3A_369 = arith.constant 10 : i32
      %add3A_370 = arith.addi %mul3A_368, %add3A_369 : i32
      %dma_start3A_371 = arith.constant 1 : i32
      %dma_start3A_372 = arith.constant 1 : i32
      %dma_start3A_373 = arith.constant 0 : i32
      %dma_start3A_374 = tpu.memref_slice %arg7[%dma_start3A_371, %add3A_370, %dma_start3A_373] : memref<2x128x64xf32, #tpu.memory_space<vmem>> -> memref<1x1x64xf32, #tpu.memory_space<vmem>>
      %dma_start3A_375 = tpu.memref_squeeze %dma_start3A_374 : memref<1x1x64xf32, #tpu.memory_space<vmem>> -> memref<64xf32, #tpu.memory_space<vmem>>
      %dma_start3A_376 = arith.constant 0 : i32
      %dma_start3A_377 = tpu.memref_slice %arg4[%squeeze3A_366, %dma_start3A_376] : memref<1000000x64xf32, #tpu.memory_space<hbm>> -> memref<1x64xf32, #tpu.memory_space<hbm>>
      %dma_start3A_378 = tpu.memref_squeeze %dma_start3A_377 : memref<1x64xf32, #tpu.memory_space<hbm>> -> memref<64xf32, #tpu.memory_space<hbm>>
      %dma_start3A_379 = tpu.memref_slice %arg10[%dma_start3A_372] : memref<2x!tpu.dma_semaphore, #tpu.memory_space<semaphore_mem>> -> memref<1x!tpu.dma_semaphore, #tpu.memory_space<semaphore_mem>>
      %dma_start3A_380 = tpu.memref_squeeze %dma_start3A_379 : memref<1x!tpu.dma_semaphore, #tpu.memory_space<semaphore_mem>> -> memref<!tpu.dma_semaphore, #tpu.memory_space<semaphore_mem>>
      %dma_start3A_381 = arith.constant 0 : i32
      %dma_start3A_382 = tpu.memref_slice %arg7[%dma_start3A_371, %add3A_370, %dma_start3A_381] : memref<2x128x64xf32, #tpu.memory_space<vmem>> -> memref<1x1x64xf32, #tpu.memory_space<vmem>>
      %dma_start3A_383 = tpu.memref_squeeze %dma_start3A_382 : memref<1x1x64xf32, #tpu.memory_space<vmem>> -> memref<64xf32, #tpu.memory_space<vmem>>
      %dma_start3A_384 = arith.constant 0 : i32
      %dma_start3A_385 = tpu.memref_slice %arg4[%squeeze3A_366, %dma_start3A_384] : memref<1000000x64xf32, #tpu.memory_space<hbm>> -> memref<1x64xf32, #tpu.memory_space<hbm>>
      %dma_start3A_386 = tpu.memref_squeeze %dma_start3A_385 : memref<1x64xf32, #tpu.memory_space<hbm>> -> memref<64xf32, #tpu.memory_space<hbm>>
      tpu.enqueue_dma source(%dma_start3A_386 : memref<64xf32, #tpu.memory_space<hbm>>) target(%dma_start3A_383 : memref<64xf32, #tpu.memory_space<vmem>>) target_semaphore(%dma_start3A_380 : memref<!tpu.dma_semaphore, #tpu.memory_space<semaphore_mem>>)
      %slice3A_387 = vector.extract_strided_slice %get3A_146 {offsets = [11], sizes = [1], strides = [1]} : vector<16xi32> to vector<1xi32>
      %squeeze3A_388 = vector.extract %slice3A_387[0] : i32 from vector<1xi32>
      %mul3A_389 = arith.constant 16 : i32
      %mul3A_390 = arith.muli %scan3A_139, %mul3A_389 : i32
      %add3A_391 = arith.constant 11 : i32
      %add3A_392 = arith.addi %mul3A_390, %add3A_391 : i32
      %dma_start3A_393 = arith.constant 1 : i32
      %dma_start3A_394 = arith.constant 1 : i32
      %dma_start3A_395 = arith.constant 0 : i32
      %dma_start3A_396 = tpu.memref_slice %arg7[%dma_start3A_393, %add3A_392, %dma_start3A_395] : memref<2x128x64xf32, #tpu.memory_space<vmem>> -> memref<1x1x64xf32, #tpu.memory_space<vmem>>
      %dma_start3A_397 = tpu.memref_squeeze %dma_start3A_396 : memref<1x1x64xf32, #tpu.memory_space<vmem>> -> memref<64xf32, #tpu.memory_space<vmem>>
      %dma_start3A_398 = arith.constant 0 : i32
      %dma_start3A_399 = tpu.memref_slice %arg4[%squeeze3A_388, %dma_start3A_398] : memref<1000000x64xf32, #tpu.memory_space<hbm>> -> memref<1x64xf32, #tpu.memory_space<hbm>>
      %dma_start3A_400 = tpu.memref_squeeze %dma_start3A_399 : memref<1x64xf32, #tpu.memory_space<hbm>> -> memref<64xf32, #tpu.memory_space<hbm>>
      %dma_start3A_401 = tpu.memref_slice %arg10[%dma_start3A_394] : memref<2x!tpu.dma_semaphore, #tpu.memory_space<semaphore_mem>> -> memref<1x!tpu.dma_semaphore, #tpu.memory_space<semaphore_mem>>
      %dma_start3A_402 = tpu.memref_squeeze %dma_start3A_401 : memref<1x!tpu.dma_semaphore, #tpu.memory_space<semaphore_mem>> -> memref<!tpu.dma_semaphore, #tpu.memory_space<semaphore_mem>>
      %dma_start3A_403 = arith.constant 0 : i32
      %dma_start3A_404 = tpu.memref_slice %arg7[%dma_start3A_393, %add3A_392, %dma_start3A_403] : memref<2x128x64xf32, #tpu.memory_space<vmem>> -> memref<1x1x64xf32, #tpu.memory_space<vmem>>
      %dma_start3A_405 = tpu.memref_squeeze %dma_start3A_404 : memref<1x1x64xf32, #tpu.memory_space<vmem>> -> memref<64xf32, #tpu.memory_space<vmem>>
      %dma_start3A_406 = arith.constant 0 : i32
      %dma_start3A_407 = tpu.memref_slice %arg4[%squeeze3A_388, %dma_start3A_406] : memref<1000000x64xf32, #tpu.memory_space<hbm>> -> memref<1x64xf32, #tpu.memory_space<hbm>>
      %dma_start3A_408 = tpu.memref_squeeze %dma_start3A_407 : memref<1x64xf32, #tpu.memory_space<hbm>> -> memref<64xf32, #tpu.memory_space<hbm>>
      tpu.enqueue_dma source(%dma_start3A_408 : memref<64xf32, #tpu.memory_space<hbm>>) target(%dma_start3A_405 : memref<64xf32, #tpu.memory_space<vmem>>) target_semaphore(%dma_start3A_402 : memref<!tpu.dma_semaphore, #tpu.memory_space<semaphore_mem>>)
      %slice3A_409 = vector.extract_strided_slice %get3A_146 {offsets = [12], sizes = [1], strides = [1]} : vector<16xi32> to vector<1xi32>
      %squeeze3A_410 = vector.extract %slice3A_409[0] : i32 from vector<1xi32>
      %mul3A_411 = arith.constant 16 : i32
      %mul3A_412 = arith.muli %scan3A_139, %mul3A_411 : i32
      %add3A_413 = arith.constant 12 : i32
      %add3A_414 = arith.addi %mul3A_412, %add3A_413 : i32
      %dma_start3A_415 = arith.constant 1 : i32
      %dma_start3A_416 = arith.constant 1 : i32
      %dma_start3A_417 = arith.constant 0 : i32
      %dma_start3A_418 = tpu.memref_slice %arg7[%dma_start3A_415, %add3A_414, %dma_start3A_417] : memref<2x128x64xf32, #tpu.memory_space<vmem>> -> memref<1x1x64xf32, #tpu.memory_space<vmem>>
      %dma_start3A_419 = tpu.memref_squeeze %dma_start3A_418 : memref<1x1x64xf32, #tpu.memory_space<vmem>> -> memref<64xf32, #tpu.memory_space<vmem>>
      %dma_start3A_420 = arith.constant 0 : i32
      %dma_start3A_421 = tpu.memref_slice %arg4[%squeeze3A_410, %dma_start3A_420] : memref<1000000x64xf32, #tpu.memory_space<hbm>> -> memref<1x64xf32, #tpu.memory_space<hbm>>
      %dma_start3A_422 = tpu.memref_squeeze %dma_start3A_421 : memref<1x64xf32, #tpu.memory_space<hbm>> -> memref<64xf32, #tpu.memory_space<hbm>>
      %dma_start3A_423 = tpu.memref_slice %arg10[%dma_start3A_416] : memref<2x!tpu.dma_semaphore, #tpu.memory_space<semaphore_mem>> -> memref<1x!tpu.dma_semaphore, #tpu.memory_space<semaphore_mem>>
      %dma_start3A_424 = tpu.memref_squeeze %dma_start3A_423 : memref<1x!tpu.dma_semaphore, #tpu.memory_space<semaphore_mem>> -> memref<!tpu.dma_semaphore, #tpu.memory_space<semaphore_mem>>
      %dma_start3A_425 = arith.constant 0 : i32
      %dma_start3A_426 = tpu.memref_slice %arg7[%dma_start3A_415, %add3A_414, %dma_start3A_425] : memref<2x128x64xf32, #tpu.memory_space<vmem>> -> memref<1x1x64xf32, #tpu.memory_space<vmem>>
      %dma_start3A_427 = tpu.memref_squeeze %dma_start3A_426 : memref<1x1x64xf32, #tpu.memory_space<vmem>> -> memref<64xf32, #tpu.memory_space<vmem>>
      %dma_start3A_428 = arith.constant 0 : i32
      %dma_start3A_429 = tpu.memref_slice %arg4[%squeeze3A_410, %dma_start3A_428] : memref<1000000x64xf32, #tpu.memory_space<hbm>> -> memref<1x64xf32, #tpu.memory_space<hbm>>
      %dma_start3A_430 = tpu.memref_squeeze %dma_start3A_429 : memref<1x64xf32, #tpu.memory_space<hbm>> -> memref<64xf32, #tpu.memory_space<hbm>>
      tpu.enqueue_dma source(%dma_start3A_430 : memref<64xf32, #tpu.memory_space<hbm>>) target(%dma_start3A_427 : memref<64xf32, #tpu.memory_space<vmem>>) target_semaphore(%dma_start3A_424 : memref<!tpu.dma_semaphore, #tpu.memory_space<semaphore_mem>>)
      %slice3A_431 = vector.extract_strided_slice %get3A_146 {offsets = [13], sizes = [1], strides = [1]} : vector<16xi32> to vector<1xi32>
      %squeeze3A_432 = vector.extract %slice3A_431[0] : i32 from vector<1xi32>
      %mul3A_433 = arith.constant 16 : i32
      %mul3A_434 = arith.muli %scan3A_139, %mul3A_433 : i32
      %add3A_435 = arith.constant 13 : i32
      %add3A_436 = arith.addi %mul3A_434, %add3A_435 : i32
      %dma_start3A_437 = arith.constant 1 : i32
      %dma_start3A_438 = arith.constant 1 : i32
      %dma_start3A_439 = arith.constant 0 : i32
      %dma_start3A_440 = tpu.memref_slice %arg7[%dma_start3A_437, %add3A_436, %dma_start3A_439] : memref<2x128x64xf32, #tpu.memory_space<vmem>> -> memref<1x1x64xf32, #tpu.memory_space<vmem>>
      %dma_start3A_441 = tpu.memref_squeeze %dma_start3A_440 : memref<1x1x64xf32, #tpu.memory_space<vmem>> -> memref<64xf32, #tpu.memory_space<vmem>>
      %dma_start3A_442 = arith.constant 0 : i32
      %dma_start3A_443 = tpu.memref_slice %arg4[%squeeze3A_432, %dma_start3A_442] : memref<1000000x64xf32, #tpu.memory_space<hbm>> -> memref<1x64xf32, #tpu.memory_space<hbm>>
      %dma_start3A_444 = tpu.memref_squeeze %dma_start3A_443 : memref<1x64xf32, #tpu.memory_space<hbm>> -> memref<64xf32, #tpu.memory_space<hbm>>
      %dma_start3A_445 = tpu.memref_slice %arg10[%dma_start3A_438] : memref<2x!tpu.dma_semaphore, #tpu.memory_space<semaphore_mem>> -> memref<1x!tpu.dma_semaphore, #tpu.memory_space<semaphore_mem>>
      %dma_start3A_446 = tpu.memref_squeeze %dma_start3A_445 : memref<1x!tpu.dma_semaphore, #tpu.memory_space<semaphore_mem>> -> memref<!tpu.dma_semaphore, #tpu.memory_space<semaphore_mem>>
      %dma_start3A_447 = arith.constant 0 : i32
      %dma_start3A_448 = tpu.memref_slice %arg7[%dma_start3A_437, %add3A_436, %dma_start3A_447] : memref<2x128x64xf32, #tpu.memory_space<vmem>> -> memref<1x1x64xf32, #tpu.memory_space<vmem>>
      %dma_start3A_449 = tpu.memref_squeeze %dma_start3A_448 : memref<1x1x64xf32, #tpu.memory_space<vmem>> -> memref<64xf32, #tpu.memory_space<vmem>>
      %dma_start3A_450 = arith.constant 0 : i32
      %dma_start3A_451 = tpu.memref_slice %arg4[%squeeze3A_432, %dma_start3A_450] : memref<1000000x64xf32, #tpu.memory_space<hbm>> -> memref<1x64xf32, #tpu.memory_space<hbm>>
      %dma_start3A_452 = tpu.memref_squeeze %dma_start3A_451 : memref<1x64xf32, #tpu.memory_space<hbm>> -> memref<64xf32, #tpu.memory_space<hbm>>
      tpu.enqueue_dma source(%dma_start3A_452 : memref<64xf32, #tpu.memory_space<hbm>>) target(%dma_start3A_449 : memref<64xf32, #tpu.memory_space<vmem>>) target_semaphore(%dma_start3A_446 : memref<!tpu.dma_semaphore, #tpu.memory_space<semaphore_mem>>)
      %slice3A_453 = vector.extract_strided_slice %get3A_146 {offsets = [14], sizes = [1], strides = [1]} : vector<16xi32> to vector<1xi32>
      %squeeze3A_454 = vector.extract %slice3A_453[0] : i32 from vector<1xi32>
      %mul3A_455 = arith.constant 16 : i32
      %mul3A_456 = arith.muli %scan3A_139, %mul3A_455 : i32
      %add3A_457 = arith.constant 14 : i32
      %add3A_458 = arith.addi %mul3A_456, %add3A_457 : i32
      %dma_start3A_459 = arith.constant 1 : i32
      %dma_start3A_460 = arith.constant 1 : i32
      %dma_start3A_461 = arith.constant 0 : i32
      %dma_start3A_462 = tpu.memref_slice %arg7[%dma_start3A_459, %add3A_458, %dma_start3A_461] : memref<2x128x64xf32, #tpu.memory_space<vmem>> -> memref<1x1x64xf32, #tpu.memory_space<vmem>>
      %dma_start3A_463 = tpu.memref_squeeze %dma_start3A_462 : memref<1x1x64xf32, #tpu.memory_space<vmem>> -> memref<64xf32, #tpu.memory_space<vmem>>
      %dma_start3A_464 = arith.constant 0 : i32
      %dma_start3A_465 = tpu.memref_slice %arg4[%squeeze3A_454, %dma_start3A_464] : memref<1000000x64xf32, #tpu.memory_space<hbm>> -> memref<1x64xf32, #tpu.memory_space<hbm>>
      %dma_start3A_466 = tpu.memref_squeeze %dma_start3A_465 : memref<1x64xf32, #tpu.memory_space<hbm>> -> memref<64xf32, #tpu.memory_space<hbm>>
      %dma_start3A_467 = tpu.memref_slice %arg10[%dma_start3A_460] : memref<2x!tpu.dma_semaphore, #tpu.memory_space<semaphore_mem>> -> memref<1x!tpu.dma_semaphore, #tpu.memory_space<semaphore_mem>>
      %dma_start3A_468 = tpu.memref_squeeze %dma_start3A_467 : memref<1x!tpu.dma_semaphore, #tpu.memory_space<semaphore_mem>> -> memref<!tpu.dma_semaphore, #tpu.memory_space<semaphore_mem>>
      %dma_start3A_469 = arith.constant 0 : i32
      %dma_start3A_470 = tpu.memref_slice %arg7[%dma_start3A_459, %add3A_458, %dma_start3A_469] : memref<2x128x64xf32, #tpu.memory_space<vmem>> -> memref<1x1x64xf32, #tpu.memory_space<vmem>>
      %dma_start3A_471 = tpu.memref_squeeze %dma_start3A_470 : memref<1x1x64xf32, #tpu.memory_space<vmem>> -> memref<64xf32, #tpu.memory_space<vmem>>
      %dma_start3A_472 = arith.constant 0 : i32
      %dma_start3A_473 = tpu.memref_slice %arg4[%squeeze3A_454, %dma_start3A_472] : memref<1000000x64xf32, #tpu.memory_space<hbm>> -> memref<1x64xf32, #tpu.memory_space<hbm>>
      %dma_start3A_474 = tpu.memref_squeeze %dma_start3A_473 : memref<1x64xf32, #tpu.memory_space<hbm>> -> memref<64xf32, #tpu.memory_space<hbm>>
      tpu.enqueue_dma source(%dma_start3A_474 : memref<64xf32, #tpu.memory_space<hbm>>) target(%dma_start3A_471 : memref<64xf32, #tpu.memory_space<vmem>>) target_semaphore(%dma_start3A_468 : memref<!tpu.dma_semaphore, #tpu.memory_space<semaphore_mem>>)
      %slice3A_475 = vector.extract_strided_slice %get3A_146 {offsets = [15], sizes = [1], strides = [1]} : vector<16xi32> to vector<1xi32>
      %squeeze3A_476 = vector.extract %slice3A_475[0] : i32 from vector<1xi32>
      %mul3A_477 = arith.constant 16 : i32
      %mul3A_478 = arith.muli %scan3A_139, %mul3A_477 : i32
      %add3A_479 = arith.constant 15 : i32
      %add3A_480 = arith.addi %mul3A_478, %add3A_479 : i32
      %dma_start3A_481 = arith.constant 1 : i32
      %dma_start3A_482 = arith.constant 1 : i32
      %dma_start3A_483 = arith.constant 0 : i32
      %dma_start3A_484 = tpu.memref_slice %arg7[%dma_start3A_481, %add3A_480, %dma_start3A_483] : memref<2x128x64xf32, #tpu.memory_space<vmem>> -> memref<1x1x64xf32, #tpu.memory_space<vmem>>
      %dma_start3A_485 = tpu.memref_squeeze %dma_start3A_484 : memref<1x1x64xf32, #tpu.memory_space<vmem>> -> memref<64xf32, #tpu.memory_space<vmem>>
      %dma_start3A_486 = arith.constant 0 : i32
      %dma_start3A_487 = tpu.memref_slice %arg4[%squeeze3A_476, %dma_start3A_486] : memref<1000000x64xf32, #tpu.memory_space<hbm>> -> memref<1x64xf32, #tpu.memory_space<hbm>>
      %dma_start3A_488 = tpu.memref_squeeze %dma_start3A_487 : memref<1x64xf32, #tpu.memory_space<hbm>> -> memref<64xf32, #tpu.memory_space<hbm>>
      %dma_start3A_489 = tpu.memref_slice %arg10[%dma_start3A_482] : memref<2x!tpu.dma_semaphore, #tpu.memory_space<semaphore_mem>> -> memref<1x!tpu.dma_semaphore, #tpu.memory_space<semaphore_mem>>
      %dma_start3A_490 = tpu.memref_squeeze %dma_start3A_489 : memref<1x!tpu.dma_semaphore, #tpu.memory_space<semaphore_mem>> -> memref<!tpu.dma_semaphore, #tpu.memory_space<semaphore_mem>>
      %dma_start3A_491 = arith.constant 0 : i32
      %dma_start3A_492 = tpu.memref_slice %arg7[%dma_start3A_481, %add3A_480, %dma_start3A_491] : memref<2x128x64xf32, #tpu.memory_space<vmem>> -> memref<1x1x64xf32, #tpu.memory_space<vmem>>
      %dma_start3A_493 = tpu.memref_squeeze %dma_start3A_492 : memref<1x1x64xf32, #tpu.memory_space<vmem>> -> memref<64xf32, #tpu.memory_space<vmem>>
      %dma_start3A_494 = arith.constant 0 : i32
      %dma_start3A_495 = tpu.memref_slice %arg4[%squeeze3A_476, %dma_start3A_494] : memref<1000000x64xf32, #tpu.memory_space<hbm>> -> memref<1x64xf32, #tpu.memory_space<hbm>>
      %dma_start3A_496 = tpu.memref_squeeze %dma_start3A_495 : memref<1x64xf32, #tpu.memory_space<hbm>> -> memref<64xf32, #tpu.memory_space<hbm>>
      tpu.enqueue_dma source(%dma_start3A_496 : memref<64xf32, #tpu.memory_space<hbm>>) target(%dma_start3A_493 : memref<64xf32, #tpu.memory_space<vmem>>) target_semaphore(%dma_start3A_490 : memref<!tpu.dma_semaphore, #tpu.memory_space<semaphore_mem>>)
      %scan3A_497 = arith.constant 0 : i32
      scf.yield %scan3A_497 : i32
    }
    %scan3A_19 = arith.constant 8 : i32
    %dma_wait3A = arith.constant 0 : i32
    %dma_wait3A_20 = tpu.memref_slice %arg2[%mul3A_2, %dma_wait3A] : memref<16384x64xf32, #tpu.memory_space<hbm>> -> memref<512x64xf32, #tpu.memory_space<hbm>>
    %dma_wait3A_21 = arith.constant 0 : i32
    %dma_wait3A_22 = tpu.memref_slice %arg2[%mul3A_2, %dma_wait3A_21] : memref<16384x64xf32, #tpu.memory_space<hbm>> -> memref<512x64xf32, #tpu.memory_space<hbm>>
    tpu.wait_dma2 semaphore(%arg11 : memref<!tpu.dma_semaphore, #tpu.memory_space<semaphore_mem>>) src(%dma_wait3A_22 : memref<512x64xf32, #tpu.memory_space<hbm>>) dst(%arg8 : memref<512x64xf32, #tpu.memory_space<vmem>>)
    %dma_wait3A_23 = arith.constant 0 : i32
    %dma_wait3A_24 = arith.constant 0 : i32
    %dma_wait3A_25 = arith.constant 0 : i32
    %dma_wait3A_26 = arith.constant 0 : i32
    %dma_wait3A_27 = tpu.memref_slice %arg7[%dma_wait3A_23, %dma_wait3A_25, %dma_wait3A_26] : memref<2x128x64xf32, #tpu.memory_space<vmem>> -> memref<1x128x64xf32, #tpu.memory_space<vmem>>
    %dma_wait3A_28 = tpu.memref_squeeze %dma_wait3A_27 : memref<1x128x64xf32, #tpu.memory_space<vmem>> -> memref<128x64xf32, #tpu.memory_space<vmem>>
    %dma_wait3A_29 = arith.constant 0 : i32
    %dma_wait3A_30 = arith.constant 0 : i32
    %dma_wait3A_31 = tpu.memref_slice %arg4[%dma_wait3A_29, %dma_wait3A_30] : memref<1000000x64xf32, #tpu.memory_space<hbm>> -> memref<128x64xf32, #tpu.memory_space<hbm>>
    %dma_wait3A_32 = tpu.memref_slice %arg10[%dma_wait3A_24] : memref<2x!tpu.dma_semaphore, #tpu.memory_space<semaphore_mem>> -> memref<1x!tpu.dma_semaphore, #tpu.memory_space<semaphore_mem>>
    %dma_wait3A_33 = tpu.memref_squeeze %dma_wait3A_32 : memref<1x!tpu.dma_semaphore, #tpu.memory_space<semaphore_mem>> -> memref<!tpu.dma_semaphore, #tpu.memory_space<semaphore_mem>>
    %dma_wait3A_34 = arith.constant 0 : i32
    %dma_wait3A_35 = arith.constant 0 : i32
    %dma_wait3A_36 = tpu.memref_slice %arg7[%dma_wait3A_23, %dma_wait3A_34, %dma_wait3A_35] : memref<2x128x64xf32, #tpu.memory_space<vmem>> -> memref<1x128x64xf32, #tpu.memory_space<vmem>>
    %dma_wait3A_37 = tpu.memref_squeeze %dma_wait3A_36 : memref<1x128x64xf32, #tpu.memory_space<vmem>> -> memref<128x64xf32, #tpu.memory_space<vmem>>
    %dma_wait3A_38 = arith.constant 0 : i32
    %dma_wait3A_39 = arith.constant 0 : i32
    %dma_wait3A_40 = tpu.memref_slice %arg4[%dma_wait3A_38, %dma_wait3A_39] : memref<1000000x64xf32, #tpu.memory_space<hbm>> -> memref<128x64xf32, #tpu.memory_space<hbm>>
    tpu.wait_dma2 semaphore(%dma_wait3A_33 : memref<!tpu.dma_semaphore, #tpu.memory_space<semaphore_mem>>) src(%dma_wait3A_40 : memref<128x64xf32, #tpu.memory_space<hbm>>) dst(%dma_wait3A_37 : memref<128x64xf32, #tpu.memory_space<vmem>>)
    %scan3A_41 = arith.constant 0 : i32
    %scan3A_42 = arith.constant 128 : i32
    %scan3A_43 = arith.addi %scan3A_41, %scan3A_42 : i32
    %scan3A_44 = arith.constant 1 : i32
    %scan3A_45:4 = scf.for %scan3A_139 = %scan3A_41 to %scan3A_43 step %scan3A_44 iter_args(%scan3A_140 = %broadcast_in_dim3A_6, %scan3A_141 = %broadcast_in_dim3A_6, %scan3A_142 = %broadcast_in_dim3A_6, %scan3A_143 = %broadcast_in_dim3A_6) -> (vector<16xf32>, vector<16xf32>, vector<16xf32>, vector<16xf32>)  : i32 {
      %add3A_144 = arith.constant 0 : i32
      %add3A_145 = arith.addi %add3A_144, %scan3A_139 : i32
      %get3A = arith.index_cast %add3A_145 : i32 to index
      %get3A_146 = arith.constant 0 : index
      %get3A_147 = tpu.vector_load %arg8[%get3A, %get3A_146] {strides = array<i32>} : memref<512x64xf32, #tpu.memory_space<vmem>>, vector<1x16xf32>,
      %get3A_148 = vector.shape_cast %get3A_147 : vector<1x16xf32> to vector<16xf32>
      %get3A_149 = arith.constant 0 : i32
      %get3A_150 = arith.index_cast %get3A_149 : i32 to index
      %get3A_151 = arith.index_cast %scan3A_139 : i32 to index
      %get3A_152 = arith.constant 0 : index
      %get3A_153 = tpu.vector_load %arg7[%get3A_150, %get3A_151, %get3A_152] {strides = array<i32>} : memref<2x128x64xf32, #tpu.memory_space<vmem>>, vector<1x1x16xf32>,
      %get3A_154 = vector.shape_cast %get3A_153 : vector<1x1x16xf32> to vector<16xf32>
      %sub3A = arith.subf %get3A_148, %get3A_154 : vector<16xf32>
      %mul3A_155 = arith.mulf %sub3A, %sub3A : vector<16xf32>
      %add3A_156 = arith.addf %scan3A_140, %mul3A_155 : vector<16xf32>
      %get3A_157 = arith.index_cast %add3A_145 : i32 to index
      %get3A_158 = arith.constant 16 : index
      %get3A_159 = tpu.vector_load %arg8[%get3A_157, %get3A_158] {strides = array<i32>} : memref<512x64xf32, #tpu.memory_space<vmem>>, vector<1x16xf32>,
      %get3A_160 = vector.shape_cast %get3A_159 : vector<1x16xf32> to vector<16xf32>
      %get3A_161 = arith.constant 0 : i32
      %get3A_162 = arith.index_cast %get3A_161 : i32 to index
      %get3A_163 = arith.index_cast %scan3A_139 : i32 to index
      %get3A_164 = arith.constant 16 : index
      %get3A_165 = tpu.vector_load %arg7[%get3A_162, %get3A_163, %get3A_164] {strides = array<i32>} : memref<2x128x64xf32, #tpu.memory_space<vmem>>, vector<1x1x16xf32>,
      %get3A_166 = vector.shape_cast %get3A_165 : vector<1x1x16xf32> to vector<16xf32>
      %sub3A_167 = arith.subf %get3A_160, %get3A_166 : vector<16xf32>
      %mul3A_168 = arith.mulf %sub3A_167, %sub3A_167 : vector<16xf32>
      %add3A_169 = arith.addf %scan3A_141, %mul3A_168 : vector<16xf32>
      %get3A_170 = arith.index_cast %add3A_145 : i32 to index
      %get3A_171 = arith.constant 32 : index
      %get3A_172 = tpu.vector_load %arg8[%get3A_170, %get3A_171] {strides = array<i32>} : memref<512x64xf32, #tpu.memory_space<vmem>>, vector<1x16xf32>,
      %get3A_173 = vector.shape_cast %get3A_172 : vector<1x16xf32> to vector<16xf32>
      %get3A_174 = arith.constant 0 : i32
      %get3A_175 = arith.index_cast %get3A_174 : i32 to index
      %get3A_176 = arith.index_cast %scan3A_139 : i32 to index
      %get3A_177 = arith.constant 32 : index
      %get3A_178 = tpu.vector_load %arg7[%get3A_175, %get3A_176, %get3A_177] {strides = array<i32>} : memref<2x128x64xf32, #tpu.memory_space<vmem>>, vector<1x1x16xf32>,
      %get3A_179 = vector.shape_cast %get3A_178 : vector<1x1x16xf32> to vector<16xf32>
      %sub3A_180 = arith.subf %get3A_173, %get3A_179 : vector<16xf32>
      %mul3A_181 = arith.mulf %sub3A_180, %sub3A_180 : vector<16xf32>
      %add3A_182 = arith.addf %scan3A_142, %mul3A_181 : vector<16xf32>
      %get3A_183 = arith.index_cast %add3A_145 : i32 to index
      %get3A_184 = arith.constant 48 : index
      %get3A_185 = tpu.vector_load %arg8[%get3A_183, %get3A_184] {strides = array<i32>} : memref<512x64xf32, #tpu.memory_space<vmem>>, vector<1x16xf32>,
      %get3A_186 = vector.shape_cast %get3A_185 : vector<1x16xf32> to vector<16xf32>
      %get3A_187 = arith.constant 0 : i32
      %get3A_188 = arith.index_cast %get3A_187 : i32 to index
      %get3A_189 = arith.index_cast %scan3A_139 : i32 to index
      %get3A_190 = arith.constant 48 : index
      %get3A_191 = tpu.vector_load %arg7[%get3A_188, %get3A_189, %get3A_190] {strides = array<i32>} : memref<2x128x64xf32, #tpu.memory_space<vmem>>, vector<1x1x16xf32>,
      %get3A_192 = vector.shape_cast %get3A_191 : vector<1x1x16xf32> to vector<16xf32>
      %sub3A_193 = arith.subf %get3A_186, %get3A_192 : vector<16xf32>
      %mul3A_194 = arith.mulf %sub3A_193, %sub3A_193 : vector<16xf32>
      %add3A_195 = arith.addf %scan3A_143, %mul3A_194 : vector<16xf32>
      scf.yield %add3A_156, %add3A_169, %add3A_182, %add3A_195 : vector<16xf32>, vector<16xf32>, vector<16xf32>, vector<16xf32>
    }
    %scan3A_46 = arith.constant 128 : i32
    %scan3A_47 = arith.constant 0 : i32
    %scan3A_48 = arith.constant 0 : i32
    %scan3A_49 = arith.constant 8 : i32
    %scan3A_50 = arith.addi %scan3A_48, %scan3A_49 : i32
    %scan3A_51 = arith.constant 1 : i32
    %scan3A_52 = scf.for %scan3A_139 = %scan3A_48 to %scan3A_50 step %scan3A_51 iter_args(%scan3A_140 = %scan3A_47) -> (i32)  : i32 {
      %mul3A_141 = arith.constant 16 : i32
      %mul3A_142 = arith.muli %scan3A_139, %mul3A_141 : i32
      %add3A_143 = arith.constant 256 : i32
      %add3A_144 = arith.addi %add3A_143, %mul3A_142 : i32
      %get3A = arith.index_cast %add3A_144 : i32 to index
      %get3A_145 = tpu.vector_load %arg6[%get3A] {strides = array<i32>} : memref<512xi32, #tpu.memory_space<vmem>>, vector<16xi32>,
      %get3A_146 = vector.shape_cast %get3A_145 : vector<16xi32> to vector<16xi32>
      %slice3A = vector.extract_strided_slice %get3A_146 {offsets = [0], sizes = [1], strides = [1]} : vector<16xi32> to vector<1xi32>
      %squeeze3A = vector.extract %slice3A[0] : i32 from vector<1xi32>
      %mul3A_147 = arith.constant 16 : i32
      %mul3A_148 = arith.muli %scan3A_139, %mul3A_147 : i32
      %add3A_149 = arith.constant 0 : i32
      %add3A_150 = arith.addi %mul3A_148, %add3A_149 : i32
      %dma_start3A_151 = arith.constant 0 : i32
      %dma_start3A_152 = arith.constant 0 : i32
      %dma_start3A_153 = arith.constant 0 : i32
      %dma_start3A_154 = tpu.memref_slice %arg7[%dma_start3A_151, %add3A_150, %dma_start3A_153] : memref<2x128x64xf32, #tpu.memory_space<vmem>> -> memref<1x1x64xf32, #tpu.memory_space<vmem>>
      %dma_start3A_155 = tpu.memref_squeeze %dma_start3A_154 : memref<1x1x64xf32, #tpu.memory_space<vmem>> -> memref<64xf32, #tpu.memory_space<vmem>>
      %dma_start3A_156 = arith.constant 0 : i32
      %dma_start3A_157 = tpu.memref_slice %arg4[%squeeze3A, %dma_start3A_156] : memref<1000000x64xf32, #tpu.memory_space<hbm>> -> memref<1x64xf32, #tpu.memory_space<hbm>>
      %dma_start3A_158 = tpu.memref_squeeze %dma_start3A_157 : memref<1x64xf32, #tpu.memory_space<hbm>> -> memref<64xf32, #tpu.memory_space<hbm>>
      %dma_start3A_159 = tpu.memref_slice %arg10[%dma_start3A_152] : memref<2x!tpu.dma_semaphore, #tpu.memory_space<semaphore_mem>> -> memref<1x!tpu.dma_semaphore, #tpu.memory_space<semaphore_mem>>
      %dma_start3A_160 = tpu.memref_squeeze %dma_start3A_159 : memref<1x!tpu.dma_semaphore, #tpu.memory_space<semaphore_mem>> -> memref<!tpu.dma_semaphore, #tpu.memory_space<semaphore_mem>>
      %dma_start3A_161 = arith.constant 0 : i32
      %dma_start3A_162 = tpu.memref_slice %arg7[%dma_start3A_151, %add3A_150, %dma_start3A_161] : memref<2x128x64xf32, #tpu.memory_space<vmem>> -> memref<1x1x64xf32, #tpu.memory_space<vmem>>
      %dma_start3A_163 = tpu.memref_squeeze %dma_start3A_162 : memref<1x1x64xf32, #tpu.memory_space<vmem>> -> memref<64xf32, #tpu.memory_space<vmem>>
      %dma_start3A_164 = arith.constant 0 : i32
      %dma_start3A_165 = tpu.memref_slice %arg4[%squeeze3A, %dma_start3A_164] : memref<1000000x64xf32, #tpu.memory_space<hbm>> -> memref<1x64xf32, #tpu.memory_space<hbm>>
      %dma_start3A_166 = tpu.memref_squeeze %dma_start3A_165 : memref<1x64xf32, #tpu.memory_space<hbm>> -> memref<64xf32, #tpu.memory_space<hbm>>
      tpu.enqueue_dma source(%dma_start3A_166 : memref<64xf32, #tpu.memory_space<hbm>>) target(%dma_start3A_163 : memref<64xf32, #tpu.memory_space<vmem>>) target_semaphore(%dma_start3A_160 : memref<!tpu.dma_semaphore, #tpu.memory_space<semaphore_mem>>)
      %slice3A_167 = vector.extract_strided_slice %get3A_146 {offsets = [1], sizes = [1], strides = [1]} : vector<16xi32> to vector<1xi32>
      %squeeze3A_168 = vector.extract %slice3A_167[0] : i32 from vector<1xi32>
      %mul3A_169 = arith.constant 16 : i32
      %mul3A_170 = arith.muli %scan3A_139, %mul3A_169 : i32
      %add3A_171 = arith.constant 1 : i32
      %add3A_172 = arith.addi %mul3A_170, %add3A_171 : i32
      %dma_start3A_173 = arith.constant 0 : i32
      %dma_start3A_174 = arith.constant 0 : i32
      %dma_start3A_175 = arith.constant 0 : i32
      %dma_start3A_176 = tpu.memref_slice %arg7[%dma_start3A_173, %add3A_172, %dma_start3A_175] : memref<2x128x64xf32, #tpu.memory_space<vmem>> -> memref<1x1x64xf32, #tpu.memory_space<vmem>>
      %dma_start3A_177 = tpu.memref_squeeze %dma_start3A_176 : memref<1x1x64xf32, #tpu.memory_space<vmem>> -> memref<64xf32, #tpu.memory_space<vmem>>
      %dma_start3A_178 = arith.constant 0 : i32
      %dma_start3A_179 = tpu.memref_slice %arg4[%squeeze3A_168, %dma_start3A_178] : memref<1000000x64xf32, #tpu.memory_space<hbm>> -> memref<1x64xf32, #tpu.memory_space<hbm>>
      %dma_start3A_180 = tpu.memref_squeeze %dma_start3A_179 : memref<1x64xf32, #tpu.memory_space<hbm>> -> memref<64xf32, #tpu.memory_space<hbm>>
      %dma_start3A_181 = tpu.memref_slice %arg10[%dma_start3A_174] : memref<2x!tpu.dma_semaphore, #tpu.memory_space<semaphore_mem>> -> memref<1x!tpu.dma_semaphore, #tpu.memory_space<semaphore_mem>>
      %dma_start3A_182 = tpu.memref_squeeze %dma_start3A_181 : memref<1x!tpu.dma_semaphore, #tpu.memory_space<semaphore_mem>> -> memref<!tpu.dma_semaphore, #tpu.memory_space<semaphore_mem>>
      %dma_start3A_183 = arith.constant 0 : i32
      %dma_start3A_184 = tpu.memref_slice %arg7[%dma_start3A_173, %add3A_172, %dma_start3A_183] : memref<2x128x64xf32, #tpu.memory_space<vmem>> -> memref<1x1x64xf32, #tpu.memory_space<vmem>>
      %dma_start3A_185 = tpu.memref_squeeze %dma_start3A_184 : memref<1x1x64xf32, #tpu.memory_space<vmem>> -> memref<64xf32, #tpu.memory_space<vmem>>
      %dma_start3A_186 = arith.constant 0 : i32
      %dma_start3A_187 = tpu.memref_slice %arg4[%squeeze3A_168, %dma_start3A_186] : memref<1000000x64xf32, #tpu.memory_space<hbm>> -> memref<1x64xf32, #tpu.memory_space<hbm>>
      %dma_start3A_188 = tpu.memref_squeeze %dma_start3A_187 : memref<1x64xf32, #tpu.memory_space<hbm>> -> memref<64xf32, #tpu.memory_space<hbm>>
      tpu.enqueue_dma source(%dma_start3A_188 : memref<64xf32, #tpu.memory_space<hbm>>) target(%dma_start3A_185 : memref<64xf32, #tpu.memory_space<vmem>>) target_semaphore(%dma_start3A_182 : memref<!tpu.dma_semaphore, #tpu.memory_space<semaphore_mem>>)
      %slice3A_189 = vector.extract_strided_slice %get3A_146 {offsets = [2], sizes = [1], strides = [1]} : vector<16xi32> to vector<1xi32>
      %squeeze3A_190 = vector.extract %slice3A_189[0] : i32 from vector<1xi32>
      %mul3A_191 = arith.constant 16 : i32
      %mul3A_192 = arith.muli %scan3A_139, %mul3A_191 : i32
      %add3A_193 = arith.constant 2 : i32
      %add3A_194 = arith.addi %mul3A_192, %add3A_193 : i32
      %dma_start3A_195 = arith.constant 0 : i32
      %dma_start3A_196 = arith.constant 0 : i32
      %dma_start3A_197 = arith.constant 0 : i32
      %dma_start3A_198 = tpu.memref_slice %arg7[%dma_start3A_195, %add3A_194, %dma_start3A_197] : memref<2x128x64xf32, #tpu.memory_space<vmem>> -> memref<1x1x64xf32, #tpu.memory_space<vmem>>
      %dma_start3A_199 = tpu.memref_squeeze %dma_start3A_198 : memref<1x1x64xf32, #tpu.memory_space<vmem>> -> memref<64xf32, #tpu.memory_space<vmem>>
      %dma_start3A_200 = arith.constant 0 : i32
      %dma_start3A_201 = tpu.memref_slice %arg4[%squeeze3A_190, %dma_start3A_200] : memref<1000000x64xf32, #tpu.memory_space<hbm>> -> memref<1x64xf32, #tpu.memory_space<hbm>>
      %dma_start3A_202 = tpu.memref_squeeze %dma_start3A_201 : memref<1x64xf32, #tpu.memory_space<hbm>> -> memref<64xf32, #tpu.memory_space<hbm>>
      %dma_start3A_203 = tpu.memref_slice %arg10[%dma_start3A_196] : memref<2x!tpu.dma_semaphore, #tpu.memory_space<semaphore_mem>> -> memref<1x!tpu.dma_semaphore, #tpu.memory_space<semaphore_mem>>
      %dma_start3A_204 = tpu.memref_squeeze %dma_start3A_203 : memref<1x!tpu.dma_semaphore, #tpu.memory_space<semaphore_mem>> -> memref<!tpu.dma_semaphore, #tpu.memory_space<semaphore_mem>>
      %dma_start3A_205 = arith.constant 0 : i32
      %dma_start3A_206 = tpu.memref_slice %arg7[%dma_start3A_195, %add3A_194, %dma_start3A_205] : memref<2x128x64xf32, #tpu.memory_space<vmem>> -> memref<1x1x64xf32, #tpu.memory_space<vmem>>
      %dma_start3A_207 = tpu.memref_squeeze %dma_start3A_206 : memref<1x1x64xf32, #tpu.memory_space<vmem>> -> memref<64xf32, #tpu.memory_space<vmem>>
      %dma_start3A_208 = arith.constant 0 : i32
      %dma_start3A_209 = tpu.memref_slice %arg4[%squeeze3A_190, %dma_start3A_208] : memref<1000000x64xf32, #tpu.memory_space<hbm>> -> memref<1x64xf32, #tpu.memory_space<hbm>>
      %dma_start3A_210 = tpu.memref_squeeze %dma_start3A_209 : memref<1x64xf32, #tpu.memory_space<hbm>> -> memref<64xf32, #tpu.memory_space<hbm>>
      tpu.enqueue_dma source(%dma_start3A_210 : memref<64xf32, #tpu.memory_space<hbm>>) target(%dma_start3A_207 : memref<64xf32, #tpu.memory_space<vmem>>) target_semaphore(%dma_start3A_204 : memref<!tpu.dma_semaphore, #tpu.memory_space<semaphore_mem>>)
      %slice3A_211 = vector.extract_strided_slice %get3A_146 {offsets = [3], sizes = [1], strides = [1]} : vector<16xi32> to vector<1xi32>
      %squeeze3A_212 = vector.extract %slice3A_211[0] : i32 from vector<1xi32>
      %mul3A_213 = arith.constant 16 : i32
      %mul3A_214 = arith.muli %scan3A_139, %mul3A_213 : i32
      %add3A_215 = arith.constant 3 : i32
      %add3A_216 = arith.addi %mul3A_214, %add3A_215 : i32
      %dma_start3A_217 = arith.constant 0 : i32
      %dma_start3A_218 = arith.constant 0 : i32
      %dma_start3A_219 = arith.constant 0 : i32
      %dma_start3A_220 = tpu.memref_slice %arg7[%dma_start3A_217, %add3A_216, %dma_start3A_219] : memref<2x128x64xf32, #tpu.memory_space<vmem>> -> memref<1x1x64xf32, #tpu.memory_space<vmem>>
      %dma_start3A_221 = tpu.memref_squeeze %dma_start3A_220 : memref<1x1x64xf32, #tpu.memory_space<vmem>> -> memref<64xf32, #tpu.memory_space<vmem>>
      %dma_start3A_222 = arith.constant 0 : i32
      %dma_start3A_223 = tpu.memref_slice %arg4[%squeeze3A_212, %dma_start3A_222] : memref<1000000x64xf32, #tpu.memory_space<hbm>> -> memref<1x64xf32, #tpu.memory_space<hbm>>
      %dma_start3A_224 = tpu.memref_squeeze %dma_start3A_223 : memref<1x64xf32, #tpu.memory_space<hbm>> -> memref<64xf32, #tpu.memory_space<hbm>>
      %dma_start3A_225 = tpu.memref_slice %arg10[%dma_start3A_218] : memref<2x!tpu.dma_semaphore, #tpu.memory_space<semaphore_mem>> -> memref<1x!tpu.dma_semaphore, #tpu.memory_space<semaphore_mem>>
      %dma_start3A_226 = tpu.memref_squeeze %dma_start3A_225 : memref<1x!tpu.dma_semaphore, #tpu.memory_space<semaphore_mem>> -> memref<!tpu.dma_semaphore, #tpu.memory_space<semaphore_mem>>
      %dma_start3A_227 = arith.constant 0 : i32
      %dma_start3A_228 = tpu.memref_slice %arg7[%dma_start3A_217, %add3A_216, %dma_start3A_227] : memref<2x128x64xf32, #tpu.memory_space<vmem>> -> memref<1x1x64xf32, #tpu.memory_space<vmem>>
      %dma_start3A_229 = tpu.memref_squeeze %dma_start3A_228 : memref<1x1x64xf32, #tpu.memory_space<vmem>> -> memref<64xf32, #tpu.memory_space<vmem>>
      %dma_start3A_230 = arith.constant 0 : i32
      %dma_start3A_231 = tpu.memref_slice %arg4[%squeeze3A_212, %dma_start3A_230] : memref<1000000x64xf32, #tpu.memory_space<hbm>> -> memref<1x64xf32, #tpu.memory_space<hbm>>
      %dma_start3A_232 = tpu.memref_squeeze %dma_start3A_231 : memref<1x64xf32, #tpu.memory_space<hbm>> -> memref<64xf32, #tpu.memory_space<hbm>>
      tpu.enqueue_dma source(%dma_start3A_232 : memref<64xf32, #tpu.memory_space<hbm>>) target(%dma_start3A_229 : memref<64xf32, #tpu.memory_space<vmem>>) target_semaphore(%dma_start3A_226 : memref<!tpu.dma_semaphore, #tpu.memory_space<semaphore_mem>>)
      %slice3A_233 = vector.extract_strided_slice %get3A_146 {offsets = [4], sizes = [1], strides = [1]} : vector<16xi32> to vector<1xi32>
      %squeeze3A_234 = vector.extract %slice3A_233[0] : i32 from vector<1xi32>
      %mul3A_235 = arith.constant 16 : i32
      %mul3A_236 = arith.muli %scan3A_139, %mul3A_235 : i32
      %add3A_237 = arith.constant 4 : i32
      %add3A_238 = arith.addi %mul3A_236, %add3A_237 : i32
      %dma_start3A_239 = arith.constant 0 : i32
      %dma_start3A_240 = arith.constant 0 : i32
      %dma_start3A_241 = arith.constant 0 : i32
      %dma_start3A_242 = tpu.memref_slice %arg7[%dma_start3A_239, %add3A_238, %dma_start3A_241] : memref<2x128x64xf32, #tpu.memory_space<vmem>> -> memref<1x1x64xf32, #tpu.memory_space<vmem>>
      %dma_start3A_243 = tpu.memref_squeeze %dma_start3A_242 : memref<1x1x64xf32, #tpu.memory_space<vmem>> -> memref<64xf32, #tpu.memory_space<vmem>>
      %dma_start3A_244 = arith.constant 0 : i32
      %dma_start3A_245 = tpu.memref_slice %arg4[%squeeze3A_234, %dma_start3A_244] : memref<1000000x64xf32, #tpu.memory_space<hbm>> -> memref<1x64xf32, #tpu.memory_space<hbm>>
      %dma_start3A_246 = tpu.memref_squeeze %dma_start3A_245 : memref<1x64xf32, #tpu.memory_space<hbm>> -> memref<64xf32, #tpu.memory_space<hbm>>
      %dma_start3A_247 = tpu.memref_slice %arg10[%dma_start3A_240] : memref<2x!tpu.dma_semaphore, #tpu.memory_space<semaphore_mem>> -> memref<1x!tpu.dma_semaphore, #tpu.memory_space<semaphore_mem>>
      %dma_start3A_248 = tpu.memref_squeeze %dma_start3A_247 : memref<1x!tpu.dma_semaphore, #tpu.memory_space<semaphore_mem>> -> memref<!tpu.dma_semaphore, #tpu.memory_space<semaphore_mem>>
      %dma_start3A_249 = arith.constant 0 : i32
      %dma_start3A_250 = tpu.memref_slice %arg7[%dma_start3A_239, %add3A_238, %dma_start3A_249] : memref<2x128x64xf32, #tpu.memory_space<vmem>> -> memref<1x1x64xf32, #tpu.memory_space<vmem>>
      %dma_start3A_251 = tpu.memref_squeeze %dma_start3A_250 : memref<1x1x64xf32, #tpu.memory_space<vmem>> -> memref<64xf32, #tpu.memory_space<vmem>>
      %dma_start3A_252 = arith.constant 0 : i32
      %dma_start3A_253 = tpu.memref_slice %arg4[%squeeze3A_234, %dma_start3A_252] : memref<1000000x64xf32, #tpu.memory_space<hbm>> -> memref<1x64xf32, #tpu.memory_space<hbm>>
      %dma_start3A_254 = tpu.memref_squeeze %dma_start3A_253 : memref<1x64xf32, #tpu.memory_space<hbm>> -> memref<64xf32, #tpu.memory_space<hbm>>
      tpu.enqueue_dma source(%dma_start3A_254 : memref<64xf32, #tpu.memory_space<hbm>>) target(%dma_start3A_251 : memref<64xf32, #tpu.memory_space<vmem>>) target_semaphore(%dma_start3A_248 : memref<!tpu.dma_semaphore, #tpu.memory_space<semaphore_mem>>)
      %slice3A_255 = vector.extract_strided_slice %get3A_146 {offsets = [5], sizes = [1], strides = [1]} : vector<16xi32> to vector<1xi32>
      %squeeze3A_256 = vector.extract %slice3A_255[0] : i32 from vector<1xi32>
      %mul3A_257 = arith.constant 16 : i32
      %mul3A_258 = arith.muli %scan3A_139, %mul3A_257 : i32
      %add3A_259 = arith.constant 5 : i32
      %add3A_260 = arith.addi %mul3A_258, %add3A_259 : i32
      %dma_start3A_261 = arith.constant 0 : i32
      %dma_start3A_262 = arith.constant 0 : i32
      %dma_start3A_263 = arith.constant 0 : i32
      %dma_start3A_264 = tpu.memref_slice %arg7[%dma_start3A_261, %add3A_260, %dma_start3A_263] : memref<2x128x64xf32, #tpu.memory_space<vmem>> -> memref<1x1x64xf32, #tpu.memory_space<vmem>>
      %dma_start3A_265 = tpu.memref_squeeze %dma_start3A_264 : memref<1x1x64xf32, #tpu.memory_space<vmem>> -> memref<64xf32, #tpu.memory_space<vmem>>
      %dma_start3A_266 = arith.constant 0 : i32
      %dma_start3A_267 = tpu.memref_slice %arg4[%squeeze3A_256, %dma_start3A_266] : memref<1000000x64xf32, #tpu.memory_space<hbm>> -> memref<1x64xf32, #tpu.memory_space<hbm>>
      %dma_start3A_268 = tpu.memref_squeeze %dma_start3A_267 : memref<1x64xf32, #tpu.memory_space<hbm>> -> memref<64xf32, #tpu.memory_space<hbm>>
      %dma_start3A_269 = tpu.memref_slice %arg10[%dma_start3A_262] : memref<2x!tpu.dma_semaphore, #tpu.memory_space<semaphore_mem>> -> memref<1x!tpu.dma_semaphore, #tpu.memory_space<semaphore_mem>>
      %dma_start3A_270 = tpu.memref_squeeze %dma_start3A_269 : memref<1x!tpu.dma_semaphore, #tpu.memory_space<semaphore_mem>> -> memref<!tpu.dma_semaphore, #tpu.memory_space<semaphore_mem>>
      %dma_start3A_271 = arith.constant 0 : i32
      %dma_start3A_272 = tpu.memref_slice %arg7[%dma_start3A_261, %add3A_260, %dma_start3A_271] : memref<2x128x64xf32, #tpu.memory_space<vmem>> -> memref<1x1x64xf32, #tpu.memory_space<vmem>>
      %dma_start3A_273 = tpu.memref_squeeze %dma_start3A_272 : memref<1x1x64xf32, #tpu.memory_space<vmem>> -> memref<64xf32, #tpu.memory_space<vmem>>
      %dma_start3A_274 = arith.constant 0 : i32
      %dma_start3A_275 = tpu.memref_slice %arg4[%squeeze3A_256, %dma_start3A_274] : memref<1000000x64xf32, #tpu.memory_space<hbm>> -> memref<1x64xf32, #tpu.memory_space<hbm>>
      %dma_start3A_276 = tpu.memref_squeeze %dma_start3A_275 : memref<1x64xf32, #tpu.memory_space<hbm>> -> memref<64xf32, #tpu.memory_space<hbm>>
      tpu.enqueue_dma source(%dma_start3A_276 : memref<64xf32, #tpu.memory_space<hbm>>) target(%dma_start3A_273 : memref<64xf32, #tpu.memory_space<vmem>>) target_semaphore(%dma_start3A_270 : memref<!tpu.dma_semaphore, #tpu.memory_space<semaphore_mem>>)
      %slice3A_277 = vector.extract_strided_slice %get3A_146 {offsets = [6], sizes = [1], strides = [1]} : vector<16xi32> to vector<1xi32>
      %squeeze3A_278 = vector.extract %slice3A_277[0] : i32 from vector<1xi32>
      %mul3A_279 = arith.constant 16 : i32
      %mul3A_280 = arith.muli %scan3A_139, %mul3A_279 : i32
      %add3A_281 = arith.constant 6 : i32
      %add3A_282 = arith.addi %mul3A_280, %add3A_281 : i32
      %dma_start3A_283 = arith.constant 0 : i32
      %dma_start3A_284 = arith.constant 0 : i32
      %dma_start3A_285 = arith.constant 0 : i32
      %dma_start3A_286 = tpu.memref_slice %arg7[%dma_start3A_283, %add3A_282, %dma_start3A_285] : memref<2x128x64xf32, #tpu.memory_space<vmem>> -> memref<1x1x64xf32, #tpu.memory_space<vmem>>
      %dma_start3A_287 = tpu.memref_squeeze %dma_start3A_286 : memref<1x1x64xf32, #tpu.memory_space<vmem>> -> memref<64xf32, #tpu.memory_space<vmem>>
      %dma_start3A_288 = arith.constant 0 : i32
      %dma_start3A_289 = tpu.memref_slice %arg4[%squeeze3A_278, %dma_start3A_288] : memref<1000000x64xf32, #tpu.memory_space<hbm>> -> memref<1x64xf32, #tpu.memory_space<hbm>>
      %dma_start3A_290 = tpu.memref_squeeze %dma_start3A_289 : memref<1x64xf32, #tpu.memory_space<hbm>> -> memref<64xf32, #tpu.memory_space<hbm>>
      %dma_start3A_291 = tpu.memref_slice %arg10[%dma_start3A_284] : memref<2x!tpu.dma_semaphore, #tpu.memory_space<semaphore_mem>> -> memref<1x!tpu.dma_semaphore, #tpu.memory_space<semaphore_mem>>
      %dma_start3A_292 = tpu.memref_squeeze %dma_start3A_291 : memref<1x!tpu.dma_semaphore, #tpu.memory_space<semaphore_mem>> -> memref<!tpu.dma_semaphore, #tpu.memory_space<semaphore_mem>>
      %dma_start3A_293 = arith.constant 0 : i32
      %dma_start3A_294 = tpu.memref_slice %arg7[%dma_start3A_283, %add3A_282, %dma_start3A_293] : memref<2x128x64xf32, #tpu.memory_space<vmem>> -> memref<1x1x64xf32, #tpu.memory_space<vmem>>
      %dma_start3A_295 = tpu.memref_squeeze %dma_start3A_294 : memref<1x1x64xf32, #tpu.memory_space<vmem>> -> memref<64xf32, #tpu.memory_space<vmem>>
      %dma_start3A_296 = arith.constant 0 : i32
      %dma_start3A_297 = tpu.memref_slice %arg4[%squeeze3A_278, %dma_start3A_296] : memref<1000000x64xf32, #tpu.memory_space<hbm>> -> memref<1x64xf32, #tpu.memory_space<hbm>>
      %dma_start3A_298 = tpu.memref_squeeze %dma_start3A_297 : memref<1x64xf32, #tpu.memory_space<hbm>> -> memref<64xf32, #tpu.memory_space<hbm>>
      tpu.enqueue_dma source(%dma_start3A_298 : memref<64xf32, #tpu.memory_space<hbm>>) target(%dma_start3A_295 : memref<64xf32, #tpu.memory_space<vmem>>) target_semaphore(%dma_start3A_292 : memref<!tpu.dma_semaphore, #tpu.memory_space<semaphore_mem>>)
      %slice3A_299 = vector.extract_strided_slice %get3A_146 {offsets = [7], sizes = [1], strides = [1]} : vector<16xi32> to vector<1xi32>
      %squeeze3A_300 = vector.extract %slice3A_299[0] : i32 from vector<1xi32>
      %mul3A_301 = arith.constant 16 : i32
      %mul3A_302 = arith.muli %scan3A_139, %mul3A_301 : i32
      %add3A_303 = arith.constant 7 : i32
      %add3A_304 = arith.addi %mul3A_302, %add3A_303 : i32
      %dma_start3A_305 = arith.constant 0 : i32
      %dma_start3A_306 = arith.constant 0 : i32
      %dma_start3A_307 = arith.constant 0 : i32
      %dma_start3A_308 = tpu.memref_slice %arg7[%dma_start3A_305, %add3A_304, %dma_start3A_307] : memref<2x128x64xf32, #tpu.memory_space<vmem>> -> memref<1x1x64xf32, #tpu.memory_space<vmem>>
      %dma_start3A_309 = tpu.memref_squeeze %dma_start3A_308 : memref<1x1x64xf32, #tpu.memory_space<vmem>> -> memref<64xf32, #tpu.memory_space<vmem>>
      %dma_start3A_310 = arith.constant 0 : i32
      %dma_start3A_311 = tpu.memref_slice %arg4[%squeeze3A_300, %dma_start3A_310] : memref<1000000x64xf32, #tpu.memory_space<hbm>> -> memref<1x64xf32, #tpu.memory_space<hbm>>
      %dma_start3A_312 = tpu.memref_squeeze %dma_start3A_311 : memref<1x64xf32, #tpu.memory_space<hbm>> -> memref<64xf32, #tpu.memory_space<hbm>>
      %dma_start3A_313 = tpu.memref_slice %arg10[%dma_start3A_306] : memref<2x!tpu.dma_semaphore, #tpu.memory_space<semaphore_mem>> -> memref<1x!tpu.dma_semaphore, #tpu.memory_space<semaphore_mem>>
      %dma_start3A_314 = tpu.memref_squeeze %dma_start3A_313 : memref<1x!tpu.dma_semaphore, #tpu.memory_space<semaphore_mem>> -> memref<!tpu.dma_semaphore, #tpu.memory_space<semaphore_mem>>
      %dma_start3A_315 = arith.constant 0 : i32
      %dma_start3A_316 = tpu.memref_slice %arg7[%dma_start3A_305, %add3A_304, %dma_start3A_315] : memref<2x128x64xf32, #tpu.memory_space<vmem>> -> memref<1x1x64xf32, #tpu.memory_space<vmem>>
      %dma_start3A_317 = tpu.memref_squeeze %dma_start3A_316 : memref<1x1x64xf32, #tpu.memory_space<vmem>> -> memref<64xf32, #tpu.memory_space<vmem>>
      %dma_start3A_318 = arith.constant 0 : i32
      %dma_start3A_319 = tpu.memref_slice %arg4[%squeeze3A_300, %dma_start3A_318] : memref<1000000x64xf32, #tpu.memory_space<hbm>> -> memref<1x64xf32, #tpu.memory_space<hbm>>
      %dma_start3A_320 = tpu.memref_squeeze %dma_start3A_319 : memref<1x64xf32, #tpu.memory_space<hbm>> -> memref<64xf32, #tpu.memory_space<hbm>>
      tpu.enqueue_dma source(%dma_start3A_320 : memref<64xf32, #tpu.memory_space<hbm>>) target(%dma_start3A_317 : memref<64xf32, #tpu.memory_space<vmem>>) target_semaphore(%dma_start3A_314 : memref<!tpu.dma_semaphore, #tpu.memory_space<semaphore_mem>>)
      %slice3A_321 = vector.extract_strided_slice %get3A_146 {offsets = [8], sizes = [1], strides = [1]} : vector<16xi32> to vector<1xi32>
      %squeeze3A_322 = vector.extract %slice3A_321[0] : i32 from vector<1xi32>
      %mul3A_323 = arith.constant 16 : i32
      %mul3A_324 = arith.muli %scan3A_139, %mul3A_323 : i32
      %add3A_325 = arith.constant 8 : i32
      %add3A_326 = arith.addi %mul3A_324, %add3A_325 : i32
      %dma_start3A_327 = arith.constant 0 : i32
      %dma_start3A_328 = arith.constant 0 : i32
      %dma_start3A_329 = arith.constant 0 : i32
      %dma_start3A_330 = tpu.memref_slice %arg7[%dma_start3A_327, %add3A_326, %dma_start3A_329] : memref<2x128x64xf32, #tpu.memory_space<vmem>> -> memref<1x1x64xf32, #tpu.memory_space<vmem>>
      %dma_start3A_331 = tpu.memref_squeeze %dma_start3A_330 : memref<1x1x64xf32, #tpu.memory_space<vmem>> -> memref<64xf32, #tpu.memory_space<vmem>>
      %dma_start3A_332 = arith.constant 0 : i32
      %dma_start3A_333 = tpu.memref_slice %arg4[%squeeze3A_322, %dma_start3A_332] : memref<1000000x64xf32, #tpu.memory_space<hbm>> -> memref<1x64xf32, #tpu.memory_space<hbm>>
      %dma_start3A_334 = tpu.memref_squeeze %dma_start3A_333 : memref<1x64xf32, #tpu.memory_space<hbm>> -> memref<64xf32, #tpu.memory_space<hbm>>
      %dma_start3A_335 = tpu.memref_slice %arg10[%dma_start3A_328] : memref<2x!tpu.dma_semaphore, #tpu.memory_space<semaphore_mem>> -> memref<1x!tpu.dma_semaphore, #tpu.memory_space<semaphore_mem>>
      %dma_start3A_336 = tpu.memref_squeeze %dma_start3A_335 : memref<1x!tpu.dma_semaphore, #tpu.memory_space<semaphore_mem>> -> memref<!tpu.dma_semaphore, #tpu.memory_space<semaphore_mem>>
      %dma_start3A_337 = arith.constant 0 : i32
      %dma_start3A_338 = tpu.memref_slice %arg7[%dma_start3A_327, %add3A_326, %dma_start3A_337] : memref<2x128x64xf32, #tpu.memory_space<vmem>> -> memref<1x1x64xf32, #tpu.memory_space<vmem>>
      %dma_start3A_339 = tpu.memref_squeeze %dma_start3A_338 : memref<1x1x64xf32, #tpu.memory_space<vmem>> -> memref<64xf32, #tpu.memory_space<vmem>>
      %dma_start3A_340 = arith.constant 0 : i32
      %dma_start3A_341 = tpu.memref_slice %arg4[%squeeze3A_322, %dma_start3A_340] : memref<1000000x64xf32, #tpu.memory_space<hbm>> -> memref<1x64xf32, #tpu.memory_space<hbm>>
      %dma_start3A_342 = tpu.memref_squeeze %dma_start3A_341 : memref<1x64xf32, #tpu.memory_space<hbm>> -> memref<64xf32, #tpu.memory_space<hbm>>
      tpu.enqueue_dma source(%dma_start3A_342 : memref<64xf32, #tpu.memory_space<hbm>>) target(%dma_start3A_339 : memref<64xf32, #tpu.memory_space<vmem>>) target_semaphore(%dma_start3A_336 : memref<!tpu.dma_semaphore, #tpu.memory_space<semaphore_mem>>)
      %slice3A_343 = vector.extract_strided_slice %get3A_146 {offsets = [9], sizes = [1], strides = [1]} : vector<16xi32> to vector<1xi32>
      %squeeze3A_344 = vector.extract %slice3A_343[0] : i32 from vector<1xi32>
      %mul3A_345 = arith.constant 16 : i32
      %mul3A_346 = arith.muli %scan3A_139, %mul3A_345 : i32
      %add3A_347 = arith.constant 9 : i32
      %add3A_348 = arith.addi %mul3A_346, %add3A_347 : i32
      %dma_start3A_349 = arith.constant 0 : i32
      %dma_start3A_350 = arith.constant 0 : i32
      %dma_start3A_351 = arith.constant 0 : i32
      %dma_start3A_352 = tpu.memref_slice %arg7[%dma_start3A_349, %add3A_348, %dma_start3A_351] : memref<2x128x64xf32, #tpu.memory_space<vmem>> -> memref<1x1x64xf32, #tpu.memory_space<vmem>>
      %dma_start3A_353 = tpu.memref_squeeze %dma_start3A_352 : memref<1x1x64xf32, #tpu.memory_space<vmem>> -> memref<64xf32, #tpu.memory_space<vmem>>
      %dma_start3A_354 = arith.constant 0 : i32
      %dma_start3A_355 = tpu.memref_slice %arg4[%squeeze3A_344, %dma_start3A_354] : memref<1000000x64xf32, #tpu.memory_space<hbm>> -> memref<1x64xf32, #tpu.memory_space<hbm>>
      %dma_start3A_356 = tpu.memref_squeeze %dma_start3A_355 : memref<1x64xf32, #tpu.memory_space<hbm>> -> memref<64xf32, #tpu.memory_space<hbm>>
      %dma_start3A_357 = tpu.memref_slice %arg10[%dma_start3A_350] : memref<2x!tpu.dma_semaphore, #tpu.memory_space<semaphore_mem>> -> memref<1x!tpu.dma_semaphore, #tpu.memory_space<semaphore_mem>>
      %dma_start3A_358 = tpu.memref_squeeze %dma_start3A_357 : memref<1x!tpu.dma_semaphore, #tpu.memory_space<semaphore_mem>> -> memref<!tpu.dma_semaphore, #tpu.memory_space<semaphore_mem>>
      %dma_start3A_359 = arith.constant 0 : i32
      %dma_start3A_360 = tpu.memref_slice %arg7[%dma_start3A_349, %add3A_348, %dma_start3A_359] : memref<2x128x64xf32, #tpu.memory_space<vmem>> -> memref<1x1x64xf32, #tpu.memory_space<vmem>>
      %dma_start3A_361 = tpu.memref_squeeze %dma_start3A_360 : memref<1x1x64xf32, #tpu.memory_space<vmem>> -> memref<64xf32, #tpu.memory_space<vmem>>
      %dma_start3A_362 = arith.constant 0 : i32
      %dma_start3A_363 = tpu.memref_slice %arg4[%squeeze3A_344, %dma_start3A_362] : memref<1000000x64xf32, #tpu.memory_space<hbm>> -> memref<1x64xf32, #tpu.memory_space<hbm>>
      %dma_start3A_364 = tpu.memref_squeeze %dma_start3A_363 : memref<1x64xf32, #tpu.memory_space<hbm>> -> memref<64xf32, #tpu.memory_space<hbm>>
      tpu.enqueue_dma source(%dma_start3A_364 : memref<64xf32, #tpu.memory_space<hbm>>) target(%dma_start3A_361 : memref<64xf32, #tpu.memory_space<vmem>>) target_semaphore(%dma_start3A_358 : memref<!tpu.dma_semaphore, #tpu.memory_space<semaphore_mem>>)
      %slice3A_365 = vector.extract_strided_slice %get3A_146 {offsets = [10], sizes = [1], strides = [1]} : vector<16xi32> to vector<1xi32>
      %squeeze3A_366 = vector.extract %slice3A_365[0] : i32 from vector<1xi32>
      %mul3A_367 = arith.constant 16 : i32
      %mul3A_368 = arith.muli %scan3A_139, %mul3A_367 : i32
      %add3A_369 = arith.constant 10 : i32
      %add3A_370 = arith.addi %mul3A_368, %add3A_369 : i32
      %dma_start3A_371 = arith.constant 0 : i32
      %dma_start3A_372 = arith.constant 0 : i32
      %dma_start3A_373 = arith.constant 0 : i32
      %dma_start3A_374 = tpu.memref_slice %arg7[%dma_start3A_371, %add3A_370, %dma_start3A_373] : memref<2x128x64xf32, #tpu.memory_space<vmem>> -> memref<1x1x64xf32, #tpu.memory_space<vmem>>
      %dma_start3A_375 = tpu.memref_squeeze %dma_start3A_374 : memref<1x1x64xf32, #tpu.memory_space<vmem>> -> memref<64xf32, #tpu.memory_space<vmem>>
      %dma_start3A_376 = arith.constant 0 : i32
      %dma_start3A_377 = tpu.memref_slice %arg4[%squeeze3A_366, %dma_start3A_376] : memref<1000000x64xf32, #tpu.memory_space<hbm>> -> memref<1x64xf32, #tpu.memory_space<hbm>>
      %dma_start3A_378 = tpu.memref_squeeze %dma_start3A_377 : memref<1x64xf32, #tpu.memory_space<hbm>> -> memref<64xf32, #tpu.memory_space<hbm>>
      %dma_start3A_379 = tpu.memref_slice %arg10[%dma_start3A_372] : memref<2x!tpu.dma_semaphore, #tpu.memory_space<semaphore_mem>> -> memref<1x!tpu.dma_semaphore, #tpu.memory_space<semaphore_mem>>
      %dma_start3A_380 = tpu.memref_squeeze %dma_start3A_379 : memref<1x!tpu.dma_semaphore, #tpu.memory_space<semaphore_mem>> -> memref<!tpu.dma_semaphore, #tpu.memory_space<semaphore_mem>>
      %dma_start3A_381 = arith.constant 0 : i32
      %dma_start3A_382 = tpu.memref_slice %arg7[%dma_start3A_371, %add3A_370, %dma_start3A_381] : memref<2x128x64xf32, #tpu.memory_space<vmem>> -> memref<1x1x64xf32, #tpu.memory_space<vmem>>
      %dma_start3A_383 = tpu.memref_squeeze %dma_start3A_382 : memref<1x1x64xf32, #tpu.memory_space<vmem>> -> memref<64xf32, #tpu.memory_space<vmem>>
      %dma_start3A_384 = arith.constant 0 : i32
      %dma_start3A_385 = tpu.memref_slice %arg4[%squeeze3A_366, %dma_start3A_384] : memref<1000000x64xf32, #tpu.memory_space<hbm>> -> memref<1x64xf32, #tpu.memory_space<hbm>>
      %dma_start3A_386 = tpu.memref_squeeze %dma_start3A_385 : memref<1x64xf32, #tpu.memory_space<hbm>> -> memref<64xf32, #tpu.memory_space<hbm>>
      tpu.enqueue_dma source(%dma_start3A_386 : memref<64xf32, #tpu.memory_space<hbm>>) target(%dma_start3A_383 : memref<64xf32, #tpu.memory_space<vmem>>) target_semaphore(%dma_start3A_380 : memref<!tpu.dma_semaphore, #tpu.memory_space<semaphore_mem>>)
      %slice3A_387 = vector.extract_strided_slice %get3A_146 {offsets = [11], sizes = [1], strides = [1]} : vector<16xi32> to vector<1xi32>
      %squeeze3A_388 = vector.extract %slice3A_387[0] : i32 from vector<1xi32>
      %mul3A_389 = arith.constant 16 : i32
      %mul3A_390 = arith.muli %scan3A_139, %mul3A_389 : i32
      %add3A_391 = arith.constant 11 : i32
      %add3A_392 = arith.addi %mul3A_390, %add3A_391 : i32
      %dma_start3A_393 = arith.constant 0 : i32
      %dma_start3A_394 = arith.constant 0 : i32
      %dma_start3A_395 = arith.constant 0 : i32
      %dma_start3A_396 = tpu.memref_slice %arg7[%dma_start3A_393, %add3A_392, %dma_start3A_395] : memref<2x128x64xf32, #tpu.memory_space<vmem>> -> memref<1x1x64xf32, #tpu.memory_space<vmem>>
      %dma_start3A_397 = tpu.memref_squeeze %dma_start3A_396 : memref<1x1x64xf32, #tpu.memory_space<vmem>> -> memref<64xf32, #tpu.memory_space<vmem>>
      %dma_start3A_398 = arith.constant 0 : i32
      %dma_start3A_399 = tpu.memref_slice %arg4[%squeeze3A_388, %dma_start3A_398] : memref<1000000x64xf32, #tpu.memory_space<hbm>> -> memref<1x64xf32, #tpu.memory_space<hbm>>
      %dma_start3A_400 = tpu.memref_squeeze %dma_start3A_399 : memref<1x64xf32, #tpu.memory_space<hbm>> -> memref<64xf32, #tpu.memory_space<hbm>>
      %dma_start3A_401 = tpu.memref_slice %arg10[%dma_start3A_394] : memref<2x!tpu.dma_semaphore, #tpu.memory_space<semaphore_mem>> -> memref<1x!tpu.dma_semaphore, #tpu.memory_space<semaphore_mem>>
      %dma_start3A_402 = tpu.memref_squeeze %dma_start3A_401 : memref<1x!tpu.dma_semaphore, #tpu.memory_space<semaphore_mem>> -> memref<!tpu.dma_semaphore, #tpu.memory_space<semaphore_mem>>
      %dma_start3A_403 = arith.constant 0 : i32
      %dma_start3A_404 = tpu.memref_slice %arg7[%dma_start3A_393, %add3A_392, %dma_start3A_403] : memref<2x128x64xf32, #tpu.memory_space<vmem>> -> memref<1x1x64xf32, #tpu.memory_space<vmem>>
      %dma_start3A_405 = tpu.memref_squeeze %dma_start3A_404 : memref<1x1x64xf32, #tpu.memory_space<vmem>> -> memref<64xf32, #tpu.memory_space<vmem>>
      %dma_start3A_406 = arith.constant 0 : i32
      %dma_start3A_407 = tpu.memref_slice %arg4[%squeeze3A_388, %dma_start3A_406] : memref<1000000x64xf32, #tpu.memory_space<hbm>> -> memref<1x64xf32, #tpu.memory_space<hbm>>
      %dma_start3A_408 = tpu.memref_squeeze %dma_start3A_407 : memref<1x64xf32, #tpu.memory_space<hbm>> -> memref<64xf32, #tpu.memory_space<hbm>>
      tpu.enqueue_dma source(%dma_start3A_408 : memref<64xf32, #tpu.memory_space<hbm>>) target(%dma_start3A_405 : memref<64xf32, #tpu.memory_space<vmem>>) target_semaphore(%dma_start3A_402 : memref<!tpu.dma_semaphore, #tpu.memory_space<semaphore_mem>>)
      %slice3A_409 = vector.extract_strided_slice %get3A_146 {offsets = [12], sizes = [1], strides = [1]} : vector<16xi32> to vector<1xi32>
      %squeeze3A_410 = vector.extract %slice3A_409[0] : i32 from vector<1xi32>
      %mul3A_411 = arith.constant 16 : i32
      %mul3A_412 = arith.muli %scan3A_139, %mul3A_411 : i32
      %add3A_413 = arith.constant 12 : i32
      %add3A_414 = arith.addi %mul3A_412, %add3A_413 : i32
      %dma_start3A_415 = arith.constant 0 : i32
      %dma_start3A_416 = arith.constant 0 : i32
      %dma_start3A_417 = arith.constant 0 : i32
      %dma_start3A_418 = tpu.memref_slice %arg7[%dma_start3A_415, %add3A_414, %dma_start3A_417] : memref<2x128x64xf32, #tpu.memory_space<vmem>> -> memref<1x1x64xf32, #tpu.memory_space<vmem>>
      %dma_start3A_419 = tpu.memref_squeeze %dma_start3A_418 : memref<1x1x64xf32, #tpu.memory_space<vmem>> -> memref<64xf32, #tpu.memory_space<vmem>>
      %dma_start3A_420 = arith.constant 0 : i32
      %dma_start3A_421 = tpu.memref_slice %arg4[%squeeze3A_410, %dma_start3A_420] : memref<1000000x64xf32, #tpu.memory_space<hbm>> -> memref<1x64xf32, #tpu.memory_space<hbm>>
      %dma_start3A_422 = tpu.memref_squeeze %dma_start3A_421 : memref<1x64xf32, #tpu.memory_space<hbm>> -> memref<64xf32, #tpu.memory_space<hbm>>
      %dma_start3A_423 = tpu.memref_slice %arg10[%dma_start3A_416] : memref<2x!tpu.dma_semaphore, #tpu.memory_space<semaphore_mem>> -> memref<1x!tpu.dma_semaphore, #tpu.memory_space<semaphore_mem>>
      %dma_start3A_424 = tpu.memref_squeeze %dma_start3A_423 : memref<1x!tpu.dma_semaphore, #tpu.memory_space<semaphore_mem>> -> memref<!tpu.dma_semaphore, #tpu.memory_space<semaphore_mem>>
      %dma_start3A_425 = arith.constant 0 : i32
      %dma_start3A_426 = tpu.memref_slice %arg7[%dma_start3A_415, %add3A_414, %dma_start3A_425] : memref<2x128x64xf32, #tpu.memory_space<vmem>> -> memref<1x1x64xf32, #tpu.memory_space<vmem>>
      %dma_start3A_427 = tpu.memref_squeeze %dma_start3A_426 : memref<1x1x64xf32, #tpu.memory_space<vmem>> -> memref<64xf32, #tpu.memory_space<vmem>>
      %dma_start3A_428 = arith.constant 0 : i32
      %dma_start3A_429 = tpu.memref_slice %arg4[%squeeze3A_410, %dma_start3A_428] : memref<1000000x64xf32, #tpu.memory_space<hbm>> -> memref<1x64xf32, #tpu.memory_space<hbm>>
      %dma_start3A_430 = tpu.memref_squeeze %dma_start3A_429 : memref<1x64xf32, #tpu.memory_space<hbm>> -> memref<64xf32, #tpu.memory_space<hbm>>
      tpu.enqueue_dma source(%dma_start3A_430 : memref<64xf32, #tpu.memory_space<hbm>>) target(%dma_start3A_427 : memref<64xf32, #tpu.memory_space<vmem>>) target_semaphore(%dma_start3A_424 : memref<!tpu.dma_semaphore, #tpu.memory_space<semaphore_mem>>)
      %slice3A_431 = vector.extract_strided_slice %get3A_146 {offsets = [13], sizes = [1], strides = [1]} : vector<16xi32> to vector<1xi32>
      %squeeze3A_432 = vector.extract %slice3A_431[0] : i32 from vector<1xi32>
      %mul3A_433 = arith.constant 16 : i32
      %mul3A_434 = arith.muli %scan3A_139, %mul3A_433 : i32
      %add3A_435 = arith.constant 13 : i32
      %add3A_436 = arith.addi %mul3A_434, %add3A_435 : i32
      %dma_start3A_437 = arith.constant 0 : i32
      %dma_start3A_438 = arith.constant 0 : i32
      %dma_start3A_439 = arith.constant 0 : i32
      %dma_start3A_440 = tpu.memref_slice %arg7[%dma_start3A_437, %add3A_436, %dma_start3A_439] : memref<2x128x64xf32, #tpu.memory_space<vmem>> -> memref<1x1x64xf32, #tpu.memory_space<vmem>>
      %dma_start3A_441 = tpu.memref_squeeze %dma_start3A_440 : memref<1x1x64xf32, #tpu.memory_space<vmem>> -> memref<64xf32, #tpu.memory_space<vmem>>
      %dma_start3A_442 = arith.constant 0 : i32
      %dma_start3A_443 = tpu.memref_slice %arg4[%squeeze3A_432, %dma_start3A_442] : memref<1000000x64xf32, #tpu.memory_space<hbm>> -> memref<1x64xf32, #tpu.memory_space<hbm>>
      %dma_start3A_444 = tpu.memref_squeeze %dma_start3A_443 : memref<1x64xf32, #tpu.memory_space<hbm>> -> memref<64xf32, #tpu.memory_space<hbm>>
      %dma_start3A_445 = tpu.memref_slice %arg10[%dma_start3A_438] : memref<2x!tpu.dma_semaphore, #tpu.memory_space<semaphore_mem>> -> memref<1x!tpu.dma_semaphore, #tpu.memory_space<semaphore_mem>>
      %dma_start3A_446 = tpu.memref_squeeze %dma_start3A_445 : memref<1x!tpu.dma_semaphore, #tpu.memory_space<semaphore_mem>> -> memref<!tpu.dma_semaphore, #tpu.memory_space<semaphore_mem>>
      %dma_start3A_447 = arith.constant 0 : i32
      %dma_start3A_448 = tpu.memref_slice %arg7[%dma_start3A_437, %add3A_436, %dma_start3A_447] : memref<2x128x64xf32, #tpu.memory_space<vmem>> -> memref<1x1x64xf32, #tpu.memory_space<vmem>>
      %dma_start3A_449 = tpu.memref_squeeze %dma_start3A_448 : memref<1x1x64xf32, #tpu.memory_space<vmem>> -> memref<64xf32, #tpu.memory_space<vmem>>
      %dma_start3A_450 = arith.constant 0 : i32
      %dma_start3A_451 = tpu.memref_slice %arg4[%squeeze3A_432, %dma_start3A_450] : memref<1000000x64xf32, #tpu.memory_space<hbm>> -> memref<1x64xf32, #tpu.memory_space<hbm>>
      %dma_start3A_452 = tpu.memref_squeeze %dma_start3A_451 : memref<1x64xf32, #tpu.memory_space<hbm>> -> memref<64xf32, #tpu.memory_space<hbm>>
      tpu.enqueue_dma source(%dma_start3A_452 : memref<64xf32, #tpu.memory_space<hbm>>) target(%dma_start3A_449 : memref<64xf32, #tpu.memory_space<vmem>>) target_semaphore(%dma_start3A_446 : memref<!tpu.dma_semaphore, #tpu.memory_space<semaphore_mem>>)
      %slice3A_453 = vector.extract_strided_slice %get3A_146 {offsets = [14], sizes = [1], strides = [1]} : vector<16xi32> to vector<1xi32>
      %squeeze3A_454 = vector.extract %slice3A_453[0] : i32 from vector<1xi32>
      %mul3A_455 = arith.constant 16 : i32
      %mul3A_456 = arith.muli %scan3A_139, %mul3A_455 : i32
      %add3A_457 = arith.constant 14 : i32
      %add3A_458 = arith.addi %mul3A_456, %add3A_457 : i32
      %dma_start3A_459 = arith.constant 0 : i32
      %dma_start3A_460 = arith.constant 0 : i32
      %dma_start3A_461 = arith.constant 0 : i32
      %dma_start3A_462 = tpu.memref_slice %arg7[%dma_start3A_459, %add3A_458, %dma_start3A_461] : memref<2x128x64xf32, #tpu.memory_space<vmem>> -> memref<1x1x64xf32, #tpu.memory_space<vmem>>
      %dma_start3A_463 = tpu.memref_squeeze %dma_start3A_462 : memref<1x1x64xf32, #tpu.memory_space<vmem>> -> memref<64xf32, #tpu.memory_space<vmem>>
      %dma_start3A_464 = arith.constant 0 : i32
      %dma_start3A_465 = tpu.memref_slice %arg4[%squeeze3A_454, %dma_start3A_464] : memref<1000000x64xf32, #tpu.memory_space<hbm>> -> memref<1x64xf32, #tpu.memory_space<hbm>>
      %dma_start3A_466 = tpu.memref_squeeze %dma_start3A_465 : memref<1x64xf32, #tpu.memory_space<hbm>> -> memref<64xf32, #tpu.memory_space<hbm>>
      %dma_start3A_467 = tpu.memref_slice %arg10[%dma_start3A_460] : memref<2x!tpu.dma_semaphore, #tpu.memory_space<semaphore_mem>> -> memref<1x!tpu.dma_semaphore, #tpu.memory_space<semaphore_mem>>
      %dma_start3A_468 = tpu.memref_squeeze %dma_start3A_467 : memref<1x!tpu.dma_semaphore, #tpu.memory_space<semaphore_mem>> -> memref<!tpu.dma_semaphore, #tpu.memory_space<semaphore_mem>>
      %dma_start3A_469 = arith.constant 0 : i32
      %dma_start3A_470 = tpu.memref_slice %arg7[%dma_start3A_459, %add3A_458, %dma_start3A_469] : memref<2x128x64xf32, #tpu.memory_space<vmem>> -> memref<1x1x64xf32, #tpu.memory_space<vmem>>
      %dma_start3A_471 = tpu.memref_squeeze %dma_start3A_470 : memref<1x1x64xf32, #tpu.memory_space<vmem>> -> memref<64xf32, #tpu.memory_space<vmem>>
      %dma_start3A_472 = arith.constant 0 : i32
      %dma_start3A_473 = tpu.memref_slice %arg4[%squeeze3A_454, %dma_start3A_472] : memref<1000000x64xf32, #tpu.memory_space<hbm>> -> memref<1x64xf32, #tpu.memory_space<hbm>>
      %dma_start3A_474 = tpu.memref_squeeze %dma_start3A_473 : memref<1x64xf32, #tpu.memory_space<hbm>> -> memref<64xf32, #tpu.memory_space<hbm>>
      tpu.enqueue_dma source(%dma_start3A_474 : memref<64xf32, #tpu.memory_space<hbm>>) target(%dma_start3A_471 : memref<64xf32, #tpu.memory_space<vmem>>) target_semaphore(%dma_start3A_468 : memref<!tpu.dma_semaphore, #tpu.memory_space<semaphore_mem>>)
      %slice3A_475 = vector.extract_strided_slice %get3A_146 {offsets = [15], sizes = [1], strides = [1]} : vector<16xi32> to vector<1xi32>
      %squeeze3A_476 = vector.extract %slice3A_475[0] : i32 from vector<1xi32>
      %mul3A_477 = arith.constant 16 : i32
      %mul3A_478 = arith.muli %scan3A_139, %mul3A_477 : i32
      %add3A_479 = arith.constant 15 : i32
      %add3A_480 = arith.addi %mul3A_478, %add3A_479 : i32
      %dma_start3A_481 = arith.constant 0 : i32
      %dma_start3A_482 = arith.constant 0 : i32
      %dma_start3A_483 = arith.constant 0 : i32
      %dma_start3A_484 = tpu.memref_slice %arg7[%dma_start3A_481, %add3A_480, %dma_start3A_483] : memref<2x128x64xf32, #tpu.memory_space<vmem>> -> memref<1x1x64xf32, #tpu.memory_space<vmem>>
      %dma_start3A_485 = tpu.memref_squeeze %dma_start3A_484 : memref<1x1x64xf32, #tpu.memory_space<vmem>> -> memref<64xf32, #tpu.memory_space<vmem>>
      %dma_start3A_486 = arith.constant 0 : i32
      %dma_start3A_487 = tpu.memref_slice %arg4[%squeeze3A_476, %dma_start3A_486] : memref<1000000x64xf32, #tpu.memory_space<hbm>> -> memref<1x64xf32, #tpu.memory_space<hbm>>
      %dma_start3A_488 = tpu.memref_squeeze %dma_start3A_487 : memref<1x64xf32, #tpu.memory_space<hbm>> -> memref<64xf32, #tpu.memory_space<hbm>>
      %dma_start3A_489 = tpu.memref_slice %arg10[%dma_start3A_482] : memref<2x!tpu.dma_semaphore, #tpu.memory_space<semaphore_mem>> -> memref<1x!tpu.dma_semaphore, #tpu.memory_space<semaphore_mem>>
      %dma_start3A_490 = tpu.memref_squeeze %dma_start3A_489 : memref<1x!tpu.dma_semaphore, #tpu.memory_space<semaphore_mem>> -> memref<!tpu.dma_semaphore, #tpu.memory_space<semaphore_mem>>
      %dma_start3A_491 = arith.constant 0 : i32
      %dma_start3A_492 = tpu.memref_slice %arg7[%dma_start3A_481, %add3A_480, %dma_start3A_491] : memref<2x128x64xf32, #tpu.memory_space<vmem>> -> memref<1x1x64xf32, #tpu.memory_space<vmem>>
      %dma_start3A_493 = tpu.memref_squeeze %dma_start3A_492 : memref<1x1x64xf32, #tpu.memory_space<vmem>> -> memref<64xf32, #tpu.memory_space<vmem>>
      %dma_start3A_494 = arith.constant 0 : i32
      %dma_start3A_495 = tpu.memref_slice %arg4[%squeeze3A_476, %dma_start3A_494] : memref<1000000x64xf32, #tpu.memory_space<hbm>> -> memref<1x64xf32, #tpu.memory_space<hbm>>
      %dma_start3A_496 = tpu.memref_squeeze %dma_start3A_495 : memref<1x64xf32, #tpu.memory_space<hbm>> -> memref<64xf32, #tpu.memory_space<hbm>>
      tpu.enqueue_dma source(%dma_start3A_496 : memref<64xf32, #tpu.memory_space<hbm>>) target(%dma_start3A_493 : memref<64xf32, #tpu.memory_space<vmem>>) target_semaphore(%dma_start3A_490 : memref<!tpu.dma_semaphore, #tpu.memory_space<semaphore_mem>>)
      %scan3A_497 = arith.constant 0 : i32
      scf.yield %scan3A_497 : i32
    }
    %scan3A_53 = arith.constant 8 : i32
    %dma_wait3A_54 = arith.constant 1 : i32
    %dma_wait3A_55 = arith.constant 1 : i32
    %dma_wait3A_56 = arith.constant 0 : i32
    %dma_wait3A_57 = arith.constant 0 : i32
    %dma_wait3A_58 = tpu.memref_slice %arg7[%dma_wait3A_54, %dma_wait3A_56, %dma_wait3A_57] : memref<2x128x64xf32, #tpu.memory_space<vmem>> -> memref<1x128x64xf32, #tpu.memory_space<vmem>>
    %dma_wait3A_59 = tpu.memref_squeeze %dma_wait3A_58 : memref<1x128x64xf32, #tpu.memory_space<vmem>> -> memref<128x64xf32, #tpu.memory_space<vmem>>
    %dma_wait3A_60 = arith.constant 0 : i32
    %dma_wait3A_61 = arith.constant 0 : i32
    %dma_wait3A_62 = tpu.memref_slice %arg4[%dma_wait3A_60, %dma_wait3A_61] : memref<1000000x64xf32, #tpu.memory_space<hbm>> -> memref<128x64xf32, #tpu.memory_space<hbm>>
    %dma_wait3A_63 = tpu.memref_slice %arg10[%dma_wait3A_55] : memref<2x!tpu.dma_semaphore, #tpu.memory_space<semaphore_mem>> -> memref<1x!tpu.dma_semaphore, #tpu.memory_space<semaphore_mem>>
    %dma_wait3A_64 = tpu.memref_squeeze %dma_wait3A_63 : memref<1x!tpu.dma_semaphore, #tpu.memory_space<semaphore_mem>> -> memref<!tpu.dma_semaphore, #tpu.memory_space<semaphore_mem>>
    %dma_wait3A_65 = arith.constant 0 : i32
    %dma_wait3A_66 = arith.constant 0 : i32
    %dma_wait3A_67 = tpu.memref_slice %arg7[%dma_wait3A_54, %dma_wait3A_65, %dma_wait3A_66] : memref<2x128x64xf32, #tpu.memory_space<vmem>> -> memref<1x128x64xf32, #tpu.memory_space<vmem>>
    %dma_wait3A_68 = tpu.memref_squeeze %dma_wait3A_67 : memref<1x128x64xf32, #tpu.memory_space<vmem>> -> memref<128x64xf32, #tpu.memory_space<vmem>>
    %dma_wait3A_69 = arith.constant 0 : i32
    %dma_wait3A_70 = arith.constant 0 : i32
    %dma_wait3A_71 = tpu.memref_slice %arg4[%dma_wait3A_69, %dma_wait3A_70] : memref<1000000x64xf32, #tpu.memory_space<hbm>> -> memref<128x64xf32, #tpu.memory_space<hbm>>
    tpu.wait_dma2 semaphore(%dma_wait3A_64 : memref<!tpu.dma_semaphore, #tpu.memory_space<semaphore_mem>>) src(%dma_wait3A_71 : memref<128x64xf32, #tpu.memory_space<hbm>>) dst(%dma_wait3A_68 : memref<128x64xf32, #tpu.memory_space<vmem>>)
    %scan3A_72 = arith.constant 0 : i32
    %scan3A_73 = arith.constant 128 : i32
    %scan3A_74 = arith.addi %scan3A_72, %scan3A_73 : i32
    %scan3A_75 = arith.constant 1 : i32
    %scan3A_76:4 = scf.for %scan3A_139 = %scan3A_72 to %scan3A_74 step %scan3A_75 iter_args(%scan3A_140 = %scan3A_45#0, %scan3A_141 = %scan3A_45#1, %scan3A_142 = %scan3A_45#2, %scan3A_143 = %scan3A_45#3) -> (vector<16xf32>, vector<16xf32>, vector<16xf32>, vector<16xf32>)  : i32 {
      %add3A_144 = arith.constant 128 : i32
      %add3A_145 = arith.addi %add3A_144, %scan3A_139 : i32
      %get3A = arith.index_cast %add3A_145 : i32 to index
      %get3A_146 = arith.constant 0 : index
      %get3A_147 = tpu.vector_load %arg8[%get3A, %get3A_146] {strides = array<i32>} : memref<512x64xf32, #tpu.memory_space<vmem>>, vector<1x16xf32>,
      %get3A_148 = vector.shape_cast %get3A_147 : vector<1x16xf32> to vector<16xf32>
      %get3A_149 = arith.constant 1 : i32
      %get3A_150 = arith.index_cast %get3A_149 : i32 to index
      %get3A_151 = arith.index_cast %scan3A_139 : i32 to index
      %get3A_152 = arith.constant 0 : index
      %get3A_153 = tpu.vector_load %arg7[%get3A_150, %get3A_151, %get3A_152] {strides = array<i32>} : memref<2x128x64xf32, #tpu.memory_space<vmem>>, vector<1x1x16xf32>,
      %get3A_154 = vector.shape_cast %get3A_153 : vector<1x1x16xf32> to vector<16xf32>
      %sub3A = arith.subf %get3A_148, %get3A_154 : vector<16xf32>
      %mul3A_155 = arith.mulf %sub3A, %sub3A : vector<16xf32>
      %add3A_156 = arith.addf %scan3A_140, %mul3A_155 : vector<16xf32>
      %get3A_157 = arith.index_cast %add3A_145 : i32 to index
      %get3A_158 = arith.constant 16 : index
      %get3A_159 = tpu.vector_load %arg8[%get3A_157, %get3A_158] {strides = array<i32>} : memref<512x64xf32, #tpu.memory_space<vmem>>, vector<1x16xf32>,
      %get3A_160 = vector.shape_cast %get3A_159 : vector<1x16xf32> to vector<16xf32>
      %get3A_161 = arith.constant 1 : i32
      %get3A_162 = arith.index_cast %get3A_161 : i32 to index
      %get3A_163 = arith.index_cast %scan3A_139 : i32 to index
      %get3A_164 = arith.constant 16 : index
      %get3A_165 = tpu.vector_load %arg7[%get3A_162, %get3A_163, %get3A_164] {strides = array<i32>} : memref<2x128x64xf32, #tpu.memory_space<vmem>>, vector<1x1x16xf32>,
      %get3A_166 = vector.shape_cast %get3A_165 : vector<1x1x16xf32> to vector<16xf32>
      %sub3A_167 = arith.subf %get3A_160, %get3A_166 : vector<16xf32>
      %mul3A_168 = arith.mulf %sub3A_167, %sub3A_167 : vector<16xf32>
      %add3A_169 = arith.addf %scan3A_141, %mul3A_168 : vector<16xf32>
      %get3A_170 = arith.index_cast %add3A_145 : i32 to index
      %get3A_171 = arith.constant 32 : index
      %get3A_172 = tpu.vector_load %arg8[%get3A_170, %get3A_171] {strides = array<i32>} : memref<512x64xf32, #tpu.memory_space<vmem>>, vector<1x16xf32>,
      %get3A_173 = vector.shape_cast %get3A_172 : vector<1x16xf32> to vector<16xf32>
      %get3A_174 = arith.constant 1 : i32
      %get3A_175 = arith.index_cast %get3A_174 : i32 to index
      %get3A_176 = arith.index_cast %scan3A_139 : i32 to index
      %get3A_177 = arith.constant 32 : index
      %get3A_178 = tpu.vector_load %arg7[%get3A_175, %get3A_176, %get3A_177] {strides = array<i32>} : memref<2x128x64xf32, #tpu.memory_space<vmem>>, vector<1x1x16xf32>,
      %get3A_179 = vector.shape_cast %get3A_178 : vector<1x1x16xf32> to vector<16xf32>
      %sub3A_180 = arith.subf %get3A_173, %get3A_179 : vector<16xf32>
      %mul3A_181 = arith.mulf %sub3A_180, %sub3A_180 : vector<16xf32>
      %add3A_182 = arith.addf %scan3A_142, %mul3A_181 : vector<16xf32>
      %get3A_183 = arith.index_cast %add3A_145 : i32 to index
      %get3A_184 = arith.constant 48 : index
      %get3A_185 = tpu.vector_load %arg8[%get3A_183, %get3A_184] {strides = array<i32>} : memref<512x64xf32, #tpu.memory_space<vmem>>, vector<1x16xf32>,
      %get3A_186 = vector.shape_cast %get3A_185 : vector<1x16xf32> to vector<16xf32>
      %get3A_187 = arith.constant 1 : i32
      %get3A_188 = arith.index_cast %get3A_187 : i32 to index
      %get3A_189 = arith.index_cast %scan3A_139 : i32 to index
      %get3A_190 = arith.constant 48 : index
      %get3A_191 = tpu.vector_load %arg7[%get3A_188, %get3A_189, %get3A_190] {strides = array<i32>} : memref<2x128x64xf32, #tpu.memory_space<vmem>>, vector<1x1x16xf32>,
      %get3A_192 = vector.shape_cast %get3A_191 : vector<1x1x16xf32> to vector<16xf32>
      %sub3A_193 = arith.subf %get3A_186, %get3A_192 : vector<16xf32>
      %mul3A_194 = arith.mulf %sub3A_193, %sub3A_193 : vector<16xf32>
      %add3A_195 = arith.addf %scan3A_143, %mul3A_194 : vector<16xf32>
      scf.yield %add3A_156, %add3A_169, %add3A_182, %add3A_195 : vector<16xf32>, vector<16xf32>, vector<16xf32>, vector<16xf32>
    }
    %scan3A_77 = arith.constant 128 : i32
    %scan3A_78 = arith.constant 0 : i32
    %scan3A_79 = arith.constant 0 : i32
    %scan3A_80 = arith.constant 8 : i32
    %scan3A_81 = arith.addi %scan3A_79, %scan3A_80 : i32
    %scan3A_82 = arith.constant 1 : i32
    %scan3A_83 = scf.for %scan3A_139 = %scan3A_79 to %scan3A_81 step %scan3A_82 iter_args(%scan3A_140 = %scan3A_78) -> (i32)  : i32 {
      %mul3A_141 = arith.constant 16 : i32
      %mul3A_142 = arith.muli %scan3A_139, %mul3A_141 : i32
      %add3A_143 = arith.constant 384 : i32
      %add3A_144 = arith.addi %add3A_143, %mul3A_142 : i32
      %get3A = arith.index_cast %add3A_144 : i32 to index
      %get3A_145 = tpu.vector_load %arg6[%get3A] {strides = array<i32>} : memref<512xi32, #tpu.memory_space<vmem>>, vector<16xi32>,
      %get3A_146 = vector.shape_cast %get3A_145 : vector<16xi32> to vector<16xi32>
      %slice3A = vector.extract_strided_slice %get3A_146 {offsets = [0], sizes = [1], strides = [1]} : vector<16xi32> to vector<1xi32>
      %squeeze3A = vector.extract %slice3A[0] : i32 from vector<1xi32>
      %mul3A_147 = arith.constant 16 : i32
      %mul3A_148 = arith.muli %scan3A_139, %mul3A_147 : i32
      %add3A_149 = arith.constant 0 : i32
      %add3A_150 = arith.addi %mul3A_148, %add3A_149 : i32
      %dma_start3A_151 = arith.constant 1 : i32
      %dma_start3A_152 = arith.constant 1 : i32
      %dma_start3A_153 = arith.constant 0 : i32
      %dma_start3A_154 = tpu.memref_slice %arg7[%dma_start3A_151, %add3A_150, %dma_start3A_153] : memref<2x128x64xf32, #tpu.memory_space<vmem>> -> memref<1x1x64xf32, #tpu.memory_space<vmem>>
      %dma_start3A_155 = tpu.memref_squeeze %dma_start3A_154 : memref<1x1x64xf32, #tpu.memory_space<vmem>> -> memref<64xf32, #tpu.memory_space<vmem>>
      %dma_start3A_156 = arith.constant 0 : i32
      %dma_start3A_157 = tpu.memref_slice %arg4[%squeeze3A, %dma_start3A_156] : memref<1000000x64xf32, #tpu.memory_space<hbm>> -> memref<1x64xf32, #tpu.memory_space<hbm>>
      %dma_start3A_158 = tpu.memref_squeeze %dma_start3A_157 : memref<1x64xf32, #tpu.memory_space<hbm>> -> memref<64xf32, #tpu.memory_space<hbm>>
      %dma_start3A_159 = tpu.memref_slice %arg10[%dma_start3A_152] : memref<2x!tpu.dma_semaphore, #tpu.memory_space<semaphore_mem>> -> memref<1x!tpu.dma_semaphore, #tpu.memory_space<semaphore_mem>>
      %dma_start3A_160 = tpu.memref_squeeze %dma_start3A_159 : memref<1x!tpu.dma_semaphore, #tpu.memory_space<semaphore_mem>> -> memref<!tpu.dma_semaphore, #tpu.memory_space<semaphore_mem>>
      %dma_start3A_161 = arith.constant 0 : i32
      %dma_start3A_162 = tpu.memref_slice %arg7[%dma_start3A_151, %add3A_150, %dma_start3A_161] : memref<2x128x64xf32, #tpu.memory_space<vmem>> -> memref<1x1x64xf32, #tpu.memory_space<vmem>>
      %dma_start3A_163 = tpu.memref_squeeze %dma_start3A_162 : memref<1x1x64xf32, #tpu.memory_space<vmem>> -> memref<64xf32, #tpu.memory_space<vmem>>
      %dma_start3A_164 = arith.constant 0 : i32
      %dma_start3A_165 = tpu.memref_slice %arg4[%squeeze3A, %dma_start3A_164] : memref<1000000x64xf32, #tpu.memory_space<hbm>> -> memref<1x64xf32, #tpu.memory_space<hbm>>
      %dma_start3A_166 = tpu.memref_squeeze %dma_start3A_165 : memref<1x64xf32, #tpu.memory_space<hbm>> -> memref<64xf32, #tpu.memory_space<hbm>>
      tpu.enqueue_dma source(%dma_start3A_166 : memref<64xf32, #tpu.memory_space<hbm>>) target(%dma_start3A_163 : memref<64xf32, #tpu.memory_space<vmem>>) target_semaphore(%dma_start3A_160 : memref<!tpu.dma_semaphore, #tpu.memory_space<semaphore_mem>>)
      %slice3A_167 = vector.extract_strided_slice %get3A_146 {offsets = [1], sizes = [1], strides = [1]} : vector<16xi32> to vector<1xi32>
      %squeeze3A_168 = vector.extract %slice3A_167[0] : i32 from vector<1xi32>
      %mul3A_169 = arith.constant 16 : i32
      %mul3A_170 = arith.muli %scan3A_139, %mul3A_169 : i32
      %add3A_171 = arith.constant 1 : i32
      %add3A_172 = arith.addi %mul3A_170, %add3A_171 : i32
      %dma_start3A_173 = arith.constant 1 : i32
      %dma_start3A_174 = arith.constant 1 : i32
      %dma_start3A_175 = arith.constant 0 : i32
      %dma_start3A_176 = tpu.memref_slice %arg7[%dma_start3A_173, %add3A_172, %dma_start3A_175] : memref<2x128x64xf32, #tpu.memory_space<vmem>> -> memref<1x1x64xf32, #tpu.memory_space<vmem>>
      %dma_start3A_177 = tpu.memref_squeeze %dma_start3A_176 : memref<1x1x64xf32, #tpu.memory_space<vmem>> -> memref<64xf32, #tpu.memory_space<vmem>>
      %dma_start3A_178 = arith.constant 0 : i32
      %dma_start3A_179 = tpu.memref_slice %arg4[%squeeze3A_168, %dma_start3A_178] : memref<1000000x64xf32, #tpu.memory_space<hbm>> -> memref<1x64xf32, #tpu.memory_space<hbm>>
      %dma_start3A_180 = tpu.memref_squeeze %dma_start3A_179 : memref<1x64xf32, #tpu.memory_space<hbm>> -> memref<64xf32, #tpu.memory_space<hbm>>
      %dma_start3A_181 = tpu.memref_slice %arg10[%dma_start3A_174] : memref<2x!tpu.dma_semaphore, #tpu.memory_space<semaphore_mem>> -> memref<1x!tpu.dma_semaphore, #tpu.memory_space<semaphore_mem>>
      %dma_start3A_182 = tpu.memref_squeeze %dma_start3A_181 : memref<1x!tpu.dma_semaphore, #tpu.memory_space<semaphore_mem>> -> memref<!tpu.dma_semaphore, #tpu.memory_space<semaphore_mem>>
      %dma_start3A_183 = arith.constant 0 : i32
      %dma_start3A_184 = tpu.memref_slice %arg7[%dma_start3A_173, %add3A_172, %dma_start3A_183] : memref<2x128x64xf32, #tpu.memory_space<vmem>> -> memref<1x1x64xf32, #tpu.memory_space<vmem>>
      %dma_start3A_185 = tpu.memref_squeeze %dma_start3A_184 : memref<1x1x64xf32, #tpu.memory_space<vmem>> -> memref<64xf32, #tpu.memory_space<vmem>>
      %dma_start3A_186 = arith.constant 0 : i32
      %dma_start3A_187 = tpu.memref_slice %arg4[%squeeze3A_168, %dma_start3A_186] : memref<1000000x64xf32, #tpu.memory_space<hbm>> -> memref<1x64xf32, #tpu.memory_space<hbm>>
      %dma_start3A_188 = tpu.memref_squeeze %dma_start3A_187 : memref<1x64xf32, #tpu.memory_space<hbm>> -> memref<64xf32, #tpu.memory_space<hbm>>
      tpu.enqueue_dma source(%dma_start3A_188 : memref<64xf32, #tpu.memory_space<hbm>>) target(%dma_start3A_185 : memref<64xf32, #tpu.memory_space<vmem>>) target_semaphore(%dma_start3A_182 : memref<!tpu.dma_semaphore, #tpu.memory_space<semaphore_mem>>)
      %slice3A_189 = vector.extract_strided_slice %get3A_146 {offsets = [2], sizes = [1], strides = [1]} : vector<16xi32> to vector<1xi32>
      %squeeze3A_190 = vector.extract %slice3A_189[0] : i32 from vector<1xi32>
      %mul3A_191 = arith.constant 16 : i32
      %mul3A_192 = arith.muli %scan3A_139, %mul3A_191 : i32
      %add3A_193 = arith.constant 2 : i32
      %add3A_194 = arith.addi %mul3A_192, %add3A_193 : i32
      %dma_start3A_195 = arith.constant 1 : i32
      %dma_start3A_196 = arith.constant 1 : i32
      %dma_start3A_197 = arith.constant 0 : i32
      %dma_start3A_198 = tpu.memref_slice %arg7[%dma_start3A_195, %add3A_194, %dma_start3A_197] : memref<2x128x64xf32, #tpu.memory_space<vmem>> -> memref<1x1x64xf32, #tpu.memory_space<vmem>>
      %dma_start3A_199 = tpu.memref_squeeze %dma_start3A_198 : memref<1x1x64xf32, #tpu.memory_space<vmem>> -> memref<64xf32, #tpu.memory_space<vmem>>
      %dma_start3A_200 = arith.constant 0 : i32
      %dma_start3A_201 = tpu.memref_slice %arg4[%squeeze3A_190, %dma_start3A_200] : memref<1000000x64xf32, #tpu.memory_space<hbm>> -> memref<1x64xf32, #tpu.memory_space<hbm>>
      %dma_start3A_202 = tpu.memref_squeeze %dma_start3A_201 : memref<1x64xf32, #tpu.memory_space<hbm>> -> memref<64xf32, #tpu.memory_space<hbm>>
      %dma_start3A_203 = tpu.memref_slice %arg10[%dma_start3A_196] : memref<2x!tpu.dma_semaphore, #tpu.memory_space<semaphore_mem>> -> memref<1x!tpu.dma_semaphore, #tpu.memory_space<semaphore_mem>>
      %dma_start3A_204 = tpu.memref_squeeze %dma_start3A_203 : memref<1x!tpu.dma_semaphore, #tpu.memory_space<semaphore_mem>> -> memref<!tpu.dma_semaphore, #tpu.memory_space<semaphore_mem>>
      %dma_start3A_205 = arith.constant 0 : i32
      %dma_start3A_206 = tpu.memref_slice %arg7[%dma_start3A_195, %add3A_194, %dma_start3A_205] : memref<2x128x64xf32, #tpu.memory_space<vmem>> -> memref<1x1x64xf32, #tpu.memory_space<vmem>>
      %dma_start3A_207 = tpu.memref_squeeze %dma_start3A_206 : memref<1x1x64xf32, #tpu.memory_space<vmem>> -> memref<64xf32, #tpu.memory_space<vmem>>
      %dma_start3A_208 = arith.constant 0 : i32
      %dma_start3A_209 = tpu.memref_slice %arg4[%squeeze3A_190, %dma_start3A_208] : memref<1000000x64xf32, #tpu.memory_space<hbm>> -> memref<1x64xf32, #tpu.memory_space<hbm>>
      %dma_start3A_210 = tpu.memref_squeeze %dma_start3A_209 : memref<1x64xf32, #tpu.memory_space<hbm>> -> memref<64xf32, #tpu.memory_space<hbm>>
      tpu.enqueue_dma source(%dma_start3A_210 : memref<64xf32, #tpu.memory_space<hbm>>) target(%dma_start3A_207 : memref<64xf32, #tpu.memory_space<vmem>>) target_semaphore(%dma_start3A_204 : memref<!tpu.dma_semaphore, #tpu.memory_space<semaphore_mem>>)
      %slice3A_211 = vector.extract_strided_slice %get3A_146 {offsets = [3], sizes = [1], strides = [1]} : vector<16xi32> to vector<1xi32>
      %squeeze3A_212 = vector.extract %slice3A_211[0] : i32 from vector<1xi32>
      %mul3A_213 = arith.constant 16 : i32
      %mul3A_214 = arith.muli %scan3A_139, %mul3A_213 : i32
      %add3A_215 = arith.constant 3 : i32
      %add3A_216 = arith.addi %mul3A_214, %add3A_215 : i32
      %dma_start3A_217 = arith.constant 1 : i32
      %dma_start3A_218 = arith.constant 1 : i32
      %dma_start3A_219 = arith.constant 0 : i32
      %dma_start3A_220 = tpu.memref_slice %arg7[%dma_start3A_217, %add3A_216, %dma_start3A_219] : memref<2x128x64xf32, #tpu.memory_space<vmem>> -> memref<1x1x64xf32, #tpu.memory_space<vmem>>
      %dma_start3A_221 = tpu.memref_squeeze %dma_start3A_220 : memref<1x1x64xf32, #tpu.memory_space<vmem>> -> memref<64xf32, #tpu.memory_space<vmem>>
      %dma_start3A_222 = arith.constant 0 : i32
      %dma_start3A_223 = tpu.memref_slice %arg4[%squeeze3A_212, %dma_start3A_222] : memref<1000000x64xf32, #tpu.memory_space<hbm>> -> memref<1x64xf32, #tpu.memory_space<hbm>>
      %dma_start3A_224 = tpu.memref_squeeze %dma_start3A_223 : memref<1x64xf32, #tpu.memory_space<hbm>> -> memref<64xf32, #tpu.memory_space<hbm>>
      %dma_start3A_225 = tpu.memref_slice %arg10[%dma_start3A_218] : memref<2x!tpu.dma_semaphore, #tpu.memory_space<semaphore_mem>> -> memref<1x!tpu.dma_semaphore, #tpu.memory_space<semaphore_mem>>
      %dma_start3A_226 = tpu.memref_squeeze %dma_start3A_225 : memref<1x!tpu.dma_semaphore, #tpu.memory_space<semaphore_mem>> -> memref<!tpu.dma_semaphore, #tpu.memory_space<semaphore_mem>>
      %dma_start3A_227 = arith.constant 0 : i32
      %dma_start3A_228 = tpu.memref_slice %arg7[%dma_start3A_217, %add3A_216, %dma_start3A_227] : memref<2x128x64xf32, #tpu.memory_space<vmem>> -> memref<1x1x64xf32, #tpu.memory_space<vmem>>
      %dma_start3A_229 = tpu.memref_squeeze %dma_start3A_228 : memref<1x1x64xf32, #tpu.memory_space<vmem>> -> memref<64xf32, #tpu.memory_space<vmem>>
      %dma_start3A_230 = arith.constant 0 : i32
      %dma_start3A_231 = tpu.memref_slice %arg4[%squeeze3A_212, %dma_start3A_230] : memref<1000000x64xf32, #tpu.memory_space<hbm>> -> memref<1x64xf32, #tpu.memory_space<hbm>>
      %dma_start3A_232 = tpu.memref_squeeze %dma_start3A_231 : memref<1x64xf32, #tpu.memory_space<hbm>> -> memref<64xf32, #tpu.memory_space<hbm>>
      tpu.enqueue_dma source(%dma_start3A_232 : memref<64xf32, #tpu.memory_space<hbm>>) target(%dma_start3A_229 : memref<64xf32, #tpu.memory_space<vmem>>) target_semaphore(%dma_start3A_226 : memref<!tpu.dma_semaphore, #tpu.memory_space<semaphore_mem>>)
      %slice3A_233 = vector.extract_strided_slice %get3A_146 {offsets = [4], sizes = [1], strides = [1]} : vector<16xi32> to vector<1xi32>
      %squeeze3A_234 = vector.extract %slice3A_233[0] : i32 from vector<1xi32>
      %mul3A_235 = arith.constant 16 : i32
      %mul3A_236 = arith.muli %scan3A_139, %mul3A_235 : i32
      %add3A_237 = arith.constant 4 : i32
      %add3A_238 = arith.addi %mul3A_236, %add3A_237 : i32
      %dma_start3A_239 = arith.constant 1 : i32
      %dma_start3A_240 = arith.constant 1 : i32
      %dma_start3A_241 = arith.constant 0 : i32
      %dma_start3A_242 = tpu.memref_slice %arg7[%dma_start3A_239, %add3A_238, %dma_start3A_241] : memref<2x128x64xf32, #tpu.memory_space<vmem>> -> memref<1x1x64xf32, #tpu.memory_space<vmem>>
      %dma_start3A_243 = tpu.memref_squeeze %dma_start3A_242 : memref<1x1x64xf32, #tpu.memory_space<vmem>> -> memref<64xf32, #tpu.memory_space<vmem>>
      %dma_start3A_244 = arith.constant 0 : i32
      %dma_start3A_245 = tpu.memref_slice %arg4[%squeeze3A_234, %dma_start3A_244] : memref<1000000x64xf32, #tpu.memory_space<hbm>> -> memref<1x64xf32, #tpu.memory_space<hbm>>
      %dma_start3A_246 = tpu.memref_squeeze %dma_start3A_245 : memref<1x64xf32, #tpu.memory_space<hbm>> -> memref<64xf32, #tpu.memory_space<hbm>>
      %dma_start3A_247 = tpu.memref_slice %arg10[%dma_start3A_240] : memref<2x!tpu.dma_semaphore, #tpu.memory_space<semaphore_mem>> -> memref<1x!tpu.dma_semaphore, #tpu.memory_space<semaphore_mem>>
      %dma_start3A_248 = tpu.memref_squeeze %dma_start3A_247 : memref<1x!tpu.dma_semaphore, #tpu.memory_space<semaphore_mem>> -> memref<!tpu.dma_semaphore, #tpu.memory_space<semaphore_mem>>
      %dma_start3A_249 = arith.constant 0 : i32
      %dma_start3A_250 = tpu.memref_slice %arg7[%dma_start3A_239, %add3A_238, %dma_start3A_249] : memref<2x128x64xf32, #tpu.memory_space<vmem>> -> memref<1x1x64xf32, #tpu.memory_space<vmem>>
      %dma_start3A_251 = tpu.memref_squeeze %dma_start3A_250 : memref<1x1x64xf32, #tpu.memory_space<vmem>> -> memref<64xf32, #tpu.memory_space<vmem>>
      %dma_start3A_252 = arith.constant 0 : i32
      %dma_start3A_253 = tpu.memref_slice %arg4[%squeeze3A_234, %dma_start3A_252] : memref<1000000x64xf32, #tpu.memory_space<hbm>> -> memref<1x64xf32, #tpu.memory_space<hbm>>
      %dma_start3A_254 = tpu.memref_squeeze %dma_start3A_253 : memref<1x64xf32, #tpu.memory_space<hbm>> -> memref<64xf32, #tpu.memory_space<hbm>>
      tpu.enqueue_dma source(%dma_start3A_254 : memref<64xf32, #tpu.memory_space<hbm>>) target(%dma_start3A_251 : memref<64xf32, #tpu.memory_space<vmem>>) target_semaphore(%dma_start3A_248 : memref<!tpu.dma_semaphore, #tpu.memory_space<semaphore_mem>>)
      %slice3A_255 = vector.extract_strided_slice %get3A_146 {offsets = [5], sizes = [1], strides = [1]} : vector<16xi32> to vector<1xi32>
      %squeeze3A_256 = vector.extract %slice3A_255[0] : i32 from vector<1xi32>
      %mul3A_257 = arith.constant 16 : i32
      %mul3A_258 = arith.muli %scan3A_139, %mul3A_257 : i32
      %add3A_259 = arith.constant 5 : i32
      %add3A_260 = arith.addi %mul3A_258, %add3A_259 : i32
      %dma_start3A_261 = arith.constant 1 : i32
      %dma_start3A_262 = arith.constant 1 : i32
      %dma_start3A_263 = arith.constant 0 : i32
      %dma_start3A_264 = tpu.memref_slice %arg7[%dma_start3A_261, %add3A_260, %dma_start3A_263] : memref<2x128x64xf32, #tpu.memory_space<vmem>> -> memref<1x1x64xf32, #tpu.memory_space<vmem>>
      %dma_start3A_265 = tpu.memref_squeeze %dma_start3A_264 : memref<1x1x64xf32, #tpu.memory_space<vmem>> -> memref<64xf32, #tpu.memory_space<vmem>>
      %dma_start3A_266 = arith.constant 0 : i32
      %dma_start3A_267 = tpu.memref_slice %arg4[%squeeze3A_256, %dma_start3A_266] : memref<1000000x64xf32, #tpu.memory_space<hbm>> -> memref<1x64xf32, #tpu.memory_space<hbm>>
      %dma_start3A_268 = tpu.memref_squeeze %dma_start3A_267 : memref<1x64xf32, #tpu.memory_space<hbm>> -> memref<64xf32, #tpu.memory_space<hbm>>
      %dma_start3A_269 = tpu.memref_slice %arg10[%dma_start3A_262] : memref<2x!tpu.dma_semaphore, #tpu.memory_space<semaphore_mem>> -> memref<1x!tpu.dma_semaphore, #tpu.memory_space<semaphore_mem>>
      %dma_start3A_270 = tpu.memref_squeeze %dma_start3A_269 : memref<1x!tpu.dma_semaphore, #tpu.memory_space<semaphore_mem>> -> memref<!tpu.dma_semaphore, #tpu.memory_space<semaphore_mem>>
      %dma_start3A_271 = arith.constant 0 : i32
      %dma_start3A_272 = tpu.memref_slice %arg7[%dma_start3A_261, %add3A_260, %dma_start3A_271] : memref<2x128x64xf32, #tpu.memory_space<vmem>> -> memref<1x1x64xf32, #tpu.memory_space<vmem>>
      %dma_start3A_273 = tpu.memref_squeeze %dma_start3A_272 : memref<1x1x64xf32, #tpu.memory_space<vmem>> -> memref<64xf32, #tpu.memory_space<vmem>>
      %dma_start3A_274 = arith.constant 0 : i32
      %dma_start3A_275 = tpu.memref_slice %arg4[%squeeze3A_256, %dma_start3A_274] : memref<1000000x64xf32, #tpu.memory_space<hbm>> -> memref<1x64xf32, #tpu.memory_space<hbm>>
      %dma_start3A_276 = tpu.memref_squeeze %dma_start3A_275 : memref<1x64xf32, #tpu.memory_space<hbm>> -> memref<64xf32, #tpu.memory_space<hbm>>
      tpu.enqueue_dma source(%dma_start3A_276 : memref<64xf32, #tpu.memory_space<hbm>>) target(%dma_start3A_273 : memref<64xf32, #tpu.memory_space<vmem>>) target_semaphore(%dma_start3A_270 : memref<!tpu.dma_semaphore, #tpu.memory_space<semaphore_mem>>)
      %slice3A_277 = vector.extract_strided_slice %get3A_146 {offsets = [6], sizes = [1], strides = [1]} : vector<16xi32> to vector<1xi32>
      %squeeze3A_278 = vector.extract %slice3A_277[0] : i32 from vector<1xi32>
      %mul3A_279 = arith.constant 16 : i32
      %mul3A_280 = arith.muli %scan3A_139, %mul3A_279 : i32
      %add3A_281 = arith.constant 6 : i32
      %add3A_282 = arith.addi %mul3A_280, %add3A_281 : i32
      %dma_start3A_283 = arith.constant 1 : i32
      %dma_start3A_284 = arith.constant 1 : i32
      %dma_start3A_285 = arith.constant 0 : i32
      %dma_start3A_286 = tpu.memref_slice %arg7[%dma_start3A_283, %add3A_282, %dma_start3A_285] : memref<2x128x64xf32, #tpu.memory_space<vmem>> -> memref<1x1x64xf32, #tpu.memory_space<vmem>>
      %dma_start3A_287 = tpu.memref_squeeze %dma_start3A_286 : memref<1x1x64xf32, #tpu.memory_space<vmem>> -> memref<64xf32, #tpu.memory_space<vmem>>
      %dma_start3A_288 = arith.constant 0 : i32
      %dma_start3A_289 = tpu.memref_slice %arg4[%squeeze3A_278, %dma_start3A_288] : memref<1000000x64xf32, #tpu.memory_space<hbm>> -> memref<1x64xf32, #tpu.memory_space<hbm>>
      %dma_start3A_290 = tpu.memref_squeeze %dma_start3A_289 : memref<1x64xf32, #tpu.memory_space<hbm>> -> memref<64xf32, #tpu.memory_space<hbm>>
      %dma_start3A_291 = tpu.memref_slice %arg10[%dma_start3A_284] : memref<2x!tpu.dma_semaphore, #tpu.memory_space<semaphore_mem>> -> memref<1x!tpu.dma_semaphore, #tpu.memory_space<semaphore_mem>>
      %dma_start3A_292 = tpu.memref_squeeze %dma_start3A_291 : memref<1x!tpu.dma_semaphore, #tpu.memory_space<semaphore_mem>> -> memref<!tpu.dma_semaphore, #tpu.memory_space<semaphore_mem>>
      %dma_start3A_293 = arith.constant 0 : i32
      %dma_start3A_294 = tpu.memref_slice %arg7[%dma_start3A_283, %add3A_282, %dma_start3A_293] : memref<2x128x64xf32, #tpu.memory_space<vmem>> -> memref<1x1x64xf32, #tpu.memory_space<vmem>>
      %dma_start3A_295 = tpu.memref_squeeze %dma_start3A_294 : memref<1x1x64xf32, #tpu.memory_space<vmem>> -> memref<64xf32, #tpu.memory_space<vmem>>
      %dma_start3A_296 = arith.constant 0 : i32
      %dma_start3A_297 = tpu.memref_slice %arg4[%squeeze3A_278, %dma_start3A_296] : memref<1000000x64xf32, #tpu.memory_space<hbm>> -> memref<1x64xf32, #tpu.memory_space<hbm>>
      %dma_start3A_298 = tpu.memref_squeeze %dma_start3A_297 : memref<1x64xf32, #tpu.memory_space<hbm>> -> memref<64xf32, #tpu.memory_space<hbm>>
      tpu.enqueue_dma source(%dma_start3A_298 : memref<64xf32, #tpu.memory_space<hbm>>) target(%dma_start3A_295 : memref<64xf32, #tpu.memory_space<vmem>>) target_semaphore(%dma_start3A_292 : memref<!tpu.dma_semaphore, #tpu.memory_space<semaphore_mem>>)
      %slice3A_299 = vector.extract_strided_slice %get3A_146 {offsets = [7], sizes = [1], strides = [1]} : vector<16xi32> to vector<1xi32>
      %squeeze3A_300 = vector.extract %slice3A_299[0] : i32 from vector<1xi32>
      %mul3A_301 = arith.constant 16 : i32
      %mul3A_302 = arith.muli %scan3A_139, %mul3A_301 : i32
      %add3A_303 = arith.constant 7 : i32
      %add3A_304 = arith.addi %mul3A_302, %add3A_303 : i32
      %dma_start3A_305 = arith.constant 1 : i32
      %dma_start3A_306 = arith.constant 1 : i32
      %dma_start3A_307 = arith.constant 0 : i32
      %dma_start3A_308 = tpu.memref_slice %arg7[%dma_start3A_305, %add3A_304, %dma_start3A_307] : memref<2x128x64xf32, #tpu.memory_space<vmem>> -> memref<1x1x64xf32, #tpu.memory_space<vmem>>
      %dma_start3A_309 = tpu.memref_squeeze %dma_start3A_308 : memref<1x1x64xf32, #tpu.memory_space<vmem>> -> memref<64xf32, #tpu.memory_space<vmem>>
      %dma_start3A_310 = arith.constant 0 : i32
      %dma_start3A_311 = tpu.memref_slice %arg4[%squeeze3A_300, %dma_start3A_310] : memref<1000000x64xf32, #tpu.memory_space<hbm>> -> memref<1x64xf32, #tpu.memory_space<hbm>>
      %dma_start3A_312 = tpu.memref_squeeze %dma_start3A_311 : memref<1x64xf32, #tpu.memory_space<hbm>> -> memref<64xf32, #tpu.memory_space<hbm>>
      %dma_start3A_313 = tpu.memref_slice %arg10[%dma_start3A_306] : memref<2x!tpu.dma_semaphore, #tpu.memory_space<semaphore_mem>> -> memref<1x!tpu.dma_semaphore, #tpu.memory_space<semaphore_mem>>
      %dma_start3A_314 = tpu.memref_squeeze %dma_start3A_313 : memref<1x!tpu.dma_semaphore, #tpu.memory_space<semaphore_mem>> -> memref<!tpu.dma_semaphore, #tpu.memory_space<semaphore_mem>>
      %dma_start3A_315 = arith.constant 0 : i32
      %dma_start3A_316 = tpu.memref_slice %arg7[%dma_start3A_305, %add3A_304, %dma_start3A_315] : memref<2x128x64xf32, #tpu.memory_space<vmem>> -> memref<1x1x64xf32, #tpu.memory_space<vmem>>
      %dma_start3A_317 = tpu.memref_squeeze %dma_start3A_316 : memref<1x1x64xf32, #tpu.memory_space<vmem>> -> memref<64xf32, #tpu.memory_space<vmem>>
      %dma_start3A_318 = arith.constant 0 : i32
      %dma_start3A_319 = tpu.memref_slice %arg4[%squeeze3A_300, %dma_start3A_318] : memref<1000000x64xf32, #tpu.memory_space<hbm>> -> memref<1x64xf32, #tpu.memory_space<hbm>>
      %dma_start3A_320 = tpu.memref_squeeze %dma_start3A_319 : memref<1x64xf32, #tpu.memory_space<hbm>> -> memref<64xf32, #tpu.memory_space<hbm>>
      tpu.enqueue_dma source(%dma_start3A_320 : memref<64xf32, #tpu.memory_space<hbm>>) target(%dma_start3A_317 : memref<64xf32, #tpu.memory_space<vmem>>) target_semaphore(%dma_start3A_314 : memref<!tpu.dma_semaphore, #tpu.memory_space<semaphore_mem>>)
      %slice3A_321 = vector.extract_strided_slice %get3A_146 {offsets = [8], sizes = [1], strides = [1]} : vector<16xi32> to vector<1xi32>
      %squeeze3A_322 = vector.extract %slice3A_321[0] : i32 from vector<1xi32>
      %mul3A_323 = arith.constant 16 : i32
      %mul3A_324 = arith.muli %scan3A_139, %mul3A_323 : i32
      %add3A_325 = arith.constant 8 : i32
      %add3A_326 = arith.addi %mul3A_324, %add3A_325 : i32
      %dma_start3A_327 = arith.constant 1 : i32
      %dma_start3A_328 = arith.constant 1 : i32
      %dma_start3A_329 = arith.constant 0 : i32
      %dma_start3A_330 = tpu.memref_slice %arg7[%dma_start3A_327, %add3A_326, %dma_start3A_329] : memref<2x128x64xf32, #tpu.memory_space<vmem>> -> memref<1x1x64xf32, #tpu.memory_space<vmem>>
      %dma_start3A_331 = tpu.memref_squeeze %dma_start3A_330 : memref<1x1x64xf32, #tpu.memory_space<vmem>> -> memref<64xf32, #tpu.memory_space<vmem>>
      %dma_start3A_332 = arith.constant 0 : i32
      %dma_start3A_333 = tpu.memref_slice %arg4[%squeeze3A_322, %dma_start3A_332] : memref<1000000x64xf32, #tpu.memory_space<hbm>> -> memref<1x64xf32, #tpu.memory_space<hbm>>
      %dma_start3A_334 = tpu.memref_squeeze %dma_start3A_333 : memref<1x64xf32, #tpu.memory_space<hbm>> -> memref<64xf32, #tpu.memory_space<hbm>>
      %dma_start3A_335 = tpu.memref_slice %arg10[%dma_start3A_328] : memref<2x!tpu.dma_semaphore, #tpu.memory_space<semaphore_mem>> -> memref<1x!tpu.dma_semaphore, #tpu.memory_space<semaphore_mem>>
      %dma_start3A_336 = tpu.memref_squeeze %dma_start3A_335 : memref<1x!tpu.dma_semaphore, #tpu.memory_space<semaphore_mem>> -> memref<!tpu.dma_semaphore, #tpu.memory_space<semaphore_mem>>
      %dma_start3A_337 = arith.constant 0 : i32
      %dma_start3A_338 = tpu.memref_slice %arg7[%dma_start3A_327, %add3A_326, %dma_start3A_337] : memref<2x128x64xf32, #tpu.memory_space<vmem>> -> memref<1x1x64xf32, #tpu.memory_space<vmem>>
      %dma_start3A_339 = tpu.memref_squeeze %dma_start3A_338 : memref<1x1x64xf32, #tpu.memory_space<vmem>> -> memref<64xf32, #tpu.memory_space<vmem>>
      %dma_start3A_340 = arith.constant 0 : i32
      %dma_start3A_341 = tpu.memref_slice %arg4[%squeeze3A_322, %dma_start3A_340] : memref<1000000x64xf32, #tpu.memory_space<hbm>> -> memref<1x64xf32, #tpu.memory_space<hbm>>
      %dma_start3A_342 = tpu.memref_squeeze %dma_start3A_341 : memref<1x64xf32, #tpu.memory_space<hbm>> -> memref<64xf32, #tpu.memory_space<hbm>>
      tpu.enqueue_dma source(%dma_start3A_342 : memref<64xf32, #tpu.memory_space<hbm>>) target(%dma_start3A_339 : memref<64xf32, #tpu.memory_space<vmem>>) target_semaphore(%dma_start3A_336 : memref<!tpu.dma_semaphore, #tpu.memory_space<semaphore_mem>>)
      %slice3A_343 = vector.extract_strided_slice %get3A_146 {offsets = [9], sizes = [1], strides = [1]} : vector<16xi32> to vector<1xi32>
      %squeeze3A_344 = vector.extract %slice3A_343[0] : i32 from vector<1xi32>
      %mul3A_345 = arith.constant 16 : i32
      %mul3A_346 = arith.muli %scan3A_139, %mul3A_345 : i32
      %add3A_347 = arith.constant 9 : i32
      %add3A_348 = arith.addi %mul3A_346, %add3A_347 : i32
      %dma_start3A_349 = arith.constant 1 : i32
      %dma_start3A_350 = arith.constant 1 : i32
      %dma_start3A_351 = arith.constant 0 : i32
      %dma_start3A_352 = tpu.memref_slice %arg7[%dma_start3A_349, %add3A_348, %dma_start3A_351] : memref<2x128x64xf32, #tpu.memory_space<vmem>> -> memref<1x1x64xf32, #tpu.memory_space<vmem>>
      %dma_start3A_353 = tpu.memref_squeeze %dma_start3A_352 : memref<1x1x64xf32, #tpu.memory_space<vmem>> -> memref<64xf32, #tpu.memory_space<vmem>>
      %dma_start3A_354 = arith.constant 0 : i32
      %dma_start3A_355 = tpu.memref_slice %arg4[%squeeze3A_344, %dma_start3A_354] : memref<1000000x64xf32, #tpu.memory_space<hbm>> -> memref<1x64xf32, #tpu.memory_space<hbm>>
      %dma_start3A_356 = tpu.memref_squeeze %dma_start3A_355 : memref<1x64xf32, #tpu.memory_space<hbm>> -> memref<64xf32, #tpu.memory_space<hbm>>
      %dma_start3A_357 = tpu.memref_slice %arg10[%dma_start3A_350] : memref<2x!tpu.dma_semaphore, #tpu.memory_space<semaphore_mem>> -> memref<1x!tpu.dma_semaphore, #tpu.memory_space<semaphore_mem>>
      %dma_start3A_358 = tpu.memref_squeeze %dma_start3A_357 : memref<1x!tpu.dma_semaphore, #tpu.memory_space<semaphore_mem>> -> memref<!tpu.dma_semaphore, #tpu.memory_space<semaphore_mem>>
      %dma_start3A_359 = arith.constant 0 : i32
      %dma_start3A_360 = tpu.memref_slice %arg7[%dma_start3A_349, %add3A_348, %dma_start3A_359] : memref<2x128x64xf32, #tpu.memory_space<vmem>> -> memref<1x1x64xf32, #tpu.memory_space<vmem>>
      %dma_start3A_361 = tpu.memref_squeeze %dma_start3A_360 : memref<1x1x64xf32, #tpu.memory_space<vmem>> -> memref<64xf32, #tpu.memory_space<vmem>>
      %dma_start3A_362 = arith.constant 0 : i32
      %dma_start3A_363 = tpu.memref_slice %arg4[%squeeze3A_344, %dma_start3A_362] : memref<1000000x64xf32, #tpu.memory_space<hbm>> -> memref<1x64xf32, #tpu.memory_space<hbm>>
      %dma_start3A_364 = tpu.memref_squeeze %dma_start3A_363 : memref<1x64xf32, #tpu.memory_space<hbm>> -> memref<64xf32, #tpu.memory_space<hbm>>
      tpu.enqueue_dma source(%dma_start3A_364 : memref<64xf32, #tpu.memory_space<hbm>>) target(%dma_start3A_361 : memref<64xf32, #tpu.memory_space<vmem>>) target_semaphore(%dma_start3A_358 : memref<!tpu.dma_semaphore, #tpu.memory_space<semaphore_mem>>)
      %slice3A_365 = vector.extract_strided_slice %get3A_146 {offsets = [10], sizes = [1], strides = [1]} : vector<16xi32> to vector<1xi32>
      %squeeze3A_366 = vector.extract %slice3A_365[0] : i32 from vector<1xi32>
      %mul3A_367 = arith.constant 16 : i32
      %mul3A_368 = arith.muli %scan3A_139, %mul3A_367 : i32
      %add3A_369 = arith.constant 10 : i32
      %add3A_370 = arith.addi %mul3A_368, %add3A_369 : i32
      %dma_start3A_371 = arith.constant 1 : i32
      %dma_start3A_372 = arith.constant 1 : i32
      %dma_start3A_373 = arith.constant 0 : i32
      %dma_start3A_374 = tpu.memref_slice %arg7[%dma_start3A_371, %add3A_370, %dma_start3A_373] : memref<2x128x64xf32, #tpu.memory_space<vmem>> -> memref<1x1x64xf32, #tpu.memory_space<vmem>>
      %dma_start3A_375 = tpu.memref_squeeze %dma_start3A_374 : memref<1x1x64xf32, #tpu.memory_space<vmem>> -> memref<64xf32, #tpu.memory_space<vmem>>
      %dma_start3A_376 = arith.constant 0 : i32
      %dma_start3A_377 = tpu.memref_slice %arg4[%squeeze3A_366, %dma_start3A_376] : memref<1000000x64xf32, #tpu.memory_space<hbm>> -> memref<1x64xf32, #tpu.memory_space<hbm>>
      %dma_start3A_378 = tpu.memref_squeeze %dma_start3A_377 : memref<1x64xf32, #tpu.memory_space<hbm>> -> memref<64xf32, #tpu.memory_space<hbm>>
      %dma_start3A_379 = tpu.memref_slice %arg10[%dma_start3A_372] : memref<2x!tpu.dma_semaphore, #tpu.memory_space<semaphore_mem>> -> memref<1x!tpu.dma_semaphore, #tpu.memory_space<semaphore_mem>>
      %dma_start3A_380 = tpu.memref_squeeze %dma_start3A_379 : memref<1x!tpu.dma_semaphore, #tpu.memory_space<semaphore_mem>> -> memref<!tpu.dma_semaphore, #tpu.memory_space<semaphore_mem>>
      %dma_start3A_381 = arith.constant 0 : i32
      %dma_start3A_382 = tpu.memref_slice %arg7[%dma_start3A_371, %add3A_370, %dma_start3A_381] : memref<2x128x64xf32, #tpu.memory_space<vmem>> -> memref<1x1x64xf32, #tpu.memory_space<vmem>>
      %dma_start3A_383 = tpu.memref_squeeze %dma_start3A_382 : memref<1x1x64xf32, #tpu.memory_space<vmem>> -> memref<64xf32, #tpu.memory_space<vmem>>
      %dma_start3A_384 = arith.constant 0 : i32
      %dma_start3A_385 = tpu.memref_slice %arg4[%squeeze3A_366, %dma_start3A_384] : memref<1000000x64xf32, #tpu.memory_space<hbm>> -> memref<1x64xf32, #tpu.memory_space<hbm>>
      %dma_start3A_386 = tpu.memref_squeeze %dma_start3A_385 : memref<1x64xf32, #tpu.memory_space<hbm>> -> memref<64xf32, #tpu.memory_space<hbm>>
      tpu.enqueue_dma source(%dma_start3A_386 : memref<64xf32, #tpu.memory_space<hbm>>) target(%dma_start3A_383 : memref<64xf32, #tpu.memory_space<vmem>>) target_semaphore(%dma_start3A_380 : memref<!tpu.dma_semaphore, #tpu.memory_space<semaphore_mem>>)
      %slice3A_387 = vector.extract_strided_slice %get3A_146 {offsets = [11], sizes = [1], strides = [1]} : vector<16xi32> to vector<1xi32>
      %squeeze3A_388 = vector.extract %slice3A_387[0] : i32 from vector<1xi32>
      %mul3A_389 = arith.constant 16 : i32
      %mul3A_390 = arith.muli %scan3A_139, %mul3A_389 : i32
      %add3A_391 = arith.constant 11 : i32
      %add3A_392 = arith.addi %mul3A_390, %add3A_391 : i32
      %dma_start3A_393 = arith.constant 1 : i32
      %dma_start3A_394 = arith.constant 1 : i32
      %dma_start3A_395 = arith.constant 0 : i32
      %dma_start3A_396 = tpu.memref_slice %arg7[%dma_start3A_393, %add3A_392, %dma_start3A_395] : memref<2x128x64xf32, #tpu.memory_space<vmem>> -> memref<1x1x64xf32, #tpu.memory_space<vmem>>
      %dma_start3A_397 = tpu.memref_squeeze %dma_start3A_396 : memref<1x1x64xf32, #tpu.memory_space<vmem>> -> memref<64xf32, #tpu.memory_space<vmem>>
      %dma_start3A_398 = arith.constant 0 : i32
      %dma_start3A_399 = tpu.memref_slice %arg4[%squeeze3A_388, %dma_start3A_398] : memref<1000000x64xf32, #tpu.memory_space<hbm>> -> memref<1x64xf32, #tpu.memory_space<hbm>>
      %dma_start3A_400 = tpu.memref_squeeze %dma_start3A_399 : memref<1x64xf32, #tpu.memory_space<hbm>> -> memref<64xf32, #tpu.memory_space<hbm>>
      %dma_start3A_401 = tpu.memref_slice %arg10[%dma_start3A_394] : memref<2x!tpu.dma_semaphore, #tpu.memory_space<semaphore_mem>> -> memref<1x!tpu.dma_semaphore, #tpu.memory_space<semaphore_mem>>
      %dma_start3A_402 = tpu.memref_squeeze %dma_start3A_401 : memref<1x!tpu.dma_semaphore, #tpu.memory_space<semaphore_mem>> -> memref<!tpu.dma_semaphore, #tpu.memory_space<semaphore_mem>>
      %dma_start3A_403 = arith.constant 0 : i32
      %dma_start3A_404 = tpu.memref_slice %arg7[%dma_start3A_393, %add3A_392, %dma_start3A_403] : memref<2x128x64xf32, #tpu.memory_space<vmem>> -> memref<1x1x64xf32, #tpu.memory_space<vmem>>
      %dma_start3A_405 = tpu.memref_squeeze %dma_start3A_404 : memref<1x1x64xf32, #tpu.memory_space<vmem>> -> memref<64xf32, #tpu.memory_space<vmem>>
      %dma_start3A_406 = arith.constant 0 : i32
      %dma_start3A_407 = tpu.memref_slice %arg4[%squeeze3A_388, %dma_start3A_406] : memref<1000000x64xf32, #tpu.memory_space<hbm>> -> memref<1x64xf32, #tpu.memory_space<hbm>>
      %dma_start3A_408 = tpu.memref_squeeze %dma_start3A_407 : memref<1x64xf32, #tpu.memory_space<hbm>> -> memref<64xf32, #tpu.memory_space<hbm>>
      tpu.enqueue_dma source(%dma_start3A_408 : memref<64xf32, #tpu.memory_space<hbm>>) target(%dma_start3A_405 : memref<64xf32, #tpu.memory_space<vmem>>) target_semaphore(%dma_start3A_402 : memref<!tpu.dma_semaphore, #tpu.memory_space<semaphore_mem>>)
      %slice3A_409 = vector.extract_strided_slice %get3A_146 {offsets = [12], sizes = [1], strides = [1]} : vector<16xi32> to vector<1xi32>
      %squeeze3A_410 = vector.extract %slice3A_409[0] : i32 from vector<1xi32>
      %mul3A_411 = arith.constant 16 : i32
      %mul3A_412 = arith.muli %scan3A_139, %mul3A_411 : i32
      %add3A_413 = arith.constant 12 : i32
      %add3A_414 = arith.addi %mul3A_412, %add3A_413 : i32
      %dma_start3A_415 = arith.constant 1 : i32
      %dma_start3A_416 = arith.constant 1 : i32
      %dma_start3A_417 = arith.constant 0 : i32
      %dma_start3A_418 = tpu.memref_slice %arg7[%dma_start3A_415, %add3A_414, %dma_start3A_417] : memref<2x128x64xf32, #tpu.memory_space<vmem>> -> memref<1x1x64xf32, #tpu.memory_space<vmem>>
      %dma_start3A_419 = tpu.memref_squeeze %dma_start3A_418 : memref<1x1x64xf32, #tpu.memory_space<vmem>> -> memref<64xf32, #tpu.memory_space<vmem>>
      %dma_start3A_420 = arith.constant 0 : i32
      %dma_start3A_421 = tpu.memref_slice %arg4[%squeeze3A_410, %dma_start3A_420] : memref<1000000x64xf32, #tpu.memory_space<hbm>> -> memref<1x64xf32, #tpu.memory_space<hbm>>
      %dma_start3A_422 = tpu.memref_squeeze %dma_start3A_421 : memref<1x64xf32, #tpu.memory_space<hbm>> -> memref<64xf32, #tpu.memory_space<hbm>>
      %dma_start3A_423 = tpu.memref_slice %arg10[%dma_start3A_416] : memref<2x!tpu.dma_semaphore, #tpu.memory_space<semaphore_mem>> -> memref<1x!tpu.dma_semaphore, #tpu.memory_space<semaphore_mem>>
      %dma_start3A_424 = tpu.memref_squeeze %dma_start3A_423 : memref<1x!tpu.dma_semaphore, #tpu.memory_space<semaphore_mem>> -> memref<!tpu.dma_semaphore, #tpu.memory_space<semaphore_mem>>
      %dma_start3A_425 = arith.constant 0 : i32
      %dma_start3A_426 = tpu.memref_slice %arg7[%dma_start3A_415, %add3A_414, %dma_start3A_425] : memref<2x128x64xf32, #tpu.memory_space<vmem>> -> memref<1x1x64xf32, #tpu.memory_space<vmem>>
      %dma_start3A_427 = tpu.memref_squeeze %dma_start3A_426 : memref<1x1x64xf32, #tpu.memory_space<vmem>> -> memref<64xf32, #tpu.memory_space<vmem>>
      %dma_start3A_428 = arith.constant 0 : i32
      %dma_start3A_429 = tpu.memref_slice %arg4[%squeeze3A_410, %dma_start3A_428] : memref<1000000x64xf32, #tpu.memory_space<hbm>> -> memref<1x64xf32, #tpu.memory_space<hbm>>
      %dma_start3A_430 = tpu.memref_squeeze %dma_start3A_429 : memref<1x64xf32, #tpu.memory_space<hbm>> -> memref<64xf32, #tpu.memory_space<hbm>>
      tpu.enqueue_dma source(%dma_start3A_430 : memref<64xf32, #tpu.memory_space<hbm>>) target(%dma_start3A_427 : memref<64xf32, #tpu.memory_space<vmem>>) target_semaphore(%dma_start3A_424 : memref<!tpu.dma_semaphore, #tpu.memory_space<semaphore_mem>>)
      %slice3A_431 = vector.extract_strided_slice %get3A_146 {offsets = [13], sizes = [1], strides = [1]} : vector<16xi32> to vector<1xi32>
      %squeeze3A_432 = vector.extract %slice3A_431[0] : i32 from vector<1xi32>
      %mul3A_433 = arith.constant 16 : i32
      %mul3A_434 = arith.muli %scan3A_139, %mul3A_433 : i32
      %add3A_435 = arith.constant 13 : i32
      %add3A_436 = arith.addi %mul3A_434, %add3A_435 : i32
      %dma_start3A_437 = arith.constant 1 : i32
      %dma_start3A_438 = arith.constant 1 : i32
      %dma_start3A_439 = arith.constant 0 : i32
      %dma_start3A_440 = tpu.memref_slice %arg7[%dma_start3A_437, %add3A_436, %dma_start3A_439] : memref<2x128x64xf32, #tpu.memory_space<vmem>> -> memref<1x1x64xf32, #tpu.memory_space<vmem>>
      %dma_start3A_441 = tpu.memref_squeeze %dma_start3A_440 : memref<1x1x64xf32, #tpu.memory_space<vmem>> -> memref<64xf32, #tpu.memory_space<vmem>>
      %dma_start3A_442 = arith.constant 0 : i32
      %dma_start3A_443 = tpu.memref_slice %arg4[%squeeze3A_432, %dma_start3A_442] : memref<1000000x64xf32, #tpu.memory_space<hbm>> -> memref<1x64xf32, #tpu.memory_space<hbm>>
      %dma_start3A_444 = tpu.memref_squeeze %dma_start3A_443 : memref<1x64xf32, #tpu.memory_space<hbm>> -> memref<64xf32, #tpu.memory_space<hbm>>
      %dma_start3A_445 = tpu.memref_slice %arg10[%dma_start3A_438] : memref<2x!tpu.dma_semaphore, #tpu.memory_space<semaphore_mem>> -> memref<1x!tpu.dma_semaphore, #tpu.memory_space<semaphore_mem>>
      %dma_start3A_446 = tpu.memref_squeeze %dma_start3A_445 : memref<1x!tpu.dma_semaphore, #tpu.memory_space<semaphore_mem>> -> memref<!tpu.dma_semaphore, #tpu.memory_space<semaphore_mem>>
      %dma_start3A_447 = arith.constant 0 : i32
      %dma_start3A_448 = tpu.memref_slice %arg7[%dma_start3A_437, %add3A_436, %dma_start3A_447] : memref<2x128x64xf32, #tpu.memory_space<vmem>> -> memref<1x1x64xf32, #tpu.memory_space<vmem>>
      %dma_start3A_449 = tpu.memref_squeeze %dma_start3A_448 : memref<1x1x64xf32, #tpu.memory_space<vmem>> -> memref<64xf32, #tpu.memory_space<vmem>>
      %dma_start3A_450 = arith.constant 0 : i32
      %dma_start3A_451 = tpu.memref_slice %arg4[%squeeze3A_432, %dma_start3A_450] : memref<1000000x64xf32, #tpu.memory_space<hbm>> -> memref<1x64xf32, #tpu.memory_space<hbm>>
      %dma_start3A_452 = tpu.memref_squeeze %dma_start3A_451 : memref<1x64xf32, #tpu.memory_space<hbm>> -> memref<64xf32, #tpu.memory_space<hbm>>
      tpu.enqueue_dma source(%dma_start3A_452 : memref<64xf32, #tpu.memory_space<hbm>>) target(%dma_start3A_449 : memref<64xf32, #tpu.memory_space<vmem>>) target_semaphore(%dma_start3A_446 : memref<!tpu.dma_semaphore, #tpu.memory_space<semaphore_mem>>)
      %slice3A_453 = vector.extract_strided_slice %get3A_146 {offsets = [14], sizes = [1], strides = [1]} : vector<16xi32> to vector<1xi32>
      %squeeze3A_454 = vector.extract %slice3A_453[0] : i32 from vector<1xi32>
      %mul3A_455 = arith.constant 16 : i32
      %mul3A_456 = arith.muli %scan3A_139, %mul3A_455 : i32
      %add3A_457 = arith.constant 14 : i32
      %add3A_458 = arith.addi %mul3A_456, %add3A_457 : i32
      %dma_start3A_459 = arith.constant 1 : i32
      %dma_start3A_460 = arith.constant 1 : i32
      %dma_start3A_461 = arith.constant 0 : i32
      %dma_start3A_462 = tpu.memref_slice %arg7[%dma_start3A_459, %add3A_458, %dma_start3A_461] : memref<2x128x64xf32, #tpu.memory_space<vmem>> -> memref<1x1x64xf32, #tpu.memory_space<vmem>>
      %dma_start3A_463 = tpu.memref_squeeze %dma_start3A_462 : memref<1x1x64xf32, #tpu.memory_space<vmem>> -> memref<64xf32, #tpu.memory_space<vmem>>
      %dma_start3A_464 = arith.constant 0 : i32
      %dma_start3A_465 = tpu.memref_slice %arg4[%squeeze3A_454, %dma_start3A_464] : memref<1000000x64xf32, #tpu.memory_space<hbm>> -> memref<1x64xf32, #tpu.memory_space<hbm>>
      %dma_start3A_466 = tpu.memref_squeeze %dma_start3A_465 : memref<1x64xf32, #tpu.memory_space<hbm>> -> memref<64xf32, #tpu.memory_space<hbm>>
      %dma_start3A_467 = tpu.memref_slice %arg10[%dma_start3A_460] : memref<2x!tpu.dma_semaphore, #tpu.memory_space<semaphore_mem>> -> memref<1x!tpu.dma_semaphore, #tpu.memory_space<semaphore_mem>>
      %dma_start3A_468 = tpu.memref_squeeze %dma_start3A_467 : memref<1x!tpu.dma_semaphore, #tpu.memory_space<semaphore_mem>> -> memref<!tpu.dma_semaphore, #tpu.memory_space<semaphore_mem>>
      %dma_start3A_469 = arith.constant 0 : i32
      %dma_start3A_470 = tpu.memref_slice %arg7[%dma_start3A_459, %add3A_458, %dma_start3A_469] : memref<2x128x64xf32, #tpu.memory_space<vmem>> -> memref<1x1x64xf32, #tpu.memory_space<vmem>>
      %dma_start3A_471 = tpu.memref_squeeze %dma_start3A_470 : memref<1x1x64xf32, #tpu.memory_space<vmem>> -> memref<64xf32, #tpu.memory_space<vmem>>
      %dma_start3A_472 = arith.constant 0 : i32
      %dma_start3A_473 = tpu.memref_slice %arg4[%squeeze3A_454, %dma_start3A_472] : memref<1000000x64xf32, #tpu.memory_space<hbm>> -> memref<1x64xf32, #tpu.memory_space<hbm>>
      %dma_start3A_474 = tpu.memref_squeeze %dma_start3A_473 : memref<1x64xf32, #tpu.memory_space<hbm>> -> memref<64xf32, #tpu.memory_space<hbm>>
      tpu.enqueue_dma source(%dma_start3A_474 : memref<64xf32, #tpu.memory_space<hbm>>) target(%dma_start3A_471 : memref<64xf32, #tpu.memory_space<vmem>>) target_semaphore(%dma_start3A_468 : memref<!tpu.dma_semaphore, #tpu.memory_space<semaphore_mem>>)
      %slice3A_475 = vector.extract_strided_slice %get3A_146 {offsets = [15], sizes = [1], strides = [1]} : vector<16xi32> to vector<1xi32>
      %squeeze3A_476 = vector.extract %slice3A_475[0] : i32 from vector<1xi32>
      %mul3A_477 = arith.constant 16 : i32
      %mul3A_478 = arith.muli %scan3A_139, %mul3A_477 : i32
      %add3A_479 = arith.constant 15 : i32
      %add3A_480 = arith.addi %mul3A_478, %add3A_479 : i32
      %dma_start3A_481 = arith.constant 1 : i32
      %dma_start3A_482 = arith.constant 1 : i32
      %dma_start3A_483 = arith.constant 0 : i32
      %dma_start3A_484 = tpu.memref_slice %arg7[%dma_start3A_481, %add3A_480, %dma_start3A_483] : memref<2x128x64xf32, #tpu.memory_space<vmem>> -> memref<1x1x64xf32, #tpu.memory_space<vmem>>
      %dma_start3A_485 = tpu.memref_squeeze %dma_start3A_484 : memref<1x1x64xf32, #tpu.memory_space<vmem>> -> memref<64xf32, #tpu.memory_space<vmem>>
      %dma_start3A_486 = arith.constant 0 : i32
      %dma_start3A_487 = tpu.memref_slice %arg4[%squeeze3A_476, %dma_start3A_486] : memref<1000000x64xf32, #tpu.memory_space<hbm>> -> memref<1x64xf32, #tpu.memory_space<hbm>>
      %dma_start3A_488 = tpu.memref_squeeze %dma_start3A_487 : memref<1x64xf32, #tpu.memory_space<hbm>> -> memref<64xf32, #tpu.memory_space<hbm>>
      %dma_start3A_489 = tpu.memref_slice %arg10[%dma_start3A_482] : memref<2x!tpu.dma_semaphore, #tpu.memory_space<semaphore_mem>> -> memref<1x!tpu.dma_semaphore, #tpu.memory_space<semaphore_mem>>
      %dma_start3A_490 = tpu.memref_squeeze %dma_start3A_489 : memref<1x!tpu.dma_semaphore, #tpu.memory_space<semaphore_mem>> -> memref<!tpu.dma_semaphore, #tpu.memory_space<semaphore_mem>>
      %dma_start3A_491 = arith.constant 0 : i32
      %dma_start3A_492 = tpu.memref_slice %arg7[%dma_start3A_481, %add3A_480, %dma_start3A_491] : memref<2x128x64xf32, #tpu.memory_space<vmem>> -> memref<1x1x64xf32, #tpu.memory_space<vmem>>
      %dma_start3A_493 = tpu.memref_squeeze %dma_start3A_492 : memref<1x1x64xf32, #tpu.memory_space<vmem>> -> memref<64xf32, #tpu.memory_space<vmem>>
      %dma_start3A_494 = arith.constant 0 : i32
      %dma_start3A_495 = tpu.memref_slice %arg4[%squeeze3A_476, %dma_start3A_494] : memref<1000000x64xf32, #tpu.memory_space<hbm>> -> memref<1x64xf32, #tpu.memory_space<hbm>>
      %dma_start3A_496 = tpu.memref_squeeze %dma_start3A_495 : memref<1x64xf32, #tpu.memory_space<hbm>> -> memref<64xf32, #tpu.memory_space<hbm>>
      tpu.enqueue_dma source(%dma_start3A_496 : memref<64xf32, #tpu.memory_space<hbm>>) target(%dma_start3A_493 : memref<64xf32, #tpu.memory_space<vmem>>) target_semaphore(%dma_start3A_490 : memref<!tpu.dma_semaphore, #tpu.memory_space<semaphore_mem>>)
      %scan3A_497 = arith.constant 0 : i32
      scf.yield %scan3A_497 : i32
    }
    %scan3A_84 = arith.constant 8 : i32
    %dma_wait3A_85 = arith.constant 0 : i32
    %dma_wait3A_86 = arith.constant 0 : i32
    %dma_wait3A_87 = arith.constant 0 : i32
    %dma_wait3A_88 = arith.constant 0 : i32
    %dma_wait3A_89 = tpu.memref_slice %arg7[%dma_wait3A_85, %dma_wait3A_87, %dma_wait3A_88] : memref<2x128x64xf32, #tpu.memory_space<vmem>> -> memref<1x128x64xf32, #tpu.memory_space<vmem>>
    %dma_wait3A_90 = tpu.memref_squeeze %dma_wait3A_89 : memref<1x128x64xf32, #tpu.memory_space<vmem>> -> memref<128x64xf32, #tpu.memory_space<vmem>>
    %dma_wait3A_91 = arith.constant 0 : i32
    %dma_wait3A_92 = arith.constant 0 : i32
    %dma_wait3A_93 = tpu.memref_slice %arg4[%dma_wait3A_91, %dma_wait3A_92] : memref<1000000x64xf32, #tpu.memory_space<hbm>> -> memref<128x64xf32, #tpu.memory_space<hbm>>
    %dma_wait3A_94 = tpu.memref_slice %arg10[%dma_wait3A_86] : memref<2x!tpu.dma_semaphore, #tpu.memory_space<semaphore_mem>> -> memref<1x!tpu.dma_semaphore, #tpu.memory_space<semaphore_mem>>
    %dma_wait3A_95 = tpu.memref_squeeze %dma_wait3A_94 : memref<1x!tpu.dma_semaphore, #tpu.memory_space<semaphore_mem>> -> memref<!tpu.dma_semaphore, #tpu.memory_space<semaphore_mem>>
    %dma_wait3A_96 = arith.constant 0 : i32
    %dma_wait3A_97 = arith.constant 0 : i32
    %dma_wait3A_98 = tpu.memref_slice %arg7[%dma_wait3A_85, %dma_wait3A_96, %dma_wait3A_97] : memref<2x128x64xf32, #tpu.memory_space<vmem>> -> memref<1x128x64xf32, #tpu.memory_space<vmem>>
    %dma_wait3A_99 = tpu.memref_squeeze %dma_wait3A_98 : memref<1x128x64xf32, #tpu.memory_space<vmem>> -> memref<128x64xf32, #tpu.memory_space<vmem>>
    %dma_wait3A_100 = arith.constant 0 : i32
    %dma_wait3A_101 = arith.constant 0 : i32
    %dma_wait3A_102 = tpu.memref_slice %arg4[%dma_wait3A_100, %dma_wait3A_101] : memref<1000000x64xf32, #tpu.memory_space<hbm>> -> memref<128x64xf32, #tpu.memory_space<hbm>>
    tpu.wait_dma2 semaphore(%dma_wait3A_95 : memref<!tpu.dma_semaphore, #tpu.memory_space<semaphore_mem>>) src(%dma_wait3A_102 : memref<128x64xf32, #tpu.memory_space<hbm>>) dst(%dma_wait3A_99 : memref<128x64xf32, #tpu.memory_space<vmem>>)
    %scan3A_103 = arith.constant 0 : i32
    %scan3A_104 = arith.constant 128 : i32
    %scan3A_105 = arith.addi %scan3A_103, %scan3A_104 : i32
    %scan3A_106 = arith.constant 1 : i32
    %scan3A_107:4 = scf.for %scan3A_139 = %scan3A_103 to %scan3A_105 step %scan3A_106 iter_args(%scan3A_140 = %scan3A_76#0, %scan3A_141 = %scan3A_76#1, %scan3A_142 = %scan3A_76#2, %scan3A_143 = %scan3A_76#3) -> (vector<16xf32>, vector<16xf32>, vector<16xf32>, vector<16xf32>)  : i32 {
      %add3A_144 = arith.constant 256 : i32
      %add3A_145 = arith.addi %add3A_144, %scan3A_139 : i32
      %get3A = arith.index_cast %add3A_145 : i32 to index
      %get3A_146 = arith.constant 0 : index
      %get3A_147 = tpu.vector_load %arg8[%get3A, %get3A_146] {strides = array<i32>} : memref<512x64xf32, #tpu.memory_space<vmem>>, vector<1x16xf32>,
      %get3A_148 = vector.shape_cast %get3A_147 : vector<1x16xf32> to vector<16xf32>
      %get3A_149 = arith.constant 0 : i32
      %get3A_150 = arith.index_cast %get3A_149 : i32 to index
      %get3A_151 = arith.index_cast %scan3A_139 : i32 to index
      %get3A_152 = arith.constant 0 : index
      %get3A_153 = tpu.vector_load %arg7[%get3A_150, %get3A_151, %get3A_152] {strides = array<i32>} : memref<2x128x64xf32, #tpu.memory_space<vmem>>, vector<1x1x16xf32>,
      %get3A_154 = vector.shape_cast %get3A_153 : vector<1x1x16xf32> to vector<16xf32>
      %sub3A = arith.subf %get3A_148, %get3A_154 : vector<16xf32>
      %mul3A_155 = arith.mulf %sub3A, %sub3A : vector<16xf32>
      %add3A_156 = arith.addf %scan3A_140, %mul3A_155 : vector<16xf32>
      %get3A_157 = arith.index_cast %add3A_145 : i32 to index
      %get3A_158 = arith.constant 16 : index
      %get3A_159 = tpu.vector_load %arg8[%get3A_157, %get3A_158] {strides = array<i32>} : memref<512x64xf32, #tpu.memory_space<vmem>>, vector<1x16xf32>,
      %get3A_160 = vector.shape_cast %get3A_159 : vector<1x16xf32> to vector<16xf32>
      %get3A_161 = arith.constant 0 : i32
      %get3A_162 = arith.index_cast %get3A_161 : i32 to index
      %get3A_163 = arith.index_cast %scan3A_139 : i32 to index
      %get3A_164 = arith.constant 16 : index
      %get3A_165 = tpu.vector_load %arg7[%get3A_162, %get3A_163, %get3A_164] {strides = array<i32>} : memref<2x128x64xf32, #tpu.memory_space<vmem>>, vector<1x1x16xf32>,
      %get3A_166 = vector.shape_cast %get3A_165 : vector<1x1x16xf32> to vector<16xf32>
      %sub3A_167 = arith.subf %get3A_160, %get3A_166 : vector<16xf32>
      %mul3A_168 = arith.mulf %sub3A_167, %sub3A_167 : vector<16xf32>
      %add3A_169 = arith.addf %scan3A_141, %mul3A_168 : vector<16xf32>
      %get3A_170 = arith.index_cast %add3A_145 : i32 to index
      %get3A_171 = arith.constant 32 : index
      %get3A_172 = tpu.vector_load %arg8[%get3A_170, %get3A_171] {strides = array<i32>} : memref<512x64xf32, #tpu.memory_space<vmem>>, vector<1x16xf32>,
      %get3A_173 = vector.shape_cast %get3A_172 : vector<1x16xf32> to vector<16xf32>
      %get3A_174 = arith.constant 0 : i32
      %get3A_175 = arith.index_cast %get3A_174 : i32 to index
      %get3A_176 = arith.index_cast %scan3A_139 : i32 to index
      %get3A_177 = arith.constant 32 : index
      %get3A_178 = tpu.vector_load %arg7[%get3A_175, %get3A_176, %get3A_177] {strides = array<i32>} : memref<2x128x64xf32, #tpu.memory_space<vmem>>, vector<1x1x16xf32>,
      %get3A_179 = vector.shape_cast %get3A_178 : vector<1x1x16xf32> to vector<16xf32>
      %sub3A_180 = arith.subf %get3A_173, %get3A_179 : vector<16xf32>
      %mul3A_181 = arith.mulf %sub3A_180, %sub3A_180 : vector<16xf32>
      %add3A_182 = arith.addf %scan3A_142, %mul3A_181 : vector<16xf32>
      %get3A_183 = arith.index_cast %add3A_145 : i32 to index
      %get3A_184 = arith.constant 48 : index
      %get3A_185 = tpu.vector_load %arg8[%get3A_183, %get3A_184] {strides = array<i32>} : memref<512x64xf32, #tpu.memory_space<vmem>>, vector<1x16xf32>,
      %get3A_186 = vector.shape_cast %get3A_185 : vector<1x16xf32> to vector<16xf32>
      %get3A_187 = arith.constant 0 : i32
      %get3A_188 = arith.index_cast %get3A_187 : i32 to index
      %get3A_189 = arith.index_cast %scan3A_139 : i32 to index
      %get3A_190 = arith.constant 48 : index
      %get3A_191 = tpu.vector_load %arg7[%get3A_188, %get3A_189, %get3A_190] {strides = array<i32>} : memref<2x128x64xf32, #tpu.memory_space<vmem>>, vector<1x1x16xf32>,
      %get3A_192 = vector.shape_cast %get3A_191 : vector<1x1x16xf32> to vector<16xf32>
      %sub3A_193 = arith.subf %get3A_186, %get3A_192 : vector<16xf32>
      %mul3A_194 = arith.mulf %sub3A_193, %sub3A_193 : vector<16xf32>
      %add3A_195 = arith.addf %scan3A_143, %mul3A_194 : vector<16xf32>
      scf.yield %add3A_156, %add3A_169, %add3A_182, %add3A_195 : vector<16xf32>, vector<16xf32>, vector<16xf32>, vector<16xf32>
    }
    %scan3A_108 = arith.constant 128 : i32
    %dma_wait3A_109 = arith.constant 1 : i32
    %dma_wait3A_110 = arith.constant 1 : i32
    %dma_wait3A_111 = arith.constant 0 : i32
    %dma_wait3A_112 = arith.constant 0 : i32
    %dma_wait3A_113 = tpu.memref_slice %arg7[%dma_wait3A_109, %dma_wait3A_111, %dma_wait3A_112] : memref<2x128x64xf32, #tpu.memory_space<vmem>> -> memref<1x128x64xf32, #tpu.memory_space<vmem>>
    %dma_wait3A_114 = tpu.memref_squeeze %dma_wait3A_113 : memref<1x128x64xf32, #tpu.memory_space<vmem>> -> memref<128x64xf32, #tpu.memory_space<vmem>>
    %dma_wait3A_115 = arith.constant 0 : i32
    %dma_wait3A_116 = arith.constant 0 : i32
    %dma_wait3A_117 = tpu.memref_slice %arg4[%dma_wait3A_115, %dma_wait3A_116] : memref<1000000x64xf32, #tpu.memory_space<hbm>> -> memref<128x64xf32, #tpu.memory_space<hbm>>
    %dma_wait3A_118 = tpu.memref_slice %arg10[%dma_wait3A_110] : memref<2x!tpu.dma_semaphore, #tpu.memory_space<semaphore_mem>> -> memref<1x!tpu.dma_semaphore, #tpu.memory_space<semaphore_mem>>
    %dma_wait3A_119 = tpu.memref_squeeze %dma_wait3A_118 : memref<1x!tpu.dma_semaphore, #tpu.memory_space<semaphore_mem>> -> memref<!tpu.dma_semaphore, #tpu.memory_space<semaphore_mem>>
    %dma_wait3A_120 = arith.constant 0 : i32
    %dma_wait3A_121 = arith.constant 0 : i32
    %dma_wait3A_122 = tpu.memref_slice %arg7[%dma_wait3A_109, %dma_wait3A_120, %dma_wait3A_121] : memref<2x128x64xf32, #tpu.memory_space<vmem>> -> memref<1x128x64xf32, #tpu.memory_space<vmem>>
    %dma_wait3A_123 = tpu.memref_squeeze %dma_wait3A_122 : memref<1x128x64xf32, #tpu.memory_space<vmem>> -> memref<128x64xf32, #tpu.memory_space<vmem>>
    %dma_wait3A_124 = arith.constant 0 : i32
    %dma_wait3A_125 = arith.constant 0 : i32
    %dma_wait3A_126 = tpu.memref_slice %arg4[%dma_wait3A_124, %dma_wait3A_125] : memref<1000000x64xf32, #tpu.memory_space<hbm>> -> memref<128x64xf32, #tpu.memory_space<hbm>>
    tpu.wait_dma2 semaphore(%dma_wait3A_119 : memref<!tpu.dma_semaphore, #tpu.memory_space<semaphore_mem>>) src(%dma_wait3A_126 : memref<128x64xf32, #tpu.memory_space<hbm>>) dst(%dma_wait3A_123 : memref<128x64xf32, #tpu.memory_space<vmem>>)
    %scan3A_127 = arith.constant 0 : i32
    %scan3A_128 = arith.constant 128 : i32
    %scan3A_129 = arith.addi %scan3A_127, %scan3A_128 : i32
    %scan3A_130 = arith.constant 1 : i32
    %scan3A_131:4 = scf.for %scan3A_139 = %scan3A_127 to %scan3A_129 step %scan3A_130 iter_args(%scan3A_140 = %scan3A_107#0, %scan3A_141 = %scan3A_107#1, %scan3A_142 = %scan3A_107#2, %scan3A_143 = %scan3A_107#3) -> (vector<16xf32>, vector<16xf32>, vector<16xf32>, vector<16xf32>)  : i32 {
      %add3A_144 = arith.constant 384 : i32
      %add3A_145 = arith.addi %add3A_144, %scan3A_139 : i32
      %get3A = arith.index_cast %add3A_145 : i32 to index
      %get3A_146 = arith.constant 0 : index
      %get3A_147 = tpu.vector_load %arg8[%get3A, %get3A_146] {strides = array<i32>} : memref<512x64xf32, #tpu.memory_space<vmem>>, vector<1x16xf32>,
      %get3A_148 = vector.shape_cast %get3A_147 : vector<1x16xf32> to vector<16xf32>
      %get3A_149 = arith.constant 1 : i32
      %get3A_150 = arith.index_cast %get3A_149 : i32 to index
      %get3A_151 = arith.index_cast %scan3A_139 : i32 to index
      %get3A_152 = arith.constant 0 : index
      %get3A_153 = tpu.vector_load %arg7[%get3A_150, %get3A_151, %get3A_152] {strides = array<i32>} : memref<2x128x64xf32, #tpu.memory_space<vmem>>, vector<1x1x16xf32>,
      %get3A_154 = vector.shape_cast %get3A_153 : vector<1x1x16xf32> to vector<16xf32>
      %sub3A = arith.subf %get3A_148, %get3A_154 : vector<16xf32>
      %mul3A_155 = arith.mulf %sub3A, %sub3A : vector<16xf32>
      %add3A_156 = arith.addf %scan3A_140, %mul3A_155 : vector<16xf32>
      %get3A_157 = arith.index_cast %add3A_145 : i32 to index
      %get3A_158 = arith.constant 16 : index
      %get3A_159 = tpu.vector_load %arg8[%get3A_157, %get3A_158] {strides = array<i32>} : memref<512x64xf32, #tpu.memory_space<vmem>>, vector<1x16xf32>,
      %get3A_160 = vector.shape_cast %get3A_159 : vector<1x16xf32> to vector<16xf32>
      %get3A_161 = arith.constant 1 : i32
      %get3A_162 = arith.index_cast %get3A_161 : i32 to index
      %get3A_163 = arith.index_cast %scan3A_139 : i32 to index
      %get3A_164 = arith.constant 16 : index
      %get3A_165 = tpu.vector_load %arg7[%get3A_162, %get3A_163, %get3A_164] {strides = array<i32>} : memref<2x128x64xf32, #tpu.memory_space<vmem>>, vector<1x1x16xf32>,
      %get3A_166 = vector.shape_cast %get3A_165 : vector<1x1x16xf32> to vector<16xf32>
      %sub3A_167 = arith.subf %get3A_160, %get3A_166 : vector<16xf32>
      %mul3A_168 = arith.mulf %sub3A_167, %sub3A_167 : vector<16xf32>
      %add3A_169 = arith.addf %scan3A_141, %mul3A_168 : vector<16xf32>
      %get3A_170 = arith.index_cast %add3A_145 : i32 to index
      %get3A_171 = arith.constant 32 : index
      %get3A_172 = tpu.vector_load %arg8[%get3A_170, %get3A_171] {strides = array<i32>} : memref<512x64xf32, #tpu.memory_space<vmem>>, vector<1x16xf32>,
      %get3A_173 = vector.shape_cast %get3A_172 : vector<1x16xf32> to vector<16xf32>
      %get3A_174 = arith.constant 1 : i32
      %get3A_175 = arith.index_cast %get3A_174 : i32 to index
      %get3A_176 = arith.index_cast %scan3A_139 : i32 to index
      %get3A_177 = arith.constant 32 : index
      %get3A_178 = tpu.vector_load %arg7[%get3A_175, %get3A_176, %get3A_177] {strides = array<i32>} : memref<2x128x64xf32, #tpu.memory_space<vmem>>, vector<1x1x16xf32>,
      %get3A_179 = vector.shape_cast %get3A_178 : vector<1x1x16xf32> to vector<16xf32>
      %sub3A_180 = arith.subf %get3A_173, %get3A_179 : vector<16xf32>
      %mul3A_181 = arith.mulf %sub3A_180, %sub3A_180 : vector<16xf32>
      %add3A_182 = arith.addf %scan3A_142, %mul3A_181 : vector<16xf32>
      %get3A_183 = arith.index_cast %add3A_145 : i32 to index
      %get3A_184 = arith.constant 48 : index
      %get3A_185 = tpu.vector_load %arg8[%get3A_183, %get3A_184] {strides = array<i32>} : memref<512x64xf32, #tpu.memory_space<vmem>>, vector<1x16xf32>,
      %get3A_186 = vector.shape_cast %get3A_185 : vector<1x16xf32> to vector<16xf32>
      %get3A_187 = arith.constant 1 : i32
      %get3A_188 = arith.index_cast %get3A_187 : i32 to index
      %get3A_189 = arith.index_cast %scan3A_139 : i32 to index
      %get3A_190 = arith.constant 48 : index
      %get3A_191 = tpu.vector_load %arg7[%get3A_188, %get3A_189, %get3A_190] {strides = array<i32>} : memref<2x128x64xf32, #tpu.memory_space<vmem>>, vector<1x1x16xf32>,
      %get3A_192 = vector.shape_cast %get3A_191 : vector<1x1x16xf32> to vector<16xf32>
      %sub3A_193 = arith.subf %get3A_186, %get3A_192 : vector<16xf32>
      %mul3A_194 = arith.mulf %sub3A_193, %sub3A_193 : vector<16xf32>
      %add3A_195 = arith.addf %scan3A_143, %mul3A_194 : vector<16xf32>
      scf.yield %add3A_156, %add3A_169, %add3A_182, %add3A_195 : vector<16xf32>, vector<16xf32>, vector<16xf32>, vector<16xf32>
    }
    %scan3A_132 = arith.constant 128 : i32
    %add3A_133 = arith.addf %scan3A_131#0, %scan3A_131#1 : vector<16xf32>
    %add3A_134 = arith.addf %add3A_133, %scan3A_131#2 : vector<16xf32>
    %add3A_135 = arith.addf %add3A_134, %scan3A_131#3 : vector<16xf32>
    %swap3A = arith.constant 0 : index
    %swap3A_136 = tpu.vector_load %arg9[%swap3A] {strides = array<i32>} : memref<16xf32, #tpu.memory_space<vmem>>, vector<16xf32>,
    %swap3A_137 = vector.shape_cast %swap3A_136 : vector<16xf32> to vector<16xf32>
    %swap3A_138 = vector.shape_cast %add3A_135 : vector<16xf32> to vector<16xf32>
    tpu.vector_store %arg9[%swap3A], %swap3A_138 {strides = array<i32>} : memref<16xf32, #tpu.memory_space<vmem>>, vector<16xf32>,
    "tpu.region"() ({
      %run_scoped3A = tpu.sem_alloc : memref<!tpu.dma_semaphore, #tpu.memory_space<semaphore_mem>>
      %dma_start3A_139 = arith.constant 0 : i32
      %dma_start3A_140 = tpu.memref_slice %arg5[%add3A, %dma_start3A_139] : memref<32x16xf32, #tpu.memory_space<hbm>> -> memref<1x16xf32, #tpu.memory_space<hbm>>
      %dma_start3A_141 = tpu.memref_squeeze %dma_start3A_140 : memref<1x16xf32, #tpu.memory_space<hbm>> -> memref<16xf32, #tpu.memory_space<hbm>>
      %dma_start3A_142 = arith.constant 0 : i32
      %dma_start3A_143 = tpu.memref_slice %arg5[%add3A, %dma_start3A_142] : memref<32x16xf32, #tpu.memory_space<hbm>> -> memref<1x16xf32, #tpu.memory_space<hbm>>
      %dma_start3A_144 = tpu.memref_squeeze %dma_start3A_143 : memref<1x16xf32, #tpu.memory_space<hbm>> -> memref<16xf32, #tpu.memory_space<hbm>>
      tpu.enqueue_dma source(%arg9 : memref<16xf32, #tpu.memory_space<vmem>>) target(%dma_start3A_144 : memref<16xf32, #tpu.memory_space<hbm>>) target_semaphore(%run_scoped3A : memref<!tpu.dma_semaphore, #tpu.memory_space<semaphore_mem>>)
      %dma_wait3A_145 = arith.constant 0 : i32
      %dma_wait3A_146 = tpu.memref_slice %arg5[%add3A, %dma_wait3A_145] : memref<32x16xf32, #tpu.memory_space<hbm>> -> memref<1x16xf32, #tpu.memory_space<hbm>>
      %dma_wait3A_147 = tpu.memref_squeeze %dma_wait3A_146 : memref<1x16xf32, #tpu.memory_space<hbm>> -> memref<16xf32, #tpu.memory_space<hbm>>
      %dma_wait3A_148 = arith.constant 0 : i32
      %dma_wait3A_149 = tpu.memref_slice %arg5[%add3A, %dma_wait3A_148] : memref<32x16xf32, #tpu.memory_space<hbm>> -> memref<1x16xf32, #tpu.memory_space<hbm>>
      %dma_wait3A_150 = tpu.memref_squeeze %dma_wait3A_149 : memref<1x16xf32, #tpu.memory_space<hbm>> -> memref<16xf32, #tpu.memory_space<hbm>>
      tpu.wait_dma2 semaphore(%run_scoped3A : memref<!tpu.dma_semaphore, #tpu.memory_space<semaphore_mem>>) src(%arg9 : memref<16xf32, #tpu.memory_space<vmem>>) dst(%dma_wait3A_150 : memref<16xf32, #tpu.memory_space<hbm>>)
      tpu.yield
    }) : () -> ()
    return
  }
}

</mosaic_0001>

<sc_bundles>
// kernel: _center_loss.3.cloned.1.call-start
scs
__scs_entry_jumppad:
0x0: {  	(pc) =	sbr.rel $0x88, $3  }
0x1: {  	(tag) =	ssettag $0x0;
	lr =	simm.s32 $0x1  }
0x2: {  	[smem:$0x3F9E] =	sst lr;
	_ =	strace $0xD0000000  }
0x3: {  	_ = 	snop  }
0x4: {  	_ = 	snop  }
0x5: {  	_ = 	snop  }
0x6: {  	_ = 	snop  }
0x7: {  	_ = 	snop  }
__scs_overlays_trampoline_lowered:
0x8: {  	[smem:$0x3FAD] =	sst s0  }
0x9: {  	[smem:$0x3FAE] =	sst s1  }
0xa: {  	[smem:$0x3FAF] =	sst s2  }
0xb: {  	[smem:$0x3FB0] =	sst s3  }
0xc: {  	[smem:$0x3FB1] =	sst s4  }
0xd: {  	[smem:$0x3FB2] =	sst s5  }
0xe: {  	[smem:$0x3FB3] =	sst s6  }
0xf: {  	[smem:$0x3FB4] =	sst s7  }
0x10: {  	[smem:$0x3FB5] =	sst s8  }
0x11: {  	[smem:$0x3FB6] =	sst s9;
	s0 =	simm.s32 @!p0 $0x0  }
0x12: {  	s1 =	sld [smem:$0x3F9C];
	s0 =	simm.s32 @p0 $0x1  }
0x13: {  	[smem:$0x3FB7] =	sst s0;
	s0 =	simm.s32 @!p1 $0x0  }
0x14: {  	s2 =	sld [smem:$0x3F9B];
	s0 =	simm.s32 @p1 $0x1  }
0x15: {  	[smem:$0x3FB8] =	sst s0;
	s0 =	simm.s32 @!p2 $0x0  }
0x16: {  	s3 =	sld [smem:$0x3FDB];
	s0 =	simm.s32 @p2 $0x1  }
0x17: {  	s4 =	simm.s32 $0x1BF5;
	[smem:$0x3FBA] =	sst s0  }
0x18: {  	s0 =	sld [smem:$0x3F9D];
	_ =	swait.ge [sflag:s4], $0x0  }
0x19: {  	s7 =	sld [smem:$0x3F9E]  }
0x1a: {  	s8 =	sadd.s32 $0xFFFFE003, lr  }
0x1b: {  	s9 =	sadd.s32 $0xFFFFFEF7, lr;
	s5 =	simm.s32 $0xFFFFFFFF;
	p2 =	slt.u32 s8, $0xFFFFF086  }
0x1c: {  	p1 =	slt.u32 s9, $0xF7A;
	s5 =	simm.s32 @!p2 $0x0  }
0x1d: {  	s5 =	simm.s32 @p1 $0x1;
	p0 =	seq.s32 s7, s2  }
0x1e: {  	s7 =	smul.u32 @!p0 $0xF7A, s2;
	p2 =	seq.s32 @!p0 s5, $0x0  }
0x1f: {  	s9 =	smul.u32 $0xF7A, s1;
	s8 =	simm.s32 @!p0 $0x1BF5;
	p2 =	por !p2, p0  }
0x20: {  	[sflag:s8] =	ssyncset.s32 @!p0 $0xFFFFF086;
	s6 =	sadd.s32 @!p0 s3, s7;
	s7 =	simm.s32 @!p0 $0x108  }
0x21: {  	s3 =	sadd.s32 s3, s9;
	s6 =	sadd.s32 @!p0 $0x88, s6;
	s7 =	simm.s32 @p2 $0x1082  }
0x22: {  	[simem:s7], [sflag:s8] =	dma.local @!p0 [hbm:s6], $0xF7A  }
0x23: {  	s9 =	sor.u32 $0xD0000000, s2;
	s6 =	simm.s32 $0x108;
	_ =	swait.ge @!p0 [sflag:s8], $0x0  }
0x24: {  	s3 =	sadd.s32 $0x88, s3;
	s6 =	simm.s32 @!p1 $0x1082;
	[sflag:s4] =	ssyncset.s32 $0xFFFFF086  }
0x25: {  	[simem:s6], [sflag:s4] =	dma.local [hbm:s3], $0xF7A  }
0x26: {  	[smem:$0x3F9E] =	sst s1;
	(tag) =	ssettag s2;
	_ =	strace s9  }
0x27: {  	s1 =	sld [smem:$0x3FAE]  }
0x28: {  	s2 =	sld [smem:$0x3FAF]  }
0x29: {  	s4 =	sld [smem:$0x3FB1]  }
0x2a: {  	p0 =	seq.s32 s5, $0x0;
	s5 =	sld [smem:$0x3FB2]  }
0x2b: {  	s6 =	sld [smem:$0x3FB3]  }
0x2c: {  	s7 =	sld [smem:$0x3FB4]  }
0x2d: {  	s3 =	simm.s32 $0x108;
	s8 =	sld [smem:$0x3FB5]  }
0x2e: {  	s3 =	simm.s32 @!p0 $0x1082;
	s9 =	sld [smem:$0x3FB6]  }
0x2f: {  	lr =	sadd.s32 s0, s3;
	s0 =	sld [smem:$0x3FAD]  }
0x30: {  	s3 =	sld [smem:$0x3FB0]  }
0x31: {  	[smem:$0x3FB9] =	sst s10  }
0x32: {  	s10 =	sld [smem:$0x3FB7];
	_ =	sdelay $0x3  }
0x33: {  	p0 =	seq.s32 s10, $0x1;
	s10 =	sld [smem:$0x3FB9];
	_ =	sdelay $0x3  }
0x34: {  	[smem:$0x3FB9] =	sst s10  }
0x35: {  	s10 =	sld [smem:$0x3FB8];
	_ =	sdelay $0x3  }
0x36: {  	p1 =	seq.s32 s10, $0x1;
	s10 =	sld [smem:$0x3FB9];
	_ =	sdelay $0x3  }
0x37: {  	[smem:$0x3FB9] =	sst s10  }
0x38: {  	s10 =	sld [smem:$0x3FBA]  }
0x39: {  	_ = 	snop;
	(pc) =	sbr.ind lr, $3  }
0x3a: {  	_ = 	snop  }
0x3b: {  	_ = 	snop  }
0x3c: {  	p2 =	seq.s32 s10, $0x1;
	s10 =	sld [smem:$0x3FB9]  }
0x3d: {  	_ =	shalt  }
0x3e: {  	_ =	shalt  }
0x3f: {  	_ =	shalt  }
0x40: {  	_ =	shalt  }
0x41: {  	_ =	shalt  }
0x42: {  	_ =	shalt  }
0x43: {  	_ =	shalt  }
0x44: {  	_ =	shalt  }
0x45: {  	_ =	shalt  }
0x46: {  	_ =	shalt  }
0x47: {  	_ =	shalt  }
0x48: {  	_ =	shalt  }
0x49: {  	_ =	shalt  }
0x4a: {  	_ =	shalt  }
0x4b: {  	_ =	shalt  }
0x4c: {  	_ =	shalt  }
0x4d: {  	_ =	shalt  }
0x4e: {  	_ =	shalt  }
0x4f: {  	_ =	shalt  }
0x50: {  	_ =	shalt  }
0x51: {  	_ =	shalt  }
0x52: {  	_ =	shalt  }
0x53: {  	_ =	shalt  }
0x54: {  	_ =	shalt  }
0x55: {  	_ =	shalt  }
0x56: {  	_ =	shalt  }
0x57: {  	_ =	shalt  }
0x58: {  	_ =	shalt  }
0x59: {  	_ =	shalt  }
0x5a: {  	_ =	shalt  }
0x5b: {  	_ =	shalt  }
0x5c: {  	_ =	shalt  }
0x5d: {  	_ =	shalt  }
0x5e: {  	_ =	shalt  }
0x5f: {  	_ =	shalt  }
0x60: {  	_ =	shalt  }
0x61: {  	_ =	shalt  }
0x62: {  	_ =	shalt  }
0x63: {  	_ =	shalt  }
0x64: {  	_ =	shalt  }
0x65: {  	_ =	shalt  }
0x66: {  	_ =	shalt  }
0x67: {  	_ =	shalt  }
0x68: {  	_ =	shalt  }
0x69: {  	_ =	shalt  }
0x6a: {  	_ =	shalt  }
0x6b: {  	_ =	shalt  }
0x6c: {  	_ =	shalt  }
0x6d: {  	_ =	shalt  }
0x6e: {  	_ =	shalt  }
0x6f: {  	_ =	shalt  }
0x70: {  	_ =	shalt  }
0x71: {  	_ =	shalt  }
0x72: {  	_ =	shalt  }
0x73: {  	_ =	shalt  }
0x74: {  	_ =	shalt  }
0x75: {  	_ =	shalt  }
0x76: {  	_ =	shalt  }
0x77: {  	_ =	shalt  }
0x78: {  	_ =	shalt  }
0x79: {  	_ =	shalt  }
0x7a: {  	_ =	shalt  }
0x7b: {  	_ =	shalt  }
0x7c: {  	_ =	shalt  }
0x7d: {  	_ =	shalt  }
0x7e: {  	_ =	shalt  }
0x7f: {  	_ =	shalt  }
0x80: {  	_ =	shalt  }
0x81: {  	_ =	shalt  }
0x82: {  	_ =	shalt  }
0x83: {  	_ =	shalt  }
0x84: {  	_ =	shalt  }
0x85: {  	_ =	shalt  }
0x86: {  	_ =	shalt  }
0x87: {  	_ =	shalt  }
.Lfunc_end0:
.L_simem_size_0:
called_computation_lowered:
.L_overlay_start_0:
0x88: {  	s2 =	sld [smem:$0x3FD9]  }
0x89: {  	s3 =	sld [smem:$0x3FFE];
	_ =	sdelay $0x1  }
0x8a: {  	s1 =	srdreg.scid  }
0x8b: {  	s0 =	sand.u32 $0x1, s1  }
0x8c: {  	s17 =	sshll.u32 s0, $0xA;
	s2 =	sadd.s32 s3, s2  }
0x8d: {  	s2 =	sadd.s32 s2, s17  }
0x8e: {  	[smem:$0x3FC5] =	sst s2  }
0x8f: {  	_ = 	snop  }
0x90: {  	s2 =	sld [smem:$0x3FC8];
	(tm) =	ssettm $0x1  }
0x91: {  	s18 =	sld [smem:$0x3FFB];
	_ =	sdelay $0x3  }
0x92: {  	_ =	strace s18  }
0x93: {  	s3 =	sld [smem:$0x3FFC];
	_ =	sdelay $0x3  }
0x94: {  	_ =	strace s3  }
0x95: {  	s3 =	sld [smem:$0x3FFD];
	_ =	sdelay $0x3  }
0x96: {  	_ =	strace s3  }
0x97: {  	_ =	strace $0x8FFFFFFF  }
0x98: {  	s19 =	sld [smem:$0x3FDB];
	_ =	sdelay $0x1  }
0x99: {  	s4 =	simm.s32 $_scs_section_size  }
0x9a: {  	s5 =	simm.s32 $_size__tile_overlayer_lowered;
	s6 =	simm.s32 $_tile_overlayer_lowered  }
0x9b: {  	s22 =	simm.s32 $0x1BFF;
	s21 =	sshll.u32 s6, $0x1;
	s3 =	sadd.s32 s4, s19  }
0x9c: {  	s7 =	simm.s32 $0x0;
	s20 =	sshll.u32 s5, $0x1;
	s5 =	sadd.s32 s21, s3  }
0x9d: {  	[timem:s7], [sflag:s22] =	dma.local [hbm:s5], s20  }
0x9e: {  	_ =	swait.ge [sflag:s22], s20  }
0x9f: {  	s4 =	ssub.s32 $0x0, s20;
	[sflag:s22] =	ssyncset.done $0x0  }
0xa0: {  	[sflag:s22] =	ssyncadd.s32 s4;
	_ =	sdelay $0x1  }
0xa1: {  	s23 =	simm.s32 $0x1B8B  }
0xa2: {  	_ =	swait.ge [sflag:s23], $0x1  }
0xa3: {  	[sflag:s23] =	ssyncset.done $0x0  }
0xa4: {  	s25 =	simm.s32 $0x1B8E;
	s24 =	sld [smem:$0x3FFE];
	[sflag:s23] =	ssyncadd.s32 $0xFFFFFFFF  }
0xa5: {  	s26 =	simm.s32 $execute0_lowered;
	[smem:$0x3FD2] =	sst s25  }
0xa6: {  	s5 =	sshll.u32 s26, $0x1;
	_ =	strace $0x80000046;
	[dreg:$0x1] =	wrdreg $0xFFFFFFFF  }
0xa7: {  	s28 =	simm.s32 $_size_execute0_lowered;
	s3 =	sadd.s32 s3, s5;
	[dreg:$0x0] =	wrdreg $0x0  }
0xa8: {  	s5 =	sshll.u32 s28, $0x1;
	[dreg:$0x2] =	wrdreg s3  }
0xa9: {  	[dreg:$0x3] =	wrdreg s5  }
0xaa: {  	[dreg:$0x4] =	wrdreg $0xC0  }
0xab: {  	_ =	task [dreg:s7], $0x5FFFF  }
0xac: {  	[dreg:$0x1] =	wrdreg $0xFFFFFFFF  }
0xad: {  	[dreg:$0x0] =	wrdreg $0x60  }
0xae: {  	[dreg:$0x2] =	wrdreg s24  }
0xaf: {  	[dreg:$0x3] =	wrdreg s2  }
0xb0: {  	[dreg:$0x4] =	wrdreg $0x9  }
0xb1: {  	_ =	task.clear_ibuf [dreg:s7], $0x5FFFF;
	_ =	strace $0x90000046  }
0xb2: {  	s29 =	simm.s32 $0x9;
	_ =	strace $0x80000048  }
0xb3: {  	_ =	swait.ge [sflag:s29], $0x1  }
0xb4: {  	[sflag:s29] =	ssyncadd.s32 $0xFFFFFFFF  }
0xb5: {  	_ =	strace $0x90000048  }
0xb6: {  	_ =	sfence  }
0xb7: {  	s30 =	sld [smem:$0x0];
	_ =	sdelay $0x2  }
0xb8: {  	s31 =	sshll.u32 s1, $0xD;
	s1 =	sshrl.u32 s1, $0x2  }
0xb9: {  	s3 =	sand.u32 $0x4000, s31;
	s1 =	sadd.s32 s1, s30  }
0xba: {  	s0 =	sor.u32 s3, s0;
	s1 =	sshll.u32 s1, $0x11  }
0xbb: {  	s0 =	sor.u32 s1, s0  }
0xbc: {  	s0 =	sadd.s32 $0x8F2B, s0  }
0xbd: {  	[sflag:s0] =	ssyncadd.remote.s32 $0x1  }
0xbe: {  	_ =	sfence.sel $0xFFFF  }
0xbf: {  	[dreg:$0x0] =	wrdreg $0xFFFFFFFF;
	(pc) =	sbr.abs _section_cstart, $3  }
0xc0: {  	[dreg:$0x1] =	wrdreg $0xFFFFFFFF  }
0xc1: {  	_ =	task.clear_ibuf [dreg:s7], $0x2FFFF;
	_ =	strace $0x9FFFFFFF  }
0xc2: {  	(tm) =	ssettm $0x7FFFFFFF  }
0xc3: {  	_ =	shalt  }
tec
execute0_lowered:
.L_overlay_start_1:
0x0: {  	(tag) =	ssettag $0x1  }
0x1: {  	s5 =	rddreg [dreg:$0x0]  }
0x2: {  	s4 =	rddreg [dreg:$0x1]  }
0x3: {  	s3 =	srdreg.scid;
	s0 =	stileid.u32  }
0x4: {  	s2 =	simm.s32 $0x0;
	s11 =	simm.s32 $0x1;
	s12 =	simm.s32 $0x2  }
0x5: {  	s14 =	simm.s32 $0x0;
	s6 =	sand.u32 $0x1, s3;
	s30 =	sshll.u32 s0, $0x1  }
0x6: {  	[smem:$0x7FF] =	sst s2;
	s3 =	sadd.s32 $0x40000, s5;
	s7 =	sor.u32 s6, s30  }
0x7: {  	_ =	strace $0x80000047;
	s6 =	ssub.s32 $0x2, s6;
	s8 =	sshll.u32 s7, $0x4  }
0x8: {  	s9 =	sshrl.u32 s6, $0x1;
	s10 =	sshll.u32 s7, $0x6;
	s7 =	sshll.u32 s7, $0xD  }
0x9: {  	s8 =	sadd.s32 s8, s5;
	s9 =	ssub.s32 s6, s9;
	s31 =	sadd.s32 s4, s10  }
0xa: {  	s5 =	sadd.s32 s5, s7;
	s10 =	simm.s32 $0x3;
	[dreg:$0x3] =	wrdreg s31  }
0xb: {  	s6 =	sadd.s32 $0xF82400, s8;
	s7 =	smax.u32 s9, $0x1;
	s8 =	simm.s32 $0x4  }
.LBB2_1:
0xc: {  	s0 =	rddreg [dreg:$0x3]  }
0xd: {  	[tilespmem:s2], [sflag:$0x4] =	stream.linear.gather [hbm4b:s0+s2], $0x200, $0x38;
	[tilespmem:$0x18280] =	vst v63  }
0xe: {  	_ =	swait.ge [sflag:s8], $0x200  }
0xf: {  	[sflag:s8] =	ssyncset.done $0x0  }
0x10: {  	s31 =	simm.s32 $0x8200;
	[sflag:s8] =	ssyncadd.s32 $0xFFFFFE00  }
0x11: {  	[tilespmem:s31], [sflag:$0x3] =	stream.linear.gather [hbm4b:s5+s2], $0x10000, $0x38;
	[tilespmem:$0x18280] =	vst v63  }
0x12: {  	v0 =	vld [tilespmem:s2+$0x0];
	_ =	sdelay $0x4  }
0x13: {  	v0 =	vshll.u32 v0, $0x4  }
0x14: {  	(v2sf) =	vpush v0, $0x0  }
0x15: {  	(v2sf) =	vpush v0, $0x1  }
0x16: {  	(v2sf) =	vpush v0, $0x2;
	_ =	sdelay $0x1  }
0x17: {  	(v2sf) =	vpush v0, $0x4;
	_ =	sdelay $0x1  }
0x18: {  	(v2sf) =	vpush v0, $0x3  }
0x19: {  	(v2sf) =	vpush v0, $0x5  }
0x1a: {  	s17 =	simm.s32 $0x2000;
	s16 =	simm.s32 $0x0;
	s18 =	simm.s32 $0x0;
	(v2sf) =	vpush v0, $0x6  }
.LBB2_2:
0x1b: {  	p0 =	sne.s32 s17, $0xE000  }
0x1c: {  	s29 =	sadd.s32 $0x280, s16;
	s22 =	sadd.s32 $0x780, s16;
	s19 =	smov.u32 s17  }
0x1d: {  	s17 =	sadd.s32 $0x2000, s17;
	s25 =	sadd.s32 $0x580, s16;
	s20 =	sadd.s32 $0x800, s16;
	(v2sf) =	vpush v0, $0x7  }
0x1e: {  	s28 =	sadd.s32 $0x480, s16;
	s23 =	sadd.s32 $0x600, s16;
	s21 =	sadd.s32 $0x880, s16  }
0x1f: {  	s30 =	sadd.s32 $0x200, s16;
	s31 =	sadd.s32 $0x400, s16;
	(v2sf) =	vpush v0, $0x8  }
0x20: {  	s15 =	simm.s32 $0x0;
	s0 =	sadd.s32 $0x500, s16;
	s18 =	sadd.s32 $0x10, s18  }
0x21: {  	s1 =	sadd.s32 $0x300, s16;
	s24 =	sadd.s32 $0x700, s16;
	s26 =	spop (v2sf);
	(v2sf) =	vpush v0, $0x9  }
0x22: {  	s9 =	sand.u32 $0x1FFFFFF0, s26;
	s26 =	sadd.s32 $0x680, s16;
	s13 =	spop (v2sf)  }
0x23: {  	s9 =	sadd.s32 s3, s9;
	s13 =	sand.u32 $0x1FFFFFF0, s13;
	s4 =	spop (v2sf);
	(v2sf) =	vpush v0, $0xA  }
0x24: {  	[tilespmem:s30], [sflag:$0x1] =	stream.linear.gather [hbm4b:s9+s15], $0x80, $0x38;
	[tilespmem:$0x18280] =	vst v63  }
0x25: {  	s9 =	sadd.s32 s3, s13;
	s13 =	sadd.s32 $0x380, s16;
	s30 =	spop (v2sf);
	(v2sf) =	vpush v0, $0xB  }
0x26: {  	[tilespmem:s29], [sflag:$0x1] =	stream.linear.gather [hbm4b:s9+s15], $0x80, $0x38;
	[tilespmem:$0x18280] =	vst v63  }
0x27: {  	s4 =	sand.u32 $0x1FFFFFF0, s4;
	s9 =	sand.u32 $0x1FFFFFF0, s30;
	s29 =	spop (v2sf);
	(v2sf) =	vpush v0, $0xC  }
0x28: {  	s4 =	sadd.s32 s3, s4;
	s29 =	sand.u32 $0x1FFFFFF0, s29;
	s30 =	spop (v2sf)  }
0x29: {  	[tilespmem:s1], [sflag:$0x1] =	stream.linear.gather [hbm4b:s4+s15], $0x80, $0x38;
	(v2sf) =	vpush v0, $0xD;
	[tilespmem:$0x18280] =	vst v63  }
0x2a: {  	s1 =	sadd.s32 s3, s29;
	s4 =	sand.u32 $0x1FFFFFF0, s30;
	s29 =	spop (v2sf)  }
0x2b: {  	[tilespmem:s13], [sflag:$0x1] =	stream.linear.gather [hbm4b:s1+s15], $0x80, $0x38;
	(v2sf) =	vpush v0, $0xE;
	[tilespmem:$0x18280] =	vst v63  }
0x2c: {  	s1 =	sadd.s32 s3, s9;
	s9 =	sand.u32 $0x1FFFFFF0, s29;
	s13 =	spop (v2sf)  }
0x2d: {  	[tilespmem:s31], [sflag:$0x1] =	stream.linear.gather [hbm4b:s1+s15], $0x80, $0x38;
	(v2sf) =	vpush v0, $0xF;
	[tilespmem:$0x18280] =	vst v63  }
0x2e: {  	s1 =	sadd.s32 s3, s4;
	s4 =	sand.u32 $0x1FFFFFF0, s13;
	s13 =	spop (v2sf)  }
0x2f: {  	[tilespmem:s28], [sflag:$0x1] =	stream.linear.gather [hbm4b:s1+s15], $0x80, $0x38;
	[tilespmem:$0x18280] =	vst v63  }
0x30: {  	s1 =	sadd.s32 s3, s9;
	s9 =	sand.u32 $0x1FFFFFF0, s13;
	s13 =	spop (v2sf)  }
0x31: {  	[tilespmem:s0], [sflag:$0x1] =	stream.linear.gather [hbm4b:s1+s15], $0x80, $0x38;
	[tilespmem:$0x18280] =	vst v63  }
0x32: {  	s0 =	sadd.s32 s3, s4;
	s1 =	sand.u32 $0x1FFFFFF0, s13;
	s4 =	spop (v2sf)  }
0x33: {  	[tilespmem:s25], [sflag:$0x1] =	stream.linear.gather [hbm4b:s0+s15], $0x80, $0x38;
	[tilespmem:$0x18280] =	vst v63  }
0x34: {  	s0 =	sadd.s32 s3, s9;
	s4 =	sand.u32 $0x1FFFFFF0, s4;
	s9 =	spop (v2sf)  }
0x35: {  	[tilespmem:s23], [sflag:$0x1] =	stream.linear.gather [hbm4b:s0+s15], $0x80, $0x38;
	[tilespmem:$0x18280] =	vst v63  }
0x36: {  	s0 =	sadd.s32 s3, s1;
	s1 =	sand.u32 $0x1FFFFFF0, s9;
	s9 =	spop (v2sf)  }
0x37: {  	[tilespmem:s26], [sflag:$0x1] =	stream.linear.gather [hbm4b:s0+s15], $0x80, $0x38;
	[tilespmem:$0x18280] =	vst v63  }
0x38: {  	s0 =	sadd.s32 s3, s4;
	s4 =	sand.u32 $0x1FFFFFF0, s9;
	s9 =	spop (v2sf)  }
0x39: {  	[tilespmem:s24], [sflag:$0x1] =	stream.linear.gather [hbm4b:s0+s15], $0x80, $0x38;
	[tilespmem:$0x18280] =	vst v63  }
0x3a: {  	s0 =	sadd.s32 s3, s1;
	s1 =	sand.u32 $0x1FFFFFF0, s9;
	s9 =	spop (v2sf)  }
0x3b: {  	[tilespmem:s22], [sflag:$0x1] =	stream.linear.gather [hbm4b:s0+s15], $0x80, $0x38;
	[tilespmem:$0x18280] =	vst v63  }
0x3c: {  	s0 =	sadd.s32 s3, s4;
	s4 =	sand.u32 $0x1FFFFFF0, s9;
	s9 =	spop (v2sf)  }
0x3d: {  	[tilespmem:s20], [sflag:$0x1] =	stream.linear.gather [hbm4b:s0+s15], $0x80, $0x38;
	[tilespmem:$0x18280] =	vst v63  }
0x3e: {  	s0 =	sadd.s32 s3, s1;
	s1 =	sand.u32 $0x1FFFFFF0, s9  }
0x3f: {  	[tilespmem:s21], [sflag:$0x1] =	stream.linear.gather [hbm4b:s0+s15], $0x80, $0x38;
	[tilespmem:$0x18280] =	vst v63  }
0x40: {  	s4 =	sadd.s32 s3, s4;
	s0 =	sadd.s32 $0x900, s16  }
0x41: {  	[tilespmem:s0], [sflag:$0x1] =	stream.linear.gather [hbm4b:s4+s15], $0x80, $0x38;
	[tilespmem:$0x18280] =	vst v63  }
0x42: {  	s1 =	sadd.s32 s3, s1;
	s0 =	sadd.s32 $0x980, s16  }
0x43: {  	[tilespmem:s0], [sflag:$0x1] =	stream.linear.gather [hbm4b:s1+s15], $0x80, $0x38;
	[tilespmem:$0x18280] =	vst v63  }
0x44: {  	v0 =	vld [tilespmem:s18+$0x0];
	_ =	sdelay $0x4  }
0x45: {  	v0 =	vshll.u32 v0, $0x4  }
0x46: {  	(v2sf) =	vpush v0, $0x0  }
0x47: {  	(v2sf) =	vpush v0, $0x1  }
0x48: {  	(v2sf) =	vpush v0, $0x2;
	_ =	sdelay $0x1  }
0x49: {  	(v2sf) =	vpush v0, $0x4  }
.Ltmp0:
0x4a: {  	(pc) =	sbr.rel @p0 .LBB2_2-.Ltmp0, $3  }
0x4b: {  	(v2sf) =	vpush v0, $0x3  }
0x4c: {  	(v2sf) =	vpush v0, $0x5;
	_ =	sdelay $0x1  }
0x4d: {  	s16 =	sshra.s32 s19, $0x2;
	(v2sf) =	vpush v0, $0x6  }
0x4e: {  	_ =	sdelay $0x1  }
0x4f: {  	s0 =	sadd.s32 $0x280, s16;
	s19 =	sadd.s32 $0x780, s16  }
0x50: {  	s1 =	sadd.s32 $0x580, s16;
	s17 =	sadd.s32 $0x800, s16;
	(v2sf) =	vpush v0, $0x7;
	s4 =	sadd.s32 $0x480, s16  }
0x51: {  	s9 =	sadd.s32 $0x600, s16;
	s18 =	sadd.s32 $0x880, s16;
	s13 =	sadd.s32 $0x200, s16  }
0x52: {  	s20 =	sadd.s32 $0x400, s16;
	s21 =	sadd.s32 $0x500, s16;
	(v2sf) =	vpush v0, $0x8;
	s22 =	spop (v2sf)  }
0x53: {  	s23 =	sadd.s32 $0x300, s16;
	s22 =	sand.u32 $0x1FFFFFF0, s22;
	s24 =	spop (v2sf)  }
0x54: {  	(v2sf) =	vpush v0, $0x9;
	s22 =	sadd.s32 s3, s22;
	s24 =	sand.u32 $0x1FFFFFF0, s24;
	s25 =	spop (v2sf)  }
0x55: {  	[tilespmem:s13], [sflag:$0x1] =	stream.linear.gather [hbm4b:s22+s15], $0x80, $0x38;
	[tilespmem:$0x18280] =	vst v63  }
0x56: {  	(v2sf) =	vpush v0, $0xA;
	s26 =	sadd.s32 s3, s24;
	s29 =	sand.u32 $0x1FFFFFF0, s25;
	s28 =	spop (v2sf)  }
0x57: {  	[tilespmem:s0], [sflag:$0x1] =	stream.linear.gather [hbm4b:s26+s15], $0x80, $0x38;
	[tilespmem:$0x18280] =	vst v63  }
0x58: {  	s13 =	sadd.s32 $0x700, s16;
	(v2sf) =	vpush v0, $0xB;
	s22 =	sadd.s32 s3, s29;
	s30 =	spop (v2sf)  }
0x59: {  	s0 =	sadd.s32 $0x680, s16;
	s26 =	sadd.s32 $0x380, s16;
	s25 =	sand.u32 $0x1FFFFFF0, s30  }
0x5a: {  	(v2sf) =	vpush v0, $0xC;
	[tilespmem:s23], [sflag:$0x1] =	stream.linear.gather [hbm4b:s22+s15], $0x80, $0x38;
	[tilespmem:$0x18280] =	vst v63  }
0x5b: {  	s31 =	sand.u32 $0x1FFFFFF0, s28;
	s28 =	spop (v2sf);
	s29 =	sadd.s32 s3, s25  }
0x5c: {  	(v2sf) =	vpush v0, $0xD;
	[tilespmem:s26], [sflag:$0x1] =	stream.linear.gather [hbm4b:s29+s15], $0x80, $0x38;
	[tilespmem:$0x18280] =	vst v63  }
0x5d: {  	s22 =	sadd.s32 s3, s31;
	s23 =	sand.u32 $0x1FFFFFF0, s28;
	s30 =	spop (v2sf)  }
0x5e: {  	(v2sf) =	vpush v0, $0xE;
	[tilespmem:s20], [sflag:$0x1] =	stream.linear.gather [hbm4b:s22+s15], $0x80, $0x38;
	[tilespmem:$0x18280] =	vst v63  }
0x5f: {  	s23 =	sadd.s32 s3, s23;
	s31 =	sand.u32 $0x1FFFFFF0, s30;
	s24 =	spop (v2sf)  }
0x60: {  	(v2sf) =	vpush v0, $0xF;
	[tilespmem:s4], [sflag:$0x1] =	stream.linear.gather [hbm4b:s23+s15], $0x80, $0x38;
	[tilespmem:$0x18280] =	vst v63  }
0x61: {  	s25 =	sand.u32 $0x1FFFFFF0, s24;
	s26 =	spop (v2sf);
	s20 =	sadd.s32 s3, s31  }
0x62: {  	[tilespmem:s21], [sflag:$0x1] =	stream.linear.gather [hbm4b:s20+s15], $0x80, $0x38;
	[tilespmem:$0x18280] =	vst v63  }
0x63: {  	s28 =	sand.u32 $0x1FFFFFF0, s26;
	s4 =	sadd.s32 s3, s25;
	s29 =	spop (v2sf)  }
0x64: {  	[tilespmem:s1], [sflag:$0x1] =	stream.linear.gather [hbm4b:s4+s15], $0x80, $0x38;
	[tilespmem:$0x18280] =	vst v63  }
0x65: {  	s20 =	sadd.s32 s3, s28;
	s30 =	sand.u32 $0x1FFFFFF0, s29;
	s31 =	spop (v2sf)  }
0x66: {  	[tilespmem:s9], [sflag:$0x1] =	stream.linear.gather [hbm4b:s20+s15], $0x80, $0x38;
	[tilespmem:$0x18280] =	vst v63  }
0x67: {  	s4 =	sand.u32 $0x1FFFFFF0, s31;
	s1 =	sadd.s32 s3, s30;
	s20 =	spop (v2sf)  }
0x68: {  	[tilespmem:s0], [sflag:$0x1] =	stream.linear.gather [hbm4b:s1+s15], $0x80, $0x38;
	[tilespmem:$0x18280] =	vst v63  }
0x69: {  	s4 =	sadd.s32 s3, s4;
	s21 =	sand.u32 $0x1FFFFFF0, s20;
	s22 =	spop (v2sf)  }
0x6a: {  	[tilespmem:s13], [sflag:$0x1] =	stream.linear.gather [hbm4b:s4+s15], $0x80, $0x38;
	[tilespmem:$0x18280] =	vst v63  }
0x6b: {  	s0 =	sadd.s32 s3, s21;
	s1 =	sand.u32 $0x1FFFFFF0, s22;
	s23 =	spop (v2sf)  }
0x6c: {  	[tilespmem:s19], [sflag:$0x1] =	stream.linear.gather [hbm4b:s0+s15], $0x80, $0x38;
	[tilespmem:$0x18280] =	vst v63  }
0x6d: {  	s24 =	sand.u32 $0x1FFFFFF0, s23;
	s1 =	sadd.s32 s3, s1;
	s25 =	spop (v2sf)  }
0x6e: {  	[tilespmem:s17], [sflag:$0x1] =	stream.linear.gather [hbm4b:s1+s15], $0x80, $0x38;
	[tilespmem:$0x18280] =	vst v63  }
0x6f: {  	s26 =	sand.u32 $0x1FFFFFF0, s25;
	s28 =	spop (v2sf);
	s0 =	sadd.s32 s3, s24  }
0x70: {  	[tilespmem:s18], [sflag:$0x1] =	stream.linear.gather [hbm4b:s0+s15], $0x80, $0x38;
	[tilespmem:$0x18280] =	vst v63  }
0x71: {  	s30 =	sadd.s32 $0x900, s16;
	s29 =	sand.u32 $0x1FFFFFF0, s28;
	s1 =	sadd.s32 s3, s26  }
0x72: {  	[tilespmem:s30], [sflag:$0x1] =	stream.linear.gather [hbm4b:s1+s15], $0x80, $0x38;
	[tilespmem:$0x18280] =	vst v63  }
0x73: {  	s31 =	sadd.s32 $0x980, s16;
	s16 =	simm.s32 $0x80;
	s0 =	sadd.s32 s3, s29  }
0x74: {  	[tilespmem:s31], [sflag:$0x1] =	stream.linear.gather [hbm4b:s0+s15], $0x80, $0x38;
	[tilespmem:$0x18280] =	vst v63  }
0x75: {  	v0 =	vld [tilespmem:s16+$0x0];
	_ =	sdelay $0x4  }
0x76: {  	v0 =	vshll.u32 v0, $0x4  }
0x77: {  	(v2sf) =	vpush v0, $0x0  }
0x78: {  	(v2sf) =	vpush v0, $0x1  }
0x79: {  	(v2sf) =	vpush v0, $0x2;
	_ =	sdelay $0x1  }
0x7a: {  	(v2sf) =	vpush v0, $0x4;
	_ =	sdelay $0x1  }
0x7b: {  	(v2sf) =	vpush v0, $0x3  }
0x7c: {  	(v2sf) =	vpush v0, $0x5  }
0x7d: {  	s17 =	simm.s32 $0x2000;
	s15 =	simm.s32 $0x0;
	(v2sf) =	vpush v0, $0x6  }
.LBB2_4:
0x7e: {  	p0 =	sne.s32 s17, $0xE000  }
0x7f: {  	s0 =	sadd.s32 $0x4280, s15;
	s21 =	sadd.s32 $0x4780, s15;
	s18 =	smov.u32 s17  }
0x80: {  	s17 =	sadd.s32 $0x2000, s17;
	s24 =	sadd.s32 $0x4580, s15;
	s19 =	sadd.s32 $0x4800, s15;
	(v2sf) =	vpush v0, $0x7  }
0x81: {  	s26 =	sadd.s32 $0x4480, s15;
	s23 =	sadd.s32 $0x4600, s15;
	s20 =	sadd.s32 $0x4880, s15  }
0x82: {  	s1 =	sadd.s32 $0x4200, s15;
	s4 =	sadd.s32 $0x4400, s15;
	(v2sf) =	vpush v0, $0x8  }
0x83: {  	s9 =	sadd.s32 $0x4500, s15;
	s16 =	sadd.s32 $0x10, s16  }
0x84: {  	s13 =	sadd.s32 $0x4300, s15;
	s22 =	sadd.s32 $0x4700, s15;
	s25 =	spop (v2sf);
	(v2sf) =	vpush v0, $0x9  }
0x85: {  	s28 =	sand.u32 $0x1FFFFFF0, s25;
	s25 =	sadd.s32 $0x4680, s15;
	s29 =	spop (v2sf)  }
0x86: {  	s28 =	sadd.s32 s3, s28;
	s29 =	sand.u32 $0x1FFFFFF0, s29;
	s30 =	spop (v2sf);
	(v2sf) =	vpush v0, $0xA  }
0x87: {  	[tilespmem:s1], [sflag:$0x2] =	stream.linear.gather [hbm4b:s28+s2], $0x80, $0x38;
	[tilespmem:$0x18280] =	vst v63  }
0x88: {  	s1 =	sadd.s32 s3, s29;
	s28 =	sadd.s32 $0x4380, s15;
	s29 =	spop (v2sf);
	(v2sf) =	vpush v0, $0xB  }
0x89: {  	[tilespmem:s0], [sflag:$0x2] =	stream.linear.gather [hbm4b:s1+s2], $0x80, $0x38;
	[tilespmem:$0x18280] =	vst v63  }
0x8a: {  	s0 =	sand.u32 $0x1FFFFFF0, s30;
	s1 =	sand.u32 $0x1FFFFFF0, s29;
	s29 =	spop (v2sf);
	(v2sf) =	vpush v0, $0xC  }
0x8b: {  	s0 =	sadd.s32 s3, s0;
	s29 =	sand.u32 $0x1FFFFFF0, s29;
	s30 =	spop (v2sf)  }
0x8c: {  	[tilespmem:s13], [sflag:$0x2] =	stream.linear.gather [hbm4b:s0+s2], $0x80, $0x38;
	(v2sf) =	vpush v0, $0xD;
	[tilespmem:$0x18280] =	vst v63  }
0x8d: {  	s0 =	sadd.s32 s3, s29;
	s13 =	sand.u32 $0x1FFFFFF0, s30;
	s29 =	spop (v2sf)  }
0x8e: {  	[tilespmem:s28], [sflag:$0x2] =	stream.linear.gather [hbm4b:s0+s2], $0x80, $0x38;
	(v2sf) =	vpush v0, $0xE;
	[tilespmem:$0x18280] =	vst v63  }
0x8f: {  	s0 =	sadd.s32 s3, s1;
	s1 =	sand.u32 $0x1FFFFFF0, s29;
	s28 =	spop (v2sf)  }
0x90: {  	[tilespmem:s4], [sflag:$0x2] =	stream.linear.gather [hbm4b:s0+s2], $0x80, $0x38;
	(v2sf) =	vpush v0, $0xF;
	[tilespmem:$0x18280] =	vst v63  }
0x91: {  	s0 =	sadd.s32 s3, s13;
	s4 =	sand.u32 $0x1FFFFFF0, s28;
	s13 =	spop (v2sf)  }
0x92: {  	[tilespmem:s26], [sflag:$0x2] =	stream.linear.gather [hbm4b:s0+s2], $0x80, $0x38;
	[tilespmem:$0x18280] =	vst v63  }
0x93: {  	s0 =	sadd.s32 s3, s1;
	s1 =	sand.u32 $0x1FFFFFF0, s13;
	s13 =	spop (v2sf)  }
0x94: {  	[tilespmem:s9], [sflag:$0x2] =	stream.linear.gather [hbm4b:s0+s2], $0x80, $0x38;
	[tilespmem:$0x18280] =	vst v63  }
0x95: {  	s0 =	sadd.s32 s3, s4;
	s4 =	sand.u32 $0x1FFFFFF0, s13;
	s9 =	spop (v2sf)  }
0x96: {  	[tilespmem:s24], [sflag:$0x2] =	stream.linear.gather [hbm4b:s0+s2], $0x80, $0x38;
	[tilespmem:$0x18280] =	vst v63  }
0x97: {  	s0 =	sadd.s32 s3, s1;
	s1 =	sand.u32 $0x1FFFFFF0, s9;
	s9 =	spop (v2sf)  }
0x98: {  	[tilespmem:s23], [sflag:$0x2] =	stream.linear.gather [hbm4b:s0+s2], $0x80, $0x38;
	[tilespmem:$0x18280] =	vst v63  }
0x99: {  	s0 =	sadd.s32 s3, s4;
	s4 =	sand.u32 $0x1FFFFFF0, s9;
	s9 =	spop (v2sf)  }
0x9a: {  	[tilespmem:s25], [sflag:$0x2] =	stream.linear.gather [hbm4b:s0+s2], $0x80, $0x38;
	[tilespmem:$0x18280] =	vst v63  }
0x9b: {  	s0 =	sadd.s32 s3, s1;
	s1 =	sand.u32 $0x1FFFFFF0, s9;
	s9 =	spop (v2sf)  }
0x9c: {  	[tilespmem:s22], [sflag:$0x2] =	stream.linear.gather [hbm4b:s0+s2], $0x80, $0x38;
	[tilespmem:$0x18280] =	vst v63  }
0x9d: {  	s0 =	sadd.s32 s3, s4;
	s4 =	sand.u32 $0x1FFFFFF0, s9;
	s9 =	spop (v2sf)  }
0x9e: {  	[tilespmem:s21], [sflag:$0x2] =	stream.linear.gather [hbm4b:s0+s2], $0x80, $0x38;
	[tilespmem:$0x18280] =	vst v63  }
0x9f: {  	s0 =	sadd.s32 s3, s1;
	s1 =	sand.u32 $0x1FFFFFF0, s9;
	s9 =	spop (v2sf)  }
0xa0: {  	[tilespmem:s19], [sflag:$0x2] =	stream.linear.gather [hbm4b:s0+s2], $0x80, $0x38;
	[tilespmem:$0x18280] =	vst v63  }
0xa1: {  	s0 =	sadd.s32 s3, s4;
	s4 =	sand.u32 $0x1FFFFFF0, s9  }
0xa2: {  	[tilespmem:s20], [sflag:$0x2] =	stream.linear.gather [hbm4b:s0+s2], $0x80, $0x38;
	[tilespmem:$0x18280] =	vst v63  }
0xa3: {  	s1 =	sadd.s32 s3, s1;
	s0 =	sadd.s32 $0x4900, s15  }
0xa4: {  	[tilespmem:s0], [sflag:$0x2] =	stream.linear.gather [hbm4b:s1+s2], $0x80, $0x38;
	[tilespmem:$0x18280] =	vst v63  }
0xa5: {  	s0 =	sadd.s32 $0x4980, s15;
	s1 =	sadd.s32 s3, s4  }
0xa6: {  	[tilespmem:s0], [sflag:$0x2] =	stream.linear.gather [hbm4b:s1+s2], $0x80, $0x38;
	[tilespmem:$0x18280] =	vst v63  }
0xa7: {  	v0 =	vld [tilespmem:s16+$0x0];
	_ =	sdelay $0x4  }
0xa8: {  	v0 =	vshll.u32 v0, $0x4  }
0xa9: {  	(v2sf) =	vpush v0, $0x0  }
0xaa: {  	(v2sf) =	vpush v0, $0x1  }
0xab: {  	(v2sf) =	vpush v0, $0x2;
	_ =	sdelay $0x1  }
0xac: {  	(v2sf) =	vpush v0, $0x4  }
.Ltmp1:
0xad: {  	(pc) =	sbr.rel @p0 .LBB2_4-.Ltmp1, $3  }
0xae: {  	(v2sf) =	vpush v0, $0x3  }
0xaf: {  	(v2sf) =	vpush v0, $0x5;
	_ =	sdelay $0x1  }
0xb0: {  	s15 =	sshra.s32 s18, $0x2;
	(v2sf) =	vpush v0, $0x6  }
0xb1: {  	_ =	sdelay $0x1  }
0xb2: {  	s0 =	sadd.s32 $0x4280, s15;
	s18 =	sadd.s32 $0x4780, s15  }
0xb3: {  	s1 =	sadd.s32 $0x4580, s15;
	s16 =	sadd.s32 $0x4800, s15;
	(v2sf) =	vpush v0, $0x7;
	s4 =	sadd.s32 $0x4480, s15  }
0xb4: {  	s9 =	sadd.s32 $0x4600, s15;
	s17 =	sadd.s32 $0x4880, s15;
	s13 =	sadd.s32 $0x4200, s15  }
0xb5: {  	s19 =	sadd.s32 $0x4400, s15;
	s20 =	sadd.s32 $0x4500, s15;
	(v2sf) =	vpush v0, $0x8;
	s21 =	spop (v2sf)  }
0xb6: {  	s22 =	sadd.s32 $0x4300, s15;
	s21 =	sand.u32 $0x1FFFFFF0, s21;
	s23 =	spop (v2sf)  }
0xb7: {  	(v2sf) =	vpush v0, $0x9;
	s21 =	sadd.s32 s3, s21;
	s23 =	sand.u32 $0x1FFFFFF0, s23;
	s24 =	spop (v2sf)  }
0xb8: {  	[tilespmem:s13], [sflag:$0x2] =	stream.linear.gather [hbm4b:s21+s2], $0x80, $0x38;
	[tilespmem:$0x18280] =	vst v63  }
0xb9: {  	s25 =	sadd.s32 $0x4380, s15;
	(v2sf) =	vpush v0, $0xA;
	s30 =	sadd.s32 s3, s23;
	s31 =	spop (v2sf)  }
0xba: {  	[tilespmem:s0], [sflag:$0x2] =	stream.linear.gather [hbm4b:s30+s2], $0x80, $0x38;
	[tilespmem:$0x18280] =	vst v63  }
0xbb: {  	s13 =	sadd.s32 $0x4700, s15;
	s24 =	sand.u32 $0x1FFFFFF0, s24;
	(v2sf) =	vpush v0, $0xB;
	s26 =	spop (v2sf)  }
0xbc: {  	s21 =	sadd.s32 s3, s24;
	s0 =	sadd.s32 $0x4680, s15;
	s24 =	sand.u32 $0x1FFFFFF0, s26  }
0xbd: {  	(v2sf) =	vpush v0, $0xC;
	[tilespmem:s22], [sflag:$0x2] =	stream.linear.gather [hbm4b:s21+s2], $0x80, $0x38;
	[tilespmem:$0x18280] =	vst v63  }
0xbe: {  	s28 =	sand.u32 $0x1FFFFFF0, s31;
	s29 =	spop (v2sf);
	s30 =	sadd.s32 s3, s24  }
0xbf: {  	(v2sf) =	vpush v0, $0xD;
	[tilespmem:s25], [sflag:$0x2] =	stream.linear.gather [hbm4b:s30+s2], $0x80, $0x38;
	[tilespmem:$0x18280] =	vst v63  }
0xc0: {  	s21 =	sadd.s32 s3, s28;
	s22 =	sand.u32 $0x1FFFFFF0, s29;
	s31 =	spop (v2sf)  }
0xc1: {  	(v2sf) =	vpush v0, $0xE;
	[tilespmem:s19], [sflag:$0x2] =	stream.linear.gather [hbm4b:s21+s2], $0x80, $0x38;
	[tilespmem:$0x18280] =	vst v63  }
0xc2: {  	s22 =	sadd.s32 s3, s22;
	s23 =	sand.u32 $0x1FFFFFF0, s31;
	s24 =	spop (v2sf)  }
0xc3: {  	(v2sf) =	vpush v0, $0xF;
	[tilespmem:s4], [sflag:$0x2] =	stream.linear.gather [hbm4b:s22+s2], $0x80, $0x38;
	[tilespmem:$0x18280] =	vst v63  }
0xc4: {  	s25 =	sand.u32 $0x1FFFFFF0, s24;
	s26 =	spop (v2sf);
	s19 =	sadd.s32 s3, s23  }
0xc5: {  	[tilespmem:s20], [sflag:$0x2] =	stream.linear.gather [hbm4b:s19+s2], $0x80, $0x38;
	[tilespmem:$0x18280] =	vst v63  }
0xc6: {  	s28 =	sand.u32 $0x1FFFFFF0, s26;
	s4 =	sadd.s32 s3, s25;
	s29 =	spop (v2sf)  }
0xc7: {  	[tilespmem:s1], [sflag:$0x2] =	stream.linear.gather [hbm4b:s4+s2], $0x80, $0x38;
	[tilespmem:$0x18280] =	vst v63  }
0xc8: {  	s19 =	sadd.s32 s3, s28;
	s30 =	sand.u32 $0x1FFFFFF0, s29;
	s31 =	spop (v2sf)  }
0xc9: {  	[tilespmem:s9], [sflag:$0x2] =	stream.linear.gather [hbm4b:s19+s2], $0x80, $0x38;
	[tilespmem:$0x18280] =	vst v63  }
0xca: {  	s4 =	sand.u32 $0x1FFFFFF0, s31;
	s1 =	sadd.s32 s3, s30;
	s19 =	spop (v2sf)  }
0xcb: {  	[tilespmem:s0], [sflag:$0x2] =	stream.linear.gather [hbm4b:s1+s2], $0x80, $0x38;
	[tilespmem:$0x18280] =	vst v63  }
0xcc: {  	s4 =	sadd.s32 s3, s4;
	s20 =	sand.u32 $0x1FFFFFF0, s19;
	s21 =	spop (v2sf)  }
0xcd: {  	[tilespmem:s13], [sflag:$0x2] =	stream.linear.gather [hbm4b:s4+s2], $0x80, $0x38;
	[tilespmem:$0x18280] =	vst v63  }
0xce: {  	s0 =	sadd.s32 s3, s20;
	s1 =	sand.u32 $0x1FFFFFF0, s21;
	s22 =	spop (v2sf)  }
0xcf: {  	[tilespmem:s18], [sflag:$0x2] =	stream.linear.gather [hbm4b:s0+s2], $0x80, $0x38;
	[tilespmem:$0x18280] =	vst v63  }
0xd0: {  	s23 =	sand.u32 $0x1FFFFFF0, s22;
	s1 =	sadd.s32 s3, s1;
	s24 =	spop (v2sf)  }
0xd1: {  	[tilespmem:s16], [sflag:$0x2] =	stream.linear.gather [hbm4b:s1+s2], $0x80, $0x38;
	[tilespmem:$0x18280] =	vst v63  }
0xd2: {  	s25 =	sand.u32 $0x1FFFFFF0, s24;
	s26 =	spop (v2sf);
	s0 =	sadd.s32 s3, s23  }
0xd3: {  	[tilespmem:s17], [sflag:$0x2] =	stream.linear.gather [hbm4b:s0+s2], $0x80, $0x38;
	[tilespmem:$0x18280] =	vst v63  }
0xd4: {  	s29 =	sadd.s32 $0x4900, s15;
	s28 =	sand.u32 $0x1FFFFFF0, s26;
	s1 =	sadd.s32 s3, s25  }
0xd5: {  	[tilespmem:s29], [sflag:$0x2] =	stream.linear.gather [hbm4b:s1+s2], $0x80, $0x38;
	[tilespmem:$0x18280] =	vst v63  }
0xd6: {  	s30 =	sadd.s32 $0x4980, s15;
	s0 =	sadd.s32 s3, s28  }
0xd7: {  	[tilespmem:s30], [sflag:$0x2] =	stream.linear.gather [hbm4b:s0+s2], $0x80, $0x38;
	[tilespmem:$0x18280] =	vst v63  }
0xd8: {  	_ =	swait.ge [sflag:s10], $0x10000  }
0xd9: {  	[sflag:s10] =	ssyncset.done $0x0  }
0xda: {  	[sflag:s10] =	ssyncadd.s32 $0xFFFF0000  }
0xdb: {  	_ =	swait.ge [sflag:s11], $0x4000  }
0xdc: {  	[sflag:s11] =	ssyncset.done $0x0  }
0xdd: {  	s31 =	simm.s32 $0x0;
	[sflag:s11] =	ssyncadd.s32 $0xFFFFC000  }
0xde: {  	v0 =	vld [tilespmem:s31+$0x8230]  }
0xdf: {  	v1 =	vld [tilespmem:s31+$0x230]  }
0xe0: {  	v2 =	vld [tilespmem:s31+$0x8200]  }
0xe1: {  	v3 =	vld [tilespmem:s31+$0x200];
	_ =	sdelay $0x1  }
0xe2: {  	v5 =	vld [tilespmem:s31+$0x8210]  }
0xe3: {  	v7 =	vld [tilespmem:s31+$0x210]  }
0xe4: {  	v4 =	vld [tilespmem:s31+$0x8220];
	v1 =	vsub.f32 v0, v1  }
0xe5: {  	s15 =	simm.s32 $0x80;
	v8 =	vld [tilespmem:s31+$0x220];
	v0 =	vimm.f32 $0.0e+00;
	v10 =	vsub.f32 v2, v3;
	v3 =	vimm.f32 $0.0e+00  }
0xe6: {  	s16 =	simm.s32 $0x400;
	v6 =	vld [tilespmem:s15+$0x8230];
	v2 =	vimm.f32 $0.0e+00;
	v9 =	vmul.f32 v1, v1;
	v1 =	vimm.f32 $0.0e+00  }
.LBB2_6:
0xe7: {  	p0 =	sne.s32 s16, $0xFE00;
	v11 =	vld [tilespmem:s15+$0x230]  }
0xe8: {  	v12 =	vld [tilespmem:s15+$0x8200];
	v10 =	vmul.f32 v10, v10;
	v7 =	vsub.f32 v5, v7;
	v0 =	vadd.f32 v9, v0  }
0xe9: {  	v9 =	vld [tilespmem:s15+$0x200]  }
.Ltmp2:
0xea: {  	v5 =	vld [tilespmem:s15+$0x8210];
	v3 =	vadd.f32 v10, v3;
	v10 =	vmul.f32 v7, v7;
	v8 =	vsub.f32 v4, v8;
	(pc) =	sbr.rel @p0 .LBB2_6-.Ltmp2, $4  }
0xeb: {  	v7 =	vld [tilespmem:s15+$0x210]  }
0xec: {  	v4 =	vld [tilespmem:s15+$0x8220];
	v11 =	vsub.f32 v6, v11;
	v2 =	vadd.f32 v10, v2;
	v13 =	vmul.f32 v8, v8  }
0xed: {  	v8 =	vld [tilespmem:s15+$0x220];
	s15 =	sshra.s32 s16, $0x2  }
0xee: {  	s16 =	sadd.s32 $0x200, s16;
	v6 =	vld [tilespmem:s15+$0x8230];
	v10 =	vsub.f32 v12, v9;
	v9 =	vmul.f32 v11, v11;
	v1 =	vadd.f32 v13, v1  }
0xef: {  	v11 =	vld [tilespmem:s15+$0x230]  }
0xf0: {  	v12 =	vld [tilespmem:s15+$0x8200];
	s16 =	simm.s32 $0x100  }
0xf1: {  	v15 =	vld [tilespmem:s16+$0x0]  }
0xf2: {  	v13 =	vld [tilespmem:s15+$0x200]  }
0xf3: {  	v14 =	vld [tilespmem:s15+$0x8210];
	v5 =	vsub.f32 v5, v7  }
0xf4: {  	v61 =	vld [tilespmem:s15+$0x8220];
	v10 =	vmul.f32 v10, v10;
	v4 =	vsub.f32 v4, v8  }
0xf5: {  	v7 =	vld [tilespmem:s15+$0x210];
	v0 =	vadd.f32 v9, v0;
	v5 =	vmul.f32 v5, v5  }
0xf6: {  	v62 =	vld [tilespmem:s15+$0x220];
	v3 =	vadd.f32 v10, v3;
	v63 =	vmul.f32 v4, v4;
	v4 =	vshll.u32 v15, $0x4  }
0xf7: {  	v6 =	vsub.f32 v6, v11;
	(v2sf) =	vpush v4, $0x0  }
0xf8: {  	v5 =	vadd.f32 v5, v2;
	(v2sf) =	vpush v4, $0x1  }
0xf9: {  	v2 =	vsub.f32 v12, v13;
	(v2sf) =	vpush v4, $0x2  }
0xfa: {  	v10 =	vadd.f32 v63, v1;
	v1 =	vmul.f32 v6, v6;
	v6 =	vsub.f32 v14, v7  }
0xfb: {  	v2 =	vmul.f32 v2, v2;
	v7 =	vsub.f32 v61, v62;
	(v2sf) =	vpush v4, $0x4  }
0xfc: {  	v1 =	vadd.f32 v1, v0;
	v0 =	vmul.f32 v6, v6  }
0xfd: {  	v2 =	vadd.f32 v2, v3;
	v6 =	vmul.f32 v7, v7;
	(v2sf) =	vpush v4, $0x3  }
0xfe: {  	v3 =	vadd.f32 v0, v5;
	(v2sf) =	vpush v4, $0x5  }
0xff: {  	s17 =	simm.s32 $0x2000;
	s15 =	simm.s32 $0x0;
	v0 =	vadd.f32 v6, v10;
	(v2sf) =	vpush v4, $0x6  }
.LBB2_8:
0x100: {  	p0 =	sne.s32 s17, $0xE000  }
0x101: {  	s0 =	sadd.s32 $0x280, s15;
	s21 =	sadd.s32 $0x780, s15;
	s18 =	smov.u32 s17  }
0x102: {  	s17 =	sadd.s32 $0x2000, s17;
	s24 =	sadd.s32 $0x580, s15;
	s19 =	sadd.s32 $0x800, s15;
	(v2sf) =	vpush v4, $0x7  }
0x103: {  	s26 =	sadd.s32 $0x480, s15;
	s23 =	sadd.s32 $0x600, s15;
	s20 =	sadd.s32 $0x880, s15  }
0x104: {  	s1 =	sadd.s32 $0x200, s15;
	s4 =	sadd.s32 $0x400, s15;
	(v2sf) =	vpush v4, $0x8  }
0x105: {  	s9 =	sadd.s32 $0x500, s15;
	s16 =	sadd.s32 $0x10, s16  }
0x106: {  	s13 =	sadd.s32 $0x300, s15;
	s22 =	sadd.s32 $0x700, s15;
	s25 =	spop (v2sf);
	(v2sf) =	vpush v4, $0x9  }
0x107: {  	s28 =	sand.u32 $0x1FFFFFF0, s25;
	s25 =	sadd.s32 $0x680, s15;
	s29 =	spop (v2sf)  }
0x108: {  	s28 =	sadd.s32 s3, s28;
	s29 =	sand.u32 $0x1FFFFFF0, s29;
	s30 =	spop (v2sf);
	(v2sf) =	vpush v4, $0xA  }
0x109: {  	[tilespmem:s1], [sflag:$0x1] =	stream.linear.gather [hbm4b:s28+s2], $0x80, $0x38;
	[tilespmem:$0x18280] =	vst v63  }
0x10a: {  	s1 =	sadd.s32 s3, s29;
	s28 =	sadd.s32 $0x380, s15;
	s29 =	spop (v2sf);
	(v2sf) =	vpush v4, $0xB  }
0x10b: {  	[tilespmem:s0], [sflag:$0x1] =	stream.linear.gather [hbm4b:s1+s2], $0x80, $0x38;
	[tilespmem:$0x18280] =	vst v63  }
0x10c: {  	s0 =	sand.u32 $0x1FFFFFF0, s30;
	s1 =	sand.u32 $0x1FFFFFF0, s29;
	s29 =	spop (v2sf);
	(v2sf) =	vpush v4, $0xC  }
0x10d: {  	s0 =	sadd.s32 s3, s0;
	s29 =	sand.u32 $0x1FFFFFF0, s29;
	s30 =	spop (v2sf)  }
0x10e: {  	[tilespmem:s13], [sflag:$0x1] =	stream.linear.gather [hbm4b:s0+s2], $0x80, $0x38;
	(v2sf) =	vpush v4, $0xD;
	[tilespmem:$0x18280] =	vst v63  }
0x10f: {  	s0 =	sadd.s32 s3, s29;
	s13 =	sand.u32 $0x1FFFFFF0, s30;
	s29 =	spop (v2sf)  }
0x110: {  	[tilespmem:s28], [sflag:$0x1] =	stream.linear.gather [hbm4b:s0+s2], $0x80, $0x38;
	(v2sf) =	vpush v4, $0xE;
	[tilespmem:$0x18280] =	vst v63  }
0x111: {  	s0 =	sadd.s32 s3, s1;
	s1 =	sand.u32 $0x1FFFFFF0, s29;
	s28 =	spop (v2sf)  }
0x112: {  	[tilespmem:s4], [sflag:$0x1] =	stream.linear.gather [hbm4b:s0+s2], $0x80, $0x38;
	(v2sf) =	vpush v4, $0xF;
	[tilespmem:$0x18280] =	vst v63  }
0x113: {  	s0 =	sadd.s32 s3, s13;
	s4 =	sand.u32 $0x1FFFFFF0, s28;
	s13 =	spop (v2sf)  }
0x114: {  	[tilespmem:s26], [sflag:$0x1] =	stream.linear.gather [hbm4b:s0+s2], $0x80, $0x38;
	[tilespmem:$0x18280] =	vst v63  }
0x115: {  	s0 =	sadd.s32 s3, s1;
	s1 =	sand.u32 $0x1FFFFFF0, s13;
	s13 =	spop (v2sf)  }
0x116: {  	[tilespmem:s9], [sflag:$0x1] =	stream.linear.gather [hbm4b:s0+s2], $0x80, $0x38;
	[tilespmem:$0x18280] =	vst v63  }
0x117: {  	s0 =	sadd.s32 s3, s4;
	s4 =	sand.u32 $0x1FFFFFF0, s13;
	s9 =	spop (v2sf)  }
0x118: {  	[tilespmem:s24], [sflag:$0x1] =	stream.linear.gather [hbm4b:s0+s2], $0x80, $0x38;
	[tilespmem:$0x18280] =	vst v63  }
0x119: {  	s0 =	sadd.s32 s3, s1;
	s1 =	sand.u32 $0x1FFFFFF0, s9;
	s9 =	spop (v2sf)  }
0x11a: {  	[tilespmem:s23], [sflag:$0x1] =	stream.linear.gather [hbm4b:s0+s2], $0x80, $0x38;
	[tilespmem:$0x18280] =	vst v63  }
0x11b: {  	s0 =	sadd.s32 s3, s4;
	s4 =	sand.u32 $0x1FFFFFF0, s9;
	s9 =	spop (v2sf)  }
0x11c: {  	[tilespmem:s25], [sflag:$0x1] =	stream.linear.gather [hbm4b:s0+s2], $0x80, $0x38;
	[tilespmem:$0x18280] =	vst v63  }
0x11d: {  	s0 =	sadd.s32 s3, s1;
	s1 =	sand.u32 $0x1FFFFFF0, s9;
	s9 =	spop (v2sf)  }
0x11e: {  	[tilespmem:s22], [sflag:$0x1] =	stream.linear.gather [hbm4b:s0+s2], $0x80, $0x38;
	[tilespmem:$0x18280] =	vst v63  }
0x11f: {  	s0 =	sadd.s32 s3, s4;
	s4 =	sand.u32 $0x1FFFFFF0, s9;
	s9 =	spop (v2sf)  }
0x120: {  	[tilespmem:s21], [sflag:$0x1] =	stream.linear.gather [hbm4b:s0+s2], $0x80, $0x38;
	[tilespmem:$0x18280] =	vst v63  }
0x121: {  	s0 =	sadd.s32 s3, s1;
	s1 =	sand.u32 $0x1FFFFFF0, s9;
	s9 =	spop (v2sf)  }
0x122: {  	[tilespmem:s19], [sflag:$0x1] =	stream.linear.gather [hbm4b:s0+s2], $0x80, $0x38;
	[tilespmem:$0x18280] =	vst v63  }
0x123: {  	s0 =	sadd.s32 s3, s4;
	s4 =	sand.u32 $0x1FFFFFF0, s9  }
0x124: {  	[tilespmem:s20], [sflag:$0x1] =	stream.linear.gather [hbm4b:s0+s2], $0x80, $0x38;
	[tilespmem:$0x18280] =	vst v63  }
0x125: {  	s1 =	sadd.s32 s3, s1;
	s0 =	sadd.s32 $0x900, s15  }
0x126: {  	[tilespmem:s0], [sflag:$0x1] =	stream.linear.gather [hbm4b:s1+s2], $0x80, $0x38;
	[tilespmem:$0x18280] =	vst v63  }
0x127: {  	s0 =	sadd.s32 $0x980, s15;
	s1 =	sadd.s32 s3, s4  }
0x128: {  	[tilespmem:s0], [sflag:$0x1] =	stream.linear.gather [hbm4b:s1+s2], $0x80, $0x38;
	[tilespmem:$0x18280] =	vst v63  }
0x129: {  	v4 =	vld [tilespmem:s16+$0x0];
	_ =	sdelay $0x4  }
0x12a: {  	v4 =	vshll.u32 v4, $0x4  }
0x12b: {  	(v2sf) =	vpush v4, $0x0  }
0x12c: {  	(v2sf) =	vpush v4, $0x1  }
0x12d: {  	(v2sf) =	vpush v4, $0x2;
	_ =	sdelay $0x1  }
0x12e: {  	(v2sf) =	vpush v4, $0x4  }
.Ltmp3:
0x12f: {  	(pc) =	sbr.rel @p0 .LBB2_8-.Ltmp3, $3  }
0x130: {  	(v2sf) =	vpush v4, $0x3  }
0x131: {  	(v2sf) =	vpush v4, $0x5;
	_ =	sdelay $0x1  }
0x132: {  	s15 =	sshra.s32 s18, $0x2;
	(v2sf) =	vpush v4, $0x6  }
0x133: {  	_ =	sdelay $0x1  }
0x134: {  	s0 =	sadd.s32 $0x280, s15;
	s18 =	sadd.s32 $0x780, s15  }
0x135: {  	s1 =	sadd.s32 $0x580, s15;
	s16 =	sadd.s32 $0x800, s15;
	(v2sf) =	vpush v4, $0x7;
	s4 =	sadd.s32 $0x480, s15  }
0x136: {  	s9 =	sadd.s32 $0x600, s15;
	s17 =	sadd.s32 $0x880, s15;
	s13 =	sadd.s32 $0x200, s15  }
0x137: {  	s19 =	sadd.s32 $0x400, s15;
	s20 =	sadd.s32 $0x500, s15;
	(v2sf) =	vpush v4, $0x8;
	s21 =	spop (v2sf)  }
0x138: {  	s22 =	sadd.s32 $0x300, s15;
	s21 =	sand.u32 $0x1FFFFFF0, s21;
	s23 =	spop (v2sf)  }
0x139: {  	(v2sf) =	vpush v4, $0x9;
	s21 =	sadd.s32 s3, s21;
	s23 =	sand.u32 $0x1FFFFFF0, s23;
	s24 =	spop (v2sf)  }
0x13a: {  	[tilespmem:s13], [sflag:$0x1] =	stream.linear.gather [hbm4b:s21+s2], $0x80, $0x38;
	[tilespmem:$0x18280] =	vst v63  }
0x13b: {  	s25 =	sadd.s32 $0x380, s15;
	(v2sf) =	vpush v4, $0xA;
	s30 =	sadd.s32 s3, s23;
	s31 =	spop (v2sf)  }
0x13c: {  	[tilespmem:s0], [sflag:$0x1] =	stream.linear.gather [hbm4b:s30+s2], $0x80, $0x38;
	[tilespmem:$0x18280] =	vst v63  }
0x13d: {  	s13 =	sadd.s32 $0x700, s15;
	s24 =	sand.u32 $0x1FFFFFF0, s24;
	(v2sf) =	vpush v4, $0xB;
	s26 =	spop (v2sf)  }
0x13e: {  	s21 =	sadd.s32 s3, s24;
	s0 =	sadd.s32 $0x680, s15;
	s24 =	sand.u32 $0x1FFFFFF0, s26  }
0x13f: {  	(v2sf) =	vpush v4, $0xC;
	[tilespmem:s22], [sflag:$0x1] =	stream.linear.gather [hbm4b:s21+s2], $0x80, $0x38;
	[tilespmem:$0x18280] =	vst v63  }
0x140: {  	s28 =	sand.u32 $0x1FFFFFF0, s31;
	s29 =	spop (v2sf);
	s30 =	sadd.s32 s3, s24  }
0x141: {  	(v2sf) =	vpush v4, $0xD;
	[tilespmem:s25], [sflag:$0x1] =	stream.linear.gather [hbm4b:s30+s2], $0x80, $0x38;
	[tilespmem:$0x18280] =	vst v63  }
0x142: {  	s21 =	sadd.s32 s3, s28;
	s22 =	sand.u32 $0x1FFFFFF0, s29;
	s31 =	spop (v2sf)  }
0x143: {  	(v2sf) =	vpush v4, $0xE;
	[tilespmem:s19], [sflag:$0x1] =	stream.linear.gather [hbm4b:s21+s2], $0x80, $0x38;
	[tilespmem:$0x18280] =	vst v63  }
0x144: {  	s22 =	sadd.s32 s3, s22;
	s23 =	sand.u32 $0x1FFFFFF0, s31;
	s24 =	spop (v2sf)  }
0x145: {  	(v2sf) =	vpush v4, $0xF;
	[tilespmem:s4], [sflag:$0x1] =	stream.linear.gather [hbm4b:s22+s2], $0x80, $0x38;
	[tilespmem:$0x18280] =	vst v63  }
0x146: {  	s25 =	sand.u32 $0x1FFFFFF0, s24;
	s26 =	spop (v2sf);
	s19 =	sadd.s32 s3, s23  }
0x147: {  	[tilespmem:s20], [sflag:$0x1] =	stream.linear.gather [hbm4b:s19+s2], $0x80, $0x38;
	[tilespmem:$0x18280] =	vst v63  }
0x148: {  	s28 =	sand.u32 $0x1FFFFFF0, s26;
	s4 =	sadd.s32 s3, s25;
	s29 =	spop (v2sf)  }
0x149: {  	[tilespmem:s1], [sflag:$0x1] =	stream.linear.gather [hbm4b:s4+s2], $0x80, $0x38;
	[tilespmem:$0x18280] =	vst v63  }
0x14a: {  	s19 =	sadd.s32 s3, s28;
	s30 =	sand.u32 $0x1FFFFFF0, s29;
	s31 =	spop (v2sf)  }
0x14b: {  	[tilespmem:s9], [sflag:$0x1] =	stream.linear.gather [hbm4b:s19+s2], $0x80, $0x38;
	[tilespmem:$0x18280] =	vst v63  }
0x14c: {  	s4 =	sand.u32 $0x1FFFFFF0, s31;
	s1 =	sadd.s32 s3, s30;
	s19 =	spop (v2sf)  }
0x14d: {  	[tilespmem:s0], [sflag:$0x1] =	stream.linear.gather [hbm4b:s1+s2], $0x80, $0x38;
	[tilespmem:$0x18280] =	vst v63  }
0x14e: {  	s4 =	sadd.s32 s3, s4;
	s20 =	sand.u32 $0x1FFFFFF0, s19;
	s21 =	spop (v2sf)  }
0x14f: {  	[tilespmem:s13], [sflag:$0x1] =	stream.linear.gather [hbm4b:s4+s2], $0x80, $0x38;
	[tilespmem:$0x18280] =	vst v63  }
0x150: {  	s0 =	sadd.s32 s3, s20;
	s1 =	sand.u32 $0x1FFFFFF0, s21;
	s22 =	spop (v2sf)  }
0x151: {  	[tilespmem:s18], [sflag:$0x1] =	stream.linear.gather [hbm4b:s0+s2], $0x80, $0x38;
	[tilespmem:$0x18280] =	vst v63  }
0x152: {  	s23 =	sand.u32 $0x1FFFFFF0, s22;
	s1 =	sadd.s32 s3, s1;
	s24 =	spop (v2sf)  }
0x153: {  	[tilespmem:s16], [sflag:$0x1] =	stream.linear.gather [hbm4b:s1+s2], $0x80, $0x38;
	[tilespmem:$0x18280] =	vst v63  }
0x154: {  	s25 =	sand.u32 $0x1FFFFFF0, s24;
	s26 =	spop (v2sf);
	s0 =	sadd.s32 s3, s23  }
0x155: {  	[tilespmem:s17], [sflag:$0x1] =	stream.linear.gather [hbm4b:s0+s2], $0x80, $0x38;
	[tilespmem:$0x18280] =	vst v63  }
0x156: {  	s29 =	sadd.s32 $0x900, s15;
	s28 =	sand.u32 $0x1FFFFFF0, s26;
	s1 =	sadd.s32 s3, s25  }
0x157: {  	[tilespmem:s29], [sflag:$0x1] =	stream.linear.gather [hbm4b:s1+s2], $0x80, $0x38;
	[tilespmem:$0x18280] =	vst v63  }
0x158: {  	s30 =	sadd.s32 $0x980, s15;
	s0 =	sadd.s32 s3, s28  }
0x159: {  	[tilespmem:s30], [sflag:$0x1] =	stream.linear.gather [hbm4b:s0+s2], $0x80, $0x38;
	[tilespmem:$0x18280] =	vst v63  }
0x15a: {  	_ =	swait.ge [sflag:s12], $0x4000  }
0x15b: {  	[sflag:s12] =	ssyncset.done $0x0  }
0x15c: {  	s31 =	simm.s32 $0x0;
	[sflag:s12] =	ssyncadd.s32 $0xFFFFC000  }
0x15d: {  	v5 =	vld [tilespmem:s31+$0xC230]  }
0x15e: {  	v8 =	vld [tilespmem:s31+$0x4230]  }
0x15f: {  	v9 =	vld [tilespmem:s31+$0xC200]  }
0x160: {  	v10 =	vld [tilespmem:s31+$0x4200]  }
0x161: {  	v6 =	vld [tilespmem:s31+$0xC210]  }
0x162: {  	v7 =	vld [tilespmem:s31+$0x4210]  }
0x163: {  	v4 =	vld [tilespmem:s31+$0xC220];
	v11 =	vsub.f32 v5, v8  }
0x164: {  	s15 =	simm.s32 $0x80;
	v8 =	vld [tilespmem:s31+$0x4220]  }
0x165: {  	s16 =	simm.s32 $0x400;
	v5 =	vld [tilespmem:s15+$0xC230];
	v10 =	vsub.f32 v9, v10;
	v9 =	vmul.f32 v11, v11  }
.LBB2_10:
0x166: {  	p0 =	sne.s32 s16, $0xFE00;
	v11 =	vld [tilespmem:s15+$0x4230]  }
0x167: {  	v12 =	vld [tilespmem:s15+$0xC200];
	v10 =	vmul.f32 v10, v10;
	v7 =	vsub.f32 v6, v7;
	v1 =	vadd.f32 v9, v1  }
0x168: {  	v9 =	vld [tilespmem:s15+$0x4200]  }
.Ltmp4:
0x169: {  	v6 =	vld [tilespmem:s15+$0xC210];
	v2 =	vadd.f32 v10, v2;
	v10 =	vmul.f32 v7, v7;
	v8 =	vsub.f32 v4, v8;
	(pc) =	sbr.rel @p0 .LBB2_10-.Ltmp4, $4  }
0x16a: {  	v7 =	vld [tilespmem:s15+$0x4210]  }
0x16b: {  	v4 =	vld [tilespmem:s15+$0xC220];
	v11 =	vsub.f32 v5, v11;
	v3 =	vadd.f32 v10, v3;
	v13 =	vmul.f32 v8, v8  }
0x16c: {  	v8 =	vld [tilespmem:s15+$0x4220];
	s15 =	sshra.s32 s16, $0x2  }
0x16d: {  	s16 =	sadd.s32 $0x200, s16;
	v5 =	vld [tilespmem:s15+$0xC230];
	v10 =	vsub.f32 v12, v9;
	v9 =	vmul.f32 v11, v11;
	v0 =	vadd.f32 v13, v0  }
0x16e: {  	v11 =	vld [tilespmem:s15+$0x4230]  }
0x16f: {  	v12 =	vld [tilespmem:s15+$0xC200];
	s16 =	simm.s32 $0x180  }
0x170: {  	v15 =	vld [tilespmem:s16+$0x0]  }
0x171: {  	v13 =	vld [tilespmem:s15+$0x4200]  }
0x172: {  	v14 =	vld [tilespmem:s15+$0xC210];
	v6 =	vsub.f32 v6, v7;
	v10 =	vmul.f32 v10, v10  }
0x173: {  	v62 =	vld [tilespmem:s15+$0xC220];
	v4 =	vsub.f32 v4, v8  }
0x174: {  	v7 =	vld [tilespmem:s15+$0x4210];
	v6 =	vmul.f32 v6, v6;
	v10 =	vadd.f32 v10, v2  }
0x175: {  	v63 =	vld [tilespmem:s15+$0x4220];
	v2 =	vsub.f32 v5, v11;
	v5 =	vmul.f32 v4, v4;
	v4 =	vshll.u32 v15, $0x4  }
0x176: {  	v1 =	vadd.f32 v9, v1;
	(v2sf) =	vpush v4, $0x0  }
0x177: {  	v6 =	vadd.f32 v6, v3;
	(v2sf) =	vpush v4, $0x1  }
0x178: {  	v3 =	vsub.f32 v12, v13;
	(v2sf) =	vpush v4, $0x2  }
0x179: {  	v0 =	vadd.f32 v5, v0;
	v2 =	vmul.f32 v2, v2;
	v5 =	vsub.f32 v14, v7  }
0x17a: {  	v3 =	vmul.f32 v3, v3;
	v7 =	vsub.f32 v62, v63;
	(v2sf) =	vpush v4, $0x4  }
0x17b: {  	v2 =	vadd.f32 v2, v1;
	v1 =	vmul.f32 v5, v5  }
0x17c: {  	v3 =	vadd.f32 v3, v10;
	v5 =	vmul.f32 v7, v7;
	(v2sf) =	vpush v4, $0x3  }
0x17d: {  	v1 =	vadd.f32 v1, v6;
	(v2sf) =	vpush v4, $0x5  }
0x17e: {  	s17 =	simm.s32 $0x2000;
	s15 =	simm.s32 $0x0;
	v0 =	vadd.f32 v5, v0;
	(v2sf) =	vpush v4, $0x6  }
.LBB2_12:
0x17f: {  	p0 =	sne.s32 s17, $0xE000  }
0x180: {  	s0 =	sadd.s32 $0x4280, s15;
	s21 =	sadd.s32 $0x4780, s15;
	s18 =	smov.u32 s17  }
0x181: {  	s17 =	sadd.s32 $0x2000, s17;
	s24 =	sadd.s32 $0x4580, s15;
	s19 =	sadd.s32 $0x4800, s15;
	(v2sf) =	vpush v4, $0x7  }
0x182: {  	s26 =	sadd.s32 $0x4480, s15;
	s23 =	sadd.s32 $0x4600, s15;
	s20 =	sadd.s32 $0x4880, s15  }
0x183: {  	s1 =	sadd.s32 $0x4200, s15;
	s4 =	sadd.s32 $0x4400, s15;
	(v2sf) =	vpush v4, $0x8  }
0x184: {  	s9 =	sadd.s32 $0x4500, s15;
	s16 =	sadd.s32 $0x10, s16  }
0x185: {  	s13 =	sadd.s32 $0x4300, s15;
	s22 =	sadd.s32 $0x4700, s15;
	s25 =	spop (v2sf);
	(v2sf) =	vpush v4, $0x9  }
0x186: {  	s28 =	sand.u32 $0x1FFFFFF0, s25;
	s25 =	sadd.s32 $0x4680, s15;
	s29 =	spop (v2sf)  }
0x187: {  	s28 =	sadd.s32 s3, s28;
	s29 =	sand.u32 $0x1FFFFFF0, s29;
	s30 =	spop (v2sf);
	(v2sf) =	vpush v4, $0xA  }
0x188: {  	[tilespmem:s1], [sflag:$0x2] =	stream.linear.gather [hbm4b:s28+s2], $0x80, $0x38;
	[tilespmem:$0x18280] =	vst v63  }
0x189: {  	s1 =	sadd.s32 s3, s29;
	s28 =	sadd.s32 $0x4380, s15;
	s29 =	spop (v2sf);
	(v2sf) =	vpush v4, $0xB  }
0x18a: {  	[tilespmem:s0], [sflag:$0x2] =	stream.linear.gather [hbm4b:s1+s2], $0x80, $0x38;
	[tilespmem:$0x18280] =	vst v63  }
0x18b: {  	s0 =	sand.u32 $0x1FFFFFF0, s30;
	s1 =	sand.u32 $0x1FFFFFF0, s29;
	s29 =	spop (v2sf);
	(v2sf) =	vpush v4, $0xC  }
0x18c: {  	s0 =	sadd.s32 s3, s0;
	s29 =	sand.u32 $0x1FFFFFF0, s29;
	s30 =	spop (v2sf)  }
0x18d: {  	[tilespmem:s13], [sflag:$0x2] =	stream.linear.gather [hbm4b:s0+s2], $0x80, $0x38;
	(v2sf) =	vpush v4, $0xD;
	[tilespmem:$0x18280] =	vst v63  }
0x18e: {  	s0 =	sadd.s32 s3, s29;
	s13 =	sand.u32 $0x1FFFFFF0, s30;
	s29 =	spop (v2sf)  }
0x18f: {  	[tilespmem:s28], [sflag:$0x2] =	stream.linear.gather [hbm4b:s0+s2], $0x80, $0x38;
	(v2sf) =	vpush v4, $0xE;
	[tilespmem:$0x18280] =	vst v63  }
0x190: {  	s0 =	sadd.s32 s3, s1;
	s1 =	sand.u32 $0x1FFFFFF0, s29;
	s28 =	spop (v2sf)  }
0x191: {  	[tilespmem:s4], [sflag:$0x2] =	stream.linear.gather [hbm4b:s0+s2], $0x80, $0x38;
	(v2sf) =	vpush v4, $0xF;
	[tilespmem:$0x18280] =	vst v63  }
0x192: {  	s0 =	sadd.s32 s3, s13;
	s4 =	sand.u32 $0x1FFFFFF0, s28;
	s13 =	spop (v2sf)  }
0x193: {  	[tilespmem:s26], [sflag:$0x2] =	stream.linear.gather [hbm4b:s0+s2], $0x80, $0x38;
	[tilespmem:$0x18280] =	vst v63  }
0x194: {  	s0 =	sadd.s32 s3, s1;
	s1 =	sand.u32 $0x1FFFFFF0, s13;
	s13 =	spop (v2sf)  }
0x195: {  	[tilespmem:s9], [sflag:$0x2] =	stream.linear.gather [hbm4b:s0+s2], $0x80, $0x38;
	[tilespmem:$0x18280] =	vst v63  }
0x196: {  	s0 =	sadd.s32 s3, s4;
	s4 =	sand.u32 $0x1FFFFFF0, s13;
	s9 =	spop (v2sf)  }
0x197: {  	[tilespmem:s24], [sflag:$0x2] =	stream.linear.gather [hbm4b:s0+s2], $0x80, $0x38;
	[tilespmem:$0x18280] =	vst v63  }
0x198: {  	s0 =	sadd.s32 s3, s1;
	s1 =	sand.u32 $0x1FFFFFF0, s9;
	s9 =	spop (v2sf)  }
0x199: {  	[tilespmem:s23], [sflag:$0x2] =	stream.linear.gather [hbm4b:s0+s2], $0x80, $0x38;
	[tilespmem:$0x18280] =	vst v63  }
0x19a: {  	s0 =	sadd.s32 s3, s4;
	s4 =	sand.u32 $0x1FFFFFF0, s9;
	s9 =	spop (v2sf)  }
0x19b: {  	[tilespmem:s25], [sflag:$0x2] =	stream.linear.gather [hbm4b:s0+s2], $0x80, $0x38;
	[tilespmem:$0x18280] =	vst v63  }
0x19c: {  	s0 =	sadd.s32 s3, s1;
	s1 =	sand.u32 $0x1FFFFFF0, s9;
	s9 =	spop (v2sf)  }
0x19d: {  	[tilespmem:s22], [sflag:$0x2] =	stream.linear.gather [hbm4b:s0+s2], $0x80, $0x38;
	[tilespmem:$0x18280] =	vst v63  }
0x19e: {  	s0 =	sadd.s32 s3, s4;
	s4 =	sand.u32 $0x1FFFFFF0, s9;
	s9 =	spop (v2sf)  }
0x19f: {  	[tilespmem:s21], [sflag:$0x2] =	stream.linear.gather [hbm4b:s0+s2], $0x80, $0x38;
	[tilespmem:$0x18280] =	vst v63  }
0x1a0: {  	s0 =	sadd.s32 s3, s1;
	s1 =	sand.u32 $0x1FFFFFF0, s9;
	s9 =	spop (v2sf)  }
0x1a1: {  	[tilespmem:s19], [sflag:$0x2] =	stream.linear.gather [hbm4b:s0+s2], $0x80, $0x38;
	[tilespmem:$0x18280] =	vst v63  }
0x1a2: {  	s0 =	sadd.s32 s3, s4;
	s4 =	sand.u32 $0x1FFFFFF0, s9  }
0x1a3: {  	[tilespmem:s20], [sflag:$0x2] =	stream.linear.gather [hbm4b:s0+s2], $0x80, $0x38;
	[tilespmem:$0x18280] =	vst v63  }
0x1a4: {  	s1 =	sadd.s32 s3, s1;
	s0 =	sadd.s32 $0x4900, s15  }
0x1a5: {  	[tilespmem:s0], [sflag:$0x2] =	stream.linear.gather [hbm4b:s1+s2], $0x80, $0x38;
	[tilespmem:$0x18280] =	vst v63  }
0x1a6: {  	s0 =	sadd.s32 $0x4980, s15;
	s1 =	sadd.s32 s3, s4  }
0x1a7: {  	[tilespmem:s0], [sflag:$0x2] =	stream.linear.gather [hbm4b:s1+s2], $0x80, $0x38;
	[tilespmem:$0x18280] =	vst v63  }
0x1a8: {  	v4 =	vld [tilespmem:s16+$0x0];
	_ =	sdelay $0x4  }
0x1a9: {  	v4 =	vshll.u32 v4, $0x4  }
0x1aa: {  	(v2sf) =	vpush v4, $0x0  }
0x1ab: {  	(v2sf) =	vpush v4, $0x1  }
0x1ac: {  	(v2sf) =	vpush v4, $0x2;
	_ =	sdelay $0x1  }
0x1ad: {  	(v2sf) =	vpush v4, $0x4  }
.Ltmp5:
0x1ae: {  	(pc) =	sbr.rel @p0 .LBB2_12-.Ltmp5, $3  }
0x1af: {  	(v2sf) =	vpush v4, $0x3  }
0x1b0: {  	(v2sf) =	vpush v4, $0x5;
	_ =	sdelay $0x1  }
0x1b1: {  	s15 =	sshra.s32 s18, $0x2;
	(v2sf) =	vpush v4, $0x6  }
0x1b2: {  	_ =	sdelay $0x1  }
0x1b3: {  	s0 =	sadd.s32 $0x4280, s15;
	s18 =	sadd.s32 $0x4780, s15  }
0x1b4: {  	s1 =	sadd.s32 $0x4580, s15;
	s16 =	sadd.s32 $0x4800, s15;
	(v2sf) =	vpush v4, $0x7;
	s4 =	sadd.s32 $0x4480, s15  }
0x1b5: {  	s9 =	sadd.s32 $0x4600, s15;
	s17 =	sadd.s32 $0x4880, s15;
	s13 =	sadd.s32 $0x4200, s15  }
0x1b6: {  	s19 =	sadd.s32 $0x4400, s15;
	s20 =	sadd.s32 $0x4500, s15;
	(v2sf) =	vpush v4, $0x8;
	s21 =	spop (v2sf)  }
0x1b7: {  	s22 =	sadd.s32 $0x4300, s15;
	s21 =	sand.u32 $0x1FFFFFF0, s21;
	s23 =	spop (v2sf)  }
0x1b8: {  	(v2sf) =	vpush v4, $0x9;
	s21 =	sadd.s32 s3, s21;
	s23 =	sand.u32 $0x1FFFFFF0, s23;
	s24 =	spop (v2sf)  }
0x1b9: {  	[tilespmem:s13], [sflag:$0x2] =	stream.linear.gather [hbm4b:s21+s2], $0x80, $0x38;
	[tilespmem:$0x18280] =	vst v63  }
0x1ba: {  	s25 =	sadd.s32 $0x4380, s15;
	(v2sf) =	vpush v4, $0xA;
	s30 =	sadd.s32 s3, s23;
	s31 =	spop (v2sf)  }
0x1bb: {  	[tilespmem:s0], [sflag:$0x2] =	stream.linear.gather [hbm4b:s30+s2], $0x80, $0x38;
	[tilespmem:$0x18280] =	vst v63  }
0x1bc: {  	s13 =	sadd.s32 $0x4700, s15;
	s24 =	sand.u32 $0x1FFFFFF0, s24;
	(v2sf) =	vpush v4, $0xB;
	s26 =	spop (v2sf)  }
0x1bd: {  	s21 =	sadd.s32 s3, s24;
	s0 =	sadd.s32 $0x4680, s15;
	s24 =	sand.u32 $0x1FFFFFF0, s26  }
0x1be: {  	(v2sf) =	vpush v4, $0xC;
	[tilespmem:s22], [sflag:$0x2] =	stream.linear.gather [hbm4b:s21+s2], $0x80, $0x38;
	[tilespmem:$0x18280] =	vst v63  }
0x1bf: {  	s28 =	sand.u32 $0x1FFFFFF0, s31;
	s29 =	spop (v2sf);
	s30 =	sadd.s32 s3, s24  }
0x1c0: {  	(v2sf) =	vpush v4, $0xD;
	[tilespmem:s25], [sflag:$0x2] =	stream.linear.gather [hbm4b:s30+s2], $0x80, $0x38;
	[tilespmem:$0x18280] =	vst v63  }
0x1c1: {  	s21 =	sadd.s32 s3, s28;
	s22 =	sand.u32 $0x1FFFFFF0, s29;
	s31 =	spop (v2sf)  }
0x1c2: {  	(v2sf) =	vpush v4, $0xE;
	[tilespmem:s19], [sflag:$0x2] =	stream.linear.gather [hbm4b:s21+s2], $0x80, $0x38;
	[tilespmem:$0x18280] =	vst v63  }
0x1c3: {  	s22 =	sadd.s32 s3, s22;
	s23 =	sand.u32 $0x1FFFFFF0, s31;
	s24 =	spop (v2sf)  }
0x1c4: {  	(v2sf) =	vpush v4, $0xF;
	[tilespmem:s4], [sflag:$0x2] =	stream.linear.gather [hbm4b:s22+s2], $0x80, $0x38;
	[tilespmem:$0x18280] =	vst v63  }
0x1c5: {  	s25 =	sand.u32 $0x1FFFFFF0, s24;
	s26 =	spop (v2sf);
	s19 =	sadd.s32 s3, s23  }
0x1c6: {  	[tilespmem:s20], [sflag:$0x2] =	stream.linear.gather [hbm4b:s19+s2], $0x80, $0x38;
	[tilespmem:$0x18280] =	vst v63  }
0x1c7: {  	s28 =	sand.u32 $0x1FFFFFF0, s26;
	s4 =	sadd.s32 s3, s25;
	s29 =	spop (v2sf)  }
0x1c8: {  	[tilespmem:s1], [sflag:$0x2] =	stream.linear.gather [hbm4b:s4+s2], $0x80, $0x38;
	[tilespmem:$0x18280] =	vst v63  }
0x1c9: {  	s19 =	sadd.s32 s3, s28;
	s30 =	sand.u32 $0x1FFFFFF0, s29;
	s31 =	spop (v2sf)  }
0x1ca: {  	[tilespmem:s9], [sflag:$0x2] =	stream.linear.gather [hbm4b:s19+s2], $0x80, $0x38;
	[tilespmem:$0x18280] =	vst v63  }
0x1cb: {  	s4 =	sand.u32 $0x1FFFFFF0, s31;
	s1 =	sadd.s32 s3, s30;
	s19 =	spop (v2sf)  }
0x1cc: {  	[tilespmem:s0], [sflag:$0x2] =	stream.linear.gather [hbm4b:s1+s2], $0x80, $0x38;
	[tilespmem:$0x18280] =	vst v63  }
0x1cd: {  	s4 =	sadd.s32 s3, s4;
	s20 =	sand.u32 $0x1FFFFFF0, s19;
	s21 =	spop (v2sf)  }
0x1ce: {  	[tilespmem:s13], [sflag:$0x2] =	stream.linear.gather [hbm4b:s4+s2], $0x80, $0x38;
	[tilespmem:$0x18280] =	vst v63  }
0x1cf: {  	s0 =	sadd.s32 s3, s20;
	s1 =	sand.u32 $0x1FFFFFF0, s21;
	s22 =	spop (v2sf)  }
0x1d0: {  	[tilespmem:s18], [sflag:$0x2] =	stream.linear.gather [hbm4b:s0+s2], $0x80, $0x38;
	[tilespmem:$0x18280] =	vst v63  }
0x1d1: {  	s23 =	sand.u32 $0x1FFFFFF0, s22;
	s1 =	sadd.s32 s3, s1;
	s24 =	spop (v2sf)  }
0x1d2: {  	[tilespmem:s16], [sflag:$0x2] =	stream.linear.gather [hbm4b:s1+s2], $0x80, $0x38;
	[tilespmem:$0x18280] =	vst v63  }
0x1d3: {  	s25 =	sand.u32 $0x1FFFFFF0, s24;
	s26 =	spop (v2sf);
	s0 =	sadd.s32 s3, s23  }
0x1d4: {  	[tilespmem:s17], [sflag:$0x2] =	stream.linear.gather [hbm4b:s0+s2], $0x80, $0x38;
	[tilespmem:$0x18280] =	vst v63  }
0x1d5: {  	s29 =	sadd.s32 $0x4900, s15;
	s28 =	sand.u32 $0x1FFFFFF0, s26;
	s1 =	sadd.s32 s3, s25  }
0x1d6: {  	[tilespmem:s29], [sflag:$0x2] =	stream.linear.gather [hbm4b:s1+s2], $0x80, $0x38;
	[tilespmem:$0x18280] =	vst v63  }
0x1d7: {  	s30 =	sadd.s32 $0x4980, s15;
	s0 =	sadd.s32 s3, s28  }
0x1d8: {  	[tilespmem:s30], [sflag:$0x2] =	stream.linear.gather [hbm4b:s0+s2], $0x80, $0x38;
	[tilespmem:$0x18280] =	vst v63  }
0x1d9: {  	_ =	swait.ge [sflag:s11], $0x4000  }
0x1da: {  	[sflag:s11] =	ssyncset.done $0x0  }
0x1db: {  	s31 =	simm.s32 $0x0;
	[sflag:s11] =	ssyncadd.s32 $0xFFFFC000  }
0x1dc: {  	v6 =	vld [tilespmem:s31+$0x10230]  }
0x1dd: {  	v8 =	vld [tilespmem:s31+$0x230]  }
0x1de: {  	v9 =	vld [tilespmem:s31+$0x10200]  }
0x1df: {  	v10 =	vld [tilespmem:s31+$0x200]  }
0x1e0: {  	v5 =	vld [tilespmem:s31+$0x10210]  }
0x1e1: {  	v7 =	vld [tilespmem:s31+$0x210]  }
0x1e2: {  	v4 =	vld [tilespmem:s31+$0x10220];
	v11 =	vsub.f32 v6, v8  }
0x1e3: {  	s15 =	simm.s32 $0x80;
	v8 =	vld [tilespmem:s31+$0x220]  }
0x1e4: {  	s16 =	simm.s32 $0x400;
	v6 =	vld [tilespmem:s15+$0x10230];
	v10 =	vsub.f32 v9, v10;
	v9 =	vmul.f32 v11, v11  }
.LBB2_14:
0x1e5: {  	p0 =	sne.s32 s16, $0xFE00;
	v11 =	vld [tilespmem:s15+$0x230]  }
0x1e6: {  	v12 =	vld [tilespmem:s15+$0x10200];
	v10 =	vmul.f32 v10, v10;
	v7 =	vsub.f32 v5, v7;
	v2 =	vadd.f32 v9, v2  }
0x1e7: {  	v9 =	vld [tilespmem:s15+$0x200]  }
.Ltmp6:
0x1e8: {  	v5 =	vld [tilespmem:s15+$0x10210];
	v3 =	vadd.f32 v10, v3;
	v10 =	vmul.f32 v7, v7;
	v8 =	vsub.f32 v4, v8;
	(pc) =	sbr.rel @p0 .LBB2_14-.Ltmp6, $4  }
0x1e9: {  	v7 =	vld [tilespmem:s15+$0x210]  }
0x1ea: {  	v4 =	vld [tilespmem:s15+$0x10220];
	v11 =	vsub.f32 v6, v11;
	v1 =	vadd.f32 v10, v1;
	v13 =	vmul.f32 v8, v8  }
0x1eb: {  	v8 =	vld [tilespmem:s15+$0x220];
	s15 =	sshra.s32 s16, $0x2  }
0x1ec: {  	s16 =	sadd.s32 $0x200, s16;
	v6 =	vld [tilespmem:s15+$0x10230];
	v10 =	vsub.f32 v12, v9;
	v9 =	vmul.f32 v11, v11;
	v0 =	vadd.f32 v13, v0  }
0x1ed: {  	v11 =	vld [tilespmem:s15+$0x230]  }
0x1ee: {  	v12 =	vld [tilespmem:s15+$0x10200]  }
0x1ef: {  	v13 =	vld [tilespmem:s15+$0x200]  }
0x1f0: {  	v14 =	vld [tilespmem:s15+$0x10210]  }
0x1f1: {  	v15 =	vld [tilespmem:s15+$0x210]  }
0x1f2: {  	v16 =	vld [tilespmem:s15+$0x10220]  }
0x1f3: {  	v17 =	vld [tilespmem:s15+$0x220];
	_ =	swait.ge [sflag:s12], $0x4000  }
0x1f4: {  	[sflag:s12] =	ssyncset.done $0x0  }
0x1f5: {  	s0 =	simm.s32 $0x0;
	[sflag:s12] =	ssyncadd.s32 $0xFFFFC000  }
0x1f6: {  	v10 =	vmul.f32 v10, v10;
	v5 =	vsub.f32 v5, v7;
	v18 =	vld [tilespmem:s0+$0x14230]  }
0x1f7: {  	v2 =	vadd.f32 v9, v2;
	v4 =	vsub.f32 v4, v8;
	v8 =	vld [tilespmem:s0+$0x4230]  }
0x1f8: {  	v3 =	vadd.f32 v10, v3;
	v5 =	vmul.f32 v5, v5;
	v9 =	vld [tilespmem:s0+$0x14200];
	v6 =	vsub.f32 v6, v11  }
0x1f9: {  	v62 =	vld [tilespmem:s0+$0x4200];
	v7 =	vsub.f32 v12, v13;
	v10 =	vmul.f32 v4, v4;
	v11 =	vsub.f32 v14, v15  }
0x1fa: {  	v1 =	vadd.f32 v5, v1;
	v4 =	vld [tilespmem:s0+$0x14210];
	v5 =	vmul.f32 v6, v6;
	v6 =	vsub.f32 v16, v17  }
0x1fb: {  	v10 =	vadd.f32 v10, v0;
	v13 =	vmul.f32 v7, v7;
	v11 =	vmul.f32 v11, v11;
	v7 =	vld [tilespmem:s0+$0x4210]  }
0x1fc: {  	v63 =	vsub.f32 v18, v8;
	v8 =	vld [tilespmem:s0+$0x4220];
	v0 =	vadd.f32 v5, v2;
	v5 =	vmul.f32 v6, v6  }
0x1fd: {  	s15 =	simm.s32 $0x80;
	v6 =	vld [tilespmem:s0+$0x14220];
	v2 =	vadd.f32 v13, v3;
	v3 =	vadd.f32 v11, v1  }
0x1fe: {  	s16 =	simm.s32 $0x400;
	v1 =	vadd.f32 v5, v10;
	v5 =	vld [tilespmem:s15+$0x14230];
	v10 =	vsub.f32 v9, v62;
	v9 =	vmul.f32 v63, v63  }
.LBB2_16:
0x1ff: {  	p0 =	sne.s32 s16, $0xFE00;
	v11 =	vld [tilespmem:s15+$0x4230]  }
0x200: {  	v12 =	vld [tilespmem:s15+$0x14200];
	v10 =	vmul.f32 v10, v10;
	v7 =	vsub.f32 v4, v7;
	v0 =	vadd.f32 v9, v0  }
0x201: {  	v9 =	vld [tilespmem:s15+$0x4200]  }
.Ltmp7:
0x202: {  	v4 =	vld [tilespmem:s15+$0x14210];
	v2 =	vadd.f32 v10, v2;
	v10 =	vmul.f32 v7, v7;
	v8 =	vsub.f32 v6, v8;
	(pc) =	sbr.rel @p0 .LBB2_16-.Ltmp7, $4  }
0x203: {  	v7 =	vld [tilespmem:s15+$0x4210]  }
0x204: {  	v6 =	vld [tilespmem:s15+$0x14220];
	v11 =	vsub.f32 v5, v11;
	v3 =	vadd.f32 v10, v3;
	v13 =	vmul.f32 v8, v8  }
0x205: {  	v8 =	vld [tilespmem:s15+$0x4220];
	s15 =	sshra.s32 s16, $0x2  }
0x206: {  	s16 =	sadd.s32 $0x200, s16;
	v5 =	vld [tilespmem:s15+$0x14230];
	v10 =	vsub.f32 v12, v9;
	v9 =	vmul.f32 v11, v11;
	v1 =	vadd.f32 v13, v1  }
0x207: {  	v11 =	vld [tilespmem:s15+$0x14200]  }
0x208: {  	v12 =	vld [tilespmem:s15+$0x4200]  }
0x209: {  	v13 =	vld [tilespmem:s15+$0x14210]  }
0x20a: {  	v14 =	vld [tilespmem:s15+$0x4210]  }
0x20b: {  	v15 =	vld [tilespmem:s15+$0x14220]  }
0x20c: {  	v56 =	vld [tilespmem:s15+$0x4220];
	v4 =	vsub.f32 v4, v7  }
0x20d: {  	v16 =	vld [tilespmem:s15+$0x4230]  }
0x20e: {  	v57 =	vmul.f32 v10, v10;
	v6 =	vsub.f32 v6, v8;
	v4 =	vmul.f32 v4, v4  }
0x20f: {  	v58 =	vsub.f32 v11, v12;
	v59 =	vsub.f32 v13, v14  }
0x210: {  	v2 =	vadd.f32 v57, v2;
	v3 =	vadd.f32 v4, v3;
	v60 =	vmul.f32 v6, v6  }
0x211: {  	v7 =	vsub.f32 v15, v56;
	v61 =	vmul.f32 v58, v58;
	v62 =	vmul.f32 v59, v59  }
0x212: {  	v5 =	vsub.f32 v5, v16;
	v1 =	vadd.f32 v60, v1  }
0x213: {  	v63 =	vmul.f32 v7, v7;
	v2 =	vadd.f32 v61, v2;
	v3 =	vadd.f32 v62, v3  }
0x214: {  	v0 =	vadd.f32 v9, v0  }
0x215: {  	v5 =	vmul.f32 v5, v5;
	v1 =	vadd.f32 v63, v1;
	v2 =	vadd.f32 v3, v2;
	_ =	sdelay $0x1  }
0x216: {  	v0 =	vadd.f32 v5, v0;
	v1 =	vadd.f32 v1, v2;
	_ =	sdelay $0x1  }
0x217: {  	s14 =	sadd.s32 $0x1, s14;
	v0 =	vadd.f32 v0, v1  }
0x218: {  	p0 =	sne.s32 s14, s7  }
.Ltmp8:
0x219: {  	s0 =	simm.s32 $0x18200;
	[tilespmem:$0x18200] =	vst v0;
	(pc) =	sbr.rel @p0 .LBB2_1-.Ltmp8, $4  }
0x21a: {  	[hbm4b:s6+s2] =	stream.linear.scatter [tilespmem:s0], [sflag:$0x4], $0x80, $0x38;
	[tilespmem:$0x18280] =	vst v63  }
0x21b: {  	_ =	swait.ge [sflag:s8], $0x80  }
0x21c: {  	[sflag:s8] =	ssyncset.done $0x0  }
0x21d: {  	[sflag:s8] =	ssyncadd.s32 $0xFFFFFF80  }
0x21e: {  	_ =	sfence.sel $0x180000  }
0x21f: {  	[bflag:$0x0] =	sbarrier.arrive $0xFFFF  }
0x220: {  	_ =	strace $0x90000047  }
0x221: {  	s0 =	stileid.u32;
	[bflag:$0x2] =	sbarrier.arrive $0xFFFF  }
0x222: {  	p0 =	sne.s32 s0, $0x0;
	s0 =	rddreg [dreg:$0x2]  }
0x223: {  	s0 =	sadd.s32 @!p0 $0x100000, s0  }
0x224: {  	[sflag:s0] =	ssyncadd.tile.s32 @!p0 $0x1;
	_ =	shalt  }
.Lfunc_end2:
_tile_overlayer_lowered:
.L_overlay_start_2:
0x225: {  	(tag) =	ssettag $0x2  }
0x226: {  	s0 =	rddreg [dreg:$0x0];
	s2 =	stileid.u32  }
0x227: {  	s1 =	rddreg [dreg:$0x1];
	p0 =	sne.s32 s2, $0x0  }
0x228: {  	s3 =	rddreg [dreg:$0x2];
	[bflag:$0x3] =	sbarrier.arrive $0xFFFF;
	s2 =	simm.s32 @!p0 $0x1C04  }
0x229: {  	[timem:s3], [sflag:s2] =	dma.local @!p0 [hbm:s0], s1  }
0x22a: {  	s0 =	simm.s32 @!p0 $0x4  }
0x22b: {  	_ =	swait.ge @!p0 [sflag:s0], s1  }
0x22c: {  	s1 =	ssub.s32 @!p0 $0x0, s1;
	[sflag:s0] =	ssyncset.done @!p0 $0x0  }
0x22d: {  	[sflag:s0] =	ssyncadd.s32 @!p0 s1  }
0x22e: {  	[bflag:$0x3] =	sbarrier.arrive $0xFFFF  }
0x22f: {  	_ =	shalt  }

</sc_bundles>
